<compile_context>
chip_gen: v7x
topology: tpu7x:2x2x1
jax: 0.10.2.dev20260603
libtpu: 0.0.44.dev20260713+nightly
codegen_flags: <defaults>
</compile_context>

<pallas_src>
import functools

import numpy as np
import jax
import jax.numpy as jnp
from jax import lax
from jax.experimental import pallas as pl
from jax.experimental.pallas import tpu as pltpu
from jax.experimental.pallas import tpu_sc as plsc

N_NODES = 10000
N_EDGES = 320000
D_IN = 128
D_OUT = 128
T = 4

NC, NS = 2, 16
NW = NC * NS
EPW = N_EDGES // NW
S = 40
CHUNKS = EPW // S
NPAD = 10240
RPT = NPAD // NS
BF = 2000
BD = 2048
BE = 3200

_P = np.empty((T * D_OUT,), np.int32)
for _blk in range(T * D_OUT // 32):
    _c = _blk * 32
    for _i in range(16):
        _P[_c + 2 * _i] = _c + _i
        _P[_c + 2 * _i + 1] = _c + 16 + _i


def _matmul_body(x_ref, we_ref, wo_ref, wself_ref, y_ref, s_ref):
    xb = x_ref[...]
    lo = jnp.dot(xb, we_ref[...], preferred_element_type=jnp.float32)
    hi = jnp.dot(xb, wo_ref[...], preferred_element_type=jnp.float32)
    lo16 = lax.bitcast_convert_type(lo.astype(jnp.bfloat16), jnp.uint16)
    hi16 = lax.bitcast_convert_type(hi.astype(jnp.bfloat16), jnp.uint16)
    y_ref[...] = lo16.astype(jnp.int32) | (hi16.astype(jnp.int32) << 16)
    s_ref[...] = jnp.dot(xb, wself_ref[...], preferred_element_type=jnp.float32)


def _edge_body(y_hbm, src_hbm, tgt_hbm, a0_hbm, a1_hbm, a2_hbm, a3_hbm,
               parts_hbm, degparts_hbm,
               srcv0, srcv1, tgtv0, tgtv1, attrv0, attrv1, tsc0, tsc1,
               rows0, rows1, msg0, msg1, degv, aggsh,
               gsem0, gsem1, ssem0, ssem1, isem0, isem1):
    cid = lax.axis_index("c")
    sid = lax.axis_index("s")
    wid = cid * NS + sid

    srcv = (srcv0, srcv1)
    tgtv = (tgtv0, tgtv1)
    attrv = (attrv0, attrv1)
    tsc = (tsc0, tsc1)
    rows = (rows0, rows1)
    msg = (msg0, msg1)
    gsem = (gsem0, gsem1)
    ssem = (ssem0, ssem1)
    isem = (isem0, isem1)

    zero16 = jnp.zeros((16,), jnp.float32)
    one16 = jnp.ones((16,), jnp.float32)
    lane0 = lax.iota(jnp.int32, 16) == 0

    def zmsg(r, _):
        for g in range(D_OUT // 16):
            msg0[r, pl.ds(g * 16, 16)] = zero16
        return 0
    lax.fori_loop(0, S, zmsg, 0)

    def zdeg(r, _):
        degv[pl.ds(r * 16, 16)] = zero16
        return 0
    lax.fori_loop(0, NPAD // 16, zdeg, 0)

    for j in range(RPT // S):
        pltpu.sync_copy(msg0, aggsh.at[pl.ds(sid * RPT + j * S, S)])

    plsc.subcore_barrier()

    ebase = wid * EPW

    ahbm = (a0_hbm, a1_hbm, a2_hbm, a3_hbm)

    def issue_idx(j, b):
        base = ebase + j * S
        pltpu.async_copy(src_hbm.at[pl.ds(base, S)], srcv[b], isem[b])
        pltpu.async_copy(tgt_hbm.at[pl.ds(base, S)], tgtv[b], isem[b])
        for t in range(T):
            pltpu.async_copy(ahbm[t].at[pl.ds(base, S)],
                             attrv[b].at[pl.ds(t * S, S)], isem[b])

    def wait_idx(j, b):
        base = ebase + j * S
        pltpu.make_async_copy(src_hbm.at[pl.ds(base, S)], srcv[b], isem[b]).wait()
        pltpu.make_async_copy(tgt_hbm.at[pl.ds(base, S)], tgtv[b], isem[b]).wait()
        for t in range(T):
            pltpu.make_async_copy(ahbm[t].at[pl.ds(base, S)],
                                  attrv[b].at[pl.ds(t * S, S)], isem[b]).wait()

    issue_idx(0, 0)
    issue_idx(1, 1)
    wait_idx(0, 0)
    pltpu.async_copy(y_hbm.at[srcv[0]], rows[0], gsem[0])

    def outer(i, _):
        for b in range(2):
            j = i * 2 + b
            nb = b ^ 1
            rv, mv, av = rows[b], msg[b], attrv[b]
            pltpu.make_async_copy(y_hbm.at[srcv[b]], rv, gsem[b]).wait()

            @pl.when(j >= 1)
            def _():
                pltpu.make_async_copy(
                    msg[nb], aggsh.at[tsc[nb]], ssem[nb]).wait()

            for q in (0, 16, S - 16):
                tsc[b][pl.ds(q, 16)] = tgtv[b][pl.ds(q, 16)]

            @pl.when(j + 1 < CHUNKS)
            def _():
                wait_idx(j + 1, nb)
                pltpu.async_copy(y_hbm.at[srcv[nb]], rows[nb], gsem[nb])

            @plsc.parallel_loop(0, S, unroll=4)
            def _(e):
                a0 = plsc.load_gather(av, [jnp.full((16,), e, jnp.int32)])
                a1 = plsc.load_gather(av, [jnp.full((16,), S + e, jnp.int32)])
                a2 = plsc.load_gather(av, [jnp.full((16,), 2 * S + e, jnp.int32)])
                a3 = plsc.load_gather(av, [jnp.full((16,), 3 * S + e, jnp.int32)])
                p0 = plsc.pack(a0, a0, format=plsc.PackFormat.INTERLEAVED)
                p1 = plsc.pack(a1, a1, format=plsc.PackFormat.INTERLEAVED)
                p2 = plsc.pack(a2, a2, format=plsc.PackFormat.INTERLEAVED)
                p3 = plsc.pack(a3, a3, format=plsc.PackFormat.INTERLEAVED)
                for cb in range(D_OUT // 32):
                    c = cb * 16
                    acc = p0 * plsc.bitcast(rv[e, pl.ds(c, 16)], jnp.bfloat16)
                    acc = acc + p1 * plsc.bitcast(rv[e, pl.ds(64 + c, 16)], jnp.bfloat16)
                    acc = acc + p2 * plsc.bitcast(rv[e, pl.ds(128 + c, 16)], jnp.bfloat16)
                    acc = acc + p3 * plsc.bitcast(rv[e, pl.ds(192 + c, 16)], jnp.bfloat16)
                    c = cb * 32
                    lo, hi = plsc.unpack(acc, format=plsc.PackFormat.INTERLEAVED)
                    mv[e, pl.ds(c, 16)] = lo
                    mv[e, pl.ds(c + 16, 16)] = hi
                t16 = plsc.load_gather(tsc[b], [jnp.full((16,), e, jnp.int32)])
                plsc.addupdate_scatter(degv, [t16], one16, mask=lane0)

            pltpu.async_copy(mv, aggsh.at[tsc[b]], ssem[b], add=True)

            @pl.when(j + 2 < CHUNKS)
            def _():
                issue_idx(j + 2, b)
        return 0
    lax.fori_loop(0, CHUNKS // 2, outer, 0)

    pltpu.make_async_copy(msg[1], aggsh.at[tsc[1]], ssem[1]).wait()

    pltpu.sync_copy(degv, degparts_hbm.at[wid])

    plsc.subcore_barrier()

    pltpu.sync_copy(aggsh.at[pl.ds(sid * RPT, RPT)],
                    parts_hbm.at[cid, pl.ds(sid * RPT, RPT)])


def _linearize_body(eidx_ref, attr_ref, src_ref, tgt_ref,
                    a0_ref, a1_ref, a2_ref, a3_ref):
    i = pl.program_id(0)
    sl = pl.ds(i * BE, BE)
    ei = eidx_ref[:, sl]
    src_ref[sl] = ei[1]
    tgt_ref[sl] = ei[0]
    tr = jnp.transpose(attr_ref[...])
    a0_ref[sl] = tr[0]
    a1_ref[sl] = tr[1]
    a2_ref[sl] = tr[2]
    a3_ref[sl] = tr[3]


def _deg_body(dp_ref, r_ref):
    deg = jnp.sum(dp_ref[...], axis=0)
    r_ref[...] = (1.0 / jnp.maximum(deg, 1.0))[:, None]


def _final_body(p_ref, r_ref, s_ref, b_ref, o_ref):
    p = p_ref[...]
    agg = p[0] + p[1]
    o_ref[...] = agg * r_ref[...] + s_ref[...] + b_ref[...]


def kernel(x, edge_index, edge_attr, edge_type_weights, self_loop_weight, bias):
    w_cat = jnp.transpose(edge_type_weights, (1, 0, 2)).reshape(D_IN, T * D_OUT)
    w_even = w_cat[:, _P[0::2]]
    w_odd = w_cat[:, _P[1::2]]

    BM = 2000
    HW = T * D_OUT // 2
    y3, s = pl.pallas_call(
        _matmul_body,
        grid=(N_NODES // BM,),
        in_specs=[
            pl.BlockSpec((BM, D_IN), lambda i: (i, 0)),
            pl.BlockSpec((D_IN, HW), lambda i: (0, 0)),
            pl.BlockSpec((D_IN, HW), lambda i: (0, 0)),
            pl.BlockSpec((D_IN, D_OUT), lambda i: (0, 0)),
        ],
        out_specs=[
            pl.BlockSpec((BM, HW), lambda i: (i, 0)),
            pl.BlockSpec((BM, D_OUT), lambda i: (i, 0)),
        ],
        out_shape=[
            jax.ShapeDtypeStruct((N_NODES, HW), jnp.int32),
            jax.ShapeDtypeStruct((N_NODES, D_OUT), jnp.float32),
        ],
    )(x, w_even, w_odd, self_loop_weight)

    src_l, tgt_l, a0_l, a1_l, a2_l, a3_l = pl.pallas_call(
        _linearize_body,
        grid=(N_EDGES // BE,),
        in_specs=[
            pl.BlockSpec((2, N_EDGES), lambda i: (0, 0)),
            pl.BlockSpec((BE, T), lambda i: (i, 0)),
        ],
        out_specs=[pl.BlockSpec((N_EDGES,), lambda i: (0,))] * 6,
        out_shape=[
            jax.ShapeDtypeStruct((N_EDGES,), jnp.int32),
            jax.ShapeDtypeStruct((N_EDGES,), jnp.int32),
        ] + [jax.ShapeDtypeStruct((N_EDGES,), jnp.float32)] * T,
    )(edge_index, edge_attr)

    edge_fn = pl.kernel(
        _edge_body,
        out_type=(
            jax.ShapeDtypeStruct((NC, NPAD, D_OUT), jnp.float32),
            jax.ShapeDtypeStruct((NW, NPAD), jnp.float32),
        ),
        mesh=plsc.VectorSubcoreMesh(core_axis_name="c", subcore_axis_name="s"),
        compiler_params=pltpu.CompilerParams(needs_layout_passes=False),
        scratch_types=[
            pltpu.VMEM((S,), jnp.int32),
            pltpu.VMEM((S,), jnp.int32),
            pltpu.VMEM((S,), jnp.int32),
            pltpu.VMEM((S,), jnp.int32),
            pltpu.VMEM((S * T,), jnp.float32),
            pltpu.VMEM((S * T,), jnp.float32),
            pltpu.VMEM((S,), jnp.int32),
            pltpu.VMEM((S,), jnp.int32),
            pltpu.VMEM((S, T * D_OUT // 2), jnp.int32),
            pltpu.VMEM((S, T * D_OUT // 2), jnp.int32),
            pltpu.VMEM((S, D_OUT), jnp.float32),
            pltpu.VMEM((S, D_OUT), jnp.float32),
            pltpu.VMEM((NPAD,), jnp.float32),
            pltpu.VMEM_SHARED((NPAD, D_OUT), jnp.float32),
            pltpu.SemaphoreType.DMA,
            pltpu.SemaphoreType.DMA,
            pltpu.SemaphoreType.DMA,
            pltpu.SemaphoreType.DMA,
            pltpu.SemaphoreType.DMA,
            pltpu.SemaphoreType.DMA,
        ],
    )
    parts, degparts = edge_fn(y3, src_l, tgt_l, a0_l, a1_l, a2_l, a3_l)

    recip = pl.pallas_call(
        _deg_body,
        grid=(NPAD // BD,),
        in_specs=[pl.BlockSpec((NW, BD), lambda i: (0, i))],
        out_specs=pl.BlockSpec((BD, 1), lambda i: (i, 0)),
        out_shape=jax.ShapeDtypeStruct((NPAD, 1), jnp.float32),
    )(degparts)

    out = pl.pallas_call(
        _final_body,
        grid=(N_NODES // BF,),
        in_specs=[
            pl.BlockSpec((NC, BF, D_OUT), lambda i: (0, i, 0)),
            pl.BlockSpec((BF, 1), lambda i: (i, 0)),
            pl.BlockSpec((BF, D_OUT), lambda i: (i, 0)),
            pl.BlockSpec((1, D_OUT), lambda i: (0, 0)),
        ],
        out_specs=pl.BlockSpec((BF, D_OUT), lambda i: (i, 0)),
        out_shape=jax.ShapeDtypeStruct((N_NODES, D_OUT), jnp.float32),
    )(parts, recip, s, bias.reshape(1, D_OUT))
    return out

# --- scband reference (transcript-rebuilt; emitter-appended) ---
"""Pipeline reference for scband-graph-layer-78941498901026 (READ-ONLY COPY).

The authoritative reference and input builder live on the scoring server;
editing this copy changes nothing except your own understanding.
"""

import jax, jax.numpy as jnp
import numpy as np

N_NODES = 10000
N_EDGES = 320000
D_IN = 128
D_OUT = 128
N_EDGE_TYPES = 4


def setup_inputs(seed: int = 0) -> dict:
    key = jax.random.key(seed)
    ks = jax.random.split(key, 6)
    bound = 1.0 / np.sqrt(D_IN)
    x = jax.random.normal(ks[0], (N_NODES, D_IN), dtype=jnp.float32)
    edge_index = jax.random.randint(ks[1], (2, N_EDGES), 0, N_NODES, dtype=jnp.int32)
    edge_attr = jax.random.uniform(ks[2], (N_EDGES, N_EDGE_TYPES), dtype=jnp.float32)
    edge_type_weights = jax.random.uniform(ks[3], (N_EDGE_TYPES, D_IN, D_OUT), minval=-bound, maxval=bound, dtype=jnp.float32)
    self_loop_weight = jax.random.uniform(ks[4], (D_IN, D_OUT), minval=-bound, maxval=bound, dtype=jnp.float32)
    bias = jax.random.uniform(ks[5], (D_OUT,), minval=-bound, maxval=bound, dtype=jnp.float32)
    return {
        "x": x,
        "edge_index": edge_index,
        "edge_attr": edge_attr,
        "edge_type_weights": edge_type_weights,
        "self_loop_weight": self_loop_weight,
        "bias": bias,
    }


def reference(x, edge_index, edge_attr, edge_type_weights, self_loop_weight, bias):
    # target_idx, source_idx = edge_index
    target_idx = edge_index[0]
    source_idx = edge_index[1]
    x_src = x[source_idx]  # gather: [E, D_IN]
    # Faithful to torch: per-edge weight matrices W_e = sum_t edge_attr[e,t] * W[t],
    # then msg_e = x_src[e] @ W_e. Computed equivalently as
    # sum_t edge_attr[:, t:t+1] * (x_src @ W[t]) to avoid materializing [E, D_IN, D_OUT].
    n_types = edge_type_weights.shape[0]
    msg = jnp.zeros((x_src.shape[0], edge_type_weights.shape[2]), dtype=x.dtype)
    for t in range(n_types):
        msg = msg + edge_attr[:, t:t + 1] * (x_src @ edge_type_weights[t])
    # dropout with p=0 is identity
    agg = jax.ops.segment_sum(msg, target_idx, num_segments=x.shape[0])
    deg = jax.ops.segment_sum(jnp.ones((x_src.shape[0],), dtype=x.dtype), target_idx, num_segments=x.shape[0])
    out = agg / jnp.clip(deg, 1.0, None)[:, None]
    out = out + x @ self_loop_weight
    out = out + bias
    return out

if __name__ == "__main__":
    import jax
    _d = setup_inputs()
    print(jax.jit(kernel)(*tuple(_d.values())))

</pallas_src>

<mosaic_0001>
#map = affine_map<(d0, d1) -> (0, 0)>
#map1 = affine_map<(d0, d1) -> (0)>
#map2 = affine_map<(d0, d1) -> (0, 0, 0)>
module attributes {stable_mosaic.version = 14 : i64} {
  func.func @_edge_body(%arg0: i32, %arg1: i32, %arg2: memref<10000x256xi32, #tpu.memory_space<hbm>>, %arg3: memref<320000xi32, #tpu.memory_space<hbm>>, %arg4: memref<320000xi32, #tpu.memory_space<hbm>>, %arg5: memref<320000xf32, #tpu.memory_space<hbm>>, %arg6: memref<320000xf32, #tpu.memory_space<hbm>>, %arg7: memref<320000xf32, #tpu.memory_space<hbm>>, %arg8: memref<320000xf32, #tpu.memory_space<hbm>>, %arg9: memref<2x10240x128xf32, #tpu.memory_space<hbm>>, %arg10: memref<32x10240xf32, #tpu.memory_space<hbm>>, %arg11: memref<40xi32, #tpu.memory_space<vmem>>, %arg12: memref<40xi32, #tpu.memory_space<vmem>>, %arg13: memref<40xi32, #tpu.memory_space<vmem>>, %arg14: memref<40xi32, #tpu.memory_space<vmem>>, %arg15: memref<160xf32, #tpu.memory_space<vmem>>, %arg16: memref<160xf32, #tpu.memory_space<vmem>>, %arg17: memref<40xi32, #tpu.memory_space<vmem>>, %arg18: memref<40xi32, #tpu.memory_space<vmem>>, %arg19: memref<40x256xi32, #tpu.memory_space<vmem>>, %arg20: memref<40x256xi32, #tpu.memory_space<vmem>>, %arg21: memref<40x128xf32, #tpu.memory_space<vmem>>, %arg22: memref<40x128xf32, #tpu.memory_space<vmem>>, %arg23: memref<10240xf32, #tpu.memory_space<vmem>>, %arg24: memref<10240x128xf32, #tpu.memory_space<vmem_shared>>, %arg25: memref<!tpu.dma_semaphore, #tpu.memory_space<semaphore_mem>>, %arg26: memref<!tpu.dma_semaphore, #tpu.memory_space<semaphore_mem>>, %arg27: memref<!tpu.dma_semaphore, #tpu.memory_space<semaphore_mem>>, %arg28: memref<!tpu.dma_semaphore, #tpu.memory_space<semaphore_mem>>, %arg29: memref<!tpu.dma_semaphore, #tpu.memory_space<semaphore_mem>>, %arg30: memref<!tpu.dma_semaphore, #tpu.memory_space<semaphore_mem>>) attributes {dimension_semantics = [#tpu.dimension_semantics<core_parallel>, #tpu.dimension_semantics<subcore_parallel>], iteration_bounds = array<i64: 2, 16>, scalar_prefetch = 0 : i64, scratch_operands = 20 : i64, tpu.core_type = #tpu.core_type<sc_vector_subcore>, window_params = [{transform_indices = #map}, {transform_indices = #map1}, {transform_indices = #map1}, {transform_indices = #map1}, {transform_indices = #map1}, {transform_indices = #map1}, {transform_indices = #map1}, {transform_indices = #map2}, {transform_indices = #map}]} {
    %mul3A = arith.constant 16 : i32
    %mul3A_0 = arith.muli %arg0, %mul3A : i32
    %add3A = arith.addi %mul3A_0, %arg1 : i32
    %broadcast_in_dim3A = arith.constant 0.000000e+00 : f32
    %broadcast_in_dim3A_1 = vector.broadcast %broadcast_in_dim3A : f32 to vector<16xf32>
    %broadcast_in_dim3A_2 = arith.constant 1.000000e+00 : f32
    %broadcast_in_dim3A_3 = vector.broadcast %broadcast_in_dim3A_2 : f32 to vector<16xf32>
    %iota3A = tpu.iota {dimensions = array<i32: 0>} : vector<16xi32>
    %eq3A = arith.constant 0 : i32
    %eq3A_4 = vector.broadcast %eq3A : i32 to vector<16xi32>
    %eq3A_5 = arith.cmpi eq, %iota3A, %eq3A_4 : vector<16xi32>
    %scan3A = arith.constant 0 : i32
    %scan3A_6 = arith.constant 0 : i32
    %scan3A_7 = arith.constant 40 : i32
    %scan3A_8 = arith.addi %scan3A_6, %scan3A_7 : i32
    %scan3A_9 = arith.constant 1 : i32
    %scan3A_10 = scf.for %scan3A_191 = %scan3A_6 to %scan3A_8 step %scan3A_9 iter_args(%scan3A_192 = %scan3A) -> (i32)  : i32 {
      %swap3A = arith.index_cast %scan3A_191 : i32 to index
      %swap3A_193 = arith.constant 0 : index
      %swap3A_194 = tpu.vector_load %arg21[%swap3A, %swap3A_193] {strides = array<i32>} : memref<40x128xf32, #tpu.memory_space<vmem>>, vector<16xf32>,
      tpu.vector_store %arg21[%swap3A, %swap3A_193], %broadcast_in_dim3A_1 {strides = array<i32>} : memref<40x128xf32, #tpu.memory_space<vmem>>, vector<16xf32>,
      %swap3A_195 = arith.index_cast %scan3A_191 : i32 to index
      %swap3A_196 = arith.constant 16 : index
      %swap3A_197 = tpu.vector_load %arg21[%swap3A_195, %swap3A_196] {strides = array<i32>} : memref<40x128xf32, #tpu.memory_space<vmem>>, vector<16xf32>,
      tpu.vector_store %arg21[%swap3A_195, %swap3A_196], %broadcast_in_dim3A_1 {strides = array<i32>} : memref<40x128xf32, #tpu.memory_space<vmem>>, vector<16xf32>,
      %swap3A_198 = arith.index_cast %scan3A_191 : i32 to index
      %swap3A_199 = arith.constant 32 : index
      %swap3A_200 = tpu.vector_load %arg21[%swap3A_198, %swap3A_199] {strides = array<i32>} : memref<40x128xf32, #tpu.memory_space<vmem>>, vector<16xf32>,
      tpu.vector_store %arg21[%swap3A_198, %swap3A_199], %broadcast_in_dim3A_1 {strides = array<i32>} : memref<40x128xf32, #tpu.memory_space<vmem>>, vector<16xf32>,
      %swap3A_201 = arith.index_cast %scan3A_191 : i32 to index
      %swap3A_202 = arith.constant 48 : index
      %swap3A_203 = tpu.vector_load %arg21[%swap3A_201, %swap3A_202] {strides = array<i32>} : memref<40x128xf32, #tpu.memory_space<vmem>>, vector<16xf32>,
      tpu.vector_store %arg21[%swap3A_201, %swap3A_202], %broadcast_in_dim3A_1 {strides = array<i32>} : memref<40x128xf32, #tpu.memory_space<vmem>>, vector<16xf32>,
      %swap3A_204 = arith.index_cast %scan3A_191 : i32 to index
      %swap3A_205 = arith.constant 64 : index
      %swap3A_206 = tpu.vector_load %arg21[%swap3A_204, %swap3A_205] {strides = array<i32>} : memref<40x128xf32, #tpu.memory_space<vmem>>, vector<16xf32>,
      tpu.vector_store %arg21[%swap3A_204, %swap3A_205], %broadcast_in_dim3A_1 {strides = array<i32>} : memref<40x128xf32, #tpu.memory_space<vmem>>, vector<16xf32>,
      %swap3A_207 = arith.index_cast %scan3A_191 : i32 to index
      %swap3A_208 = arith.constant 80 : index
      %swap3A_209 = tpu.vector_load %arg21[%swap3A_207, %swap3A_208] {strides = array<i32>} : memref<40x128xf32, #tpu.memory_space<vmem>>, vector<16xf32>,
      tpu.vector_store %arg21[%swap3A_207, %swap3A_208], %broadcast_in_dim3A_1 {strides = array<i32>} : memref<40x128xf32, #tpu.memory_space<vmem>>, vector<16xf32>,
      %swap3A_210 = arith.index_cast %scan3A_191 : i32 to index
      %swap3A_211 = arith.constant 96 : index
      %swap3A_212 = tpu.vector_load %arg21[%swap3A_210, %swap3A_211] {strides = array<i32>} : memref<40x128xf32, #tpu.memory_space<vmem>>, vector<16xf32>,
      tpu.vector_store %arg21[%swap3A_210, %swap3A_211], %broadcast_in_dim3A_1 {strides = array<i32>} : memref<40x128xf32, #tpu.memory_space<vmem>>, vector<16xf32>,
      %swap3A_213 = arith.index_cast %scan3A_191 : i32 to index
      %swap3A_214 = arith.constant 112 : index
      %swap3A_215 = tpu.vector_load %arg21[%swap3A_213, %swap3A_214] {strides = array<i32>} : memref<40x128xf32, #tpu.memory_space<vmem>>, vector<16xf32>,
      tpu.vector_store %arg21[%swap3A_213, %swap3A_214], %broadcast_in_dim3A_1 {strides = array<i32>} : memref<40x128xf32, #tpu.memory_space<vmem>>, vector<16xf32>,
      %scan3A_216 = arith.constant 0 : i32
      scf.yield %scan3A_216 : i32
    }
    %scan3A_11 = arith.constant 40 : i32
    %scan3A_12 = arith.constant 0 : i32
    %scan3A_13 = arith.constant 0 : i32
    %scan3A_14 = arith.constant 640 : i32
    %scan3A_15 = arith.addi %scan3A_13, %scan3A_14 : i32
    %scan3A_16 = arith.constant 1 : i32
    %scan3A_17 = scf.for %scan3A_191 = %scan3A_13 to %scan3A_15 step %scan3A_16 iter_args(%scan3A_192 = %scan3A_12) -> (i32)  : i32 {
      %mul3A_193 = arith.constant 16 : i32
      %mul3A_194 = arith.muli %scan3A_191, %mul3A_193 : i32
      %swap3A = arith.index_cast %mul3A_194 : i32 to index
      %swap3A_195 = tpu.vector_load %arg23[%swap3A] {strides = array<i32>} : memref<10240xf32, #tpu.memory_space<vmem>>, vector<16xf32>,
      tpu.vector_store %arg23[%swap3A], %broadcast_in_dim3A_1 {strides = array<i32>} : memref<10240xf32, #tpu.memory_space<vmem>>, vector<16xf32>,
      %scan3A_196 = arith.constant 0 : i32
      scf.yield %scan3A_196 : i32
    }
    %scan3A_18 = arith.constant 640 : i32
    %mul3A_19 = arith.constant 640 : i32
    %mul3A_20 = arith.muli %arg1, %mul3A_19 : i32
    %add3A_21 = arith.constant 0 : i32
    %add3A_22 = arith.addi %mul3A_20, %add3A_21 : i32
    "tpu.region"() ({
      %run_scoped3A = tpu.sem_alloc : memref<!tpu.dma_semaphore, #tpu.memory_space<semaphore_mem>>
      %dma_start3A_191 = arith.constant 0 : i32
      %dma_start3A_192 = tpu.memref_slice %arg24[%add3A_22, %dma_start3A_191] : memref<10240x128xf32, #tpu.memory_space<vmem_shared>> -> memref<40x128xf32, #tpu.memory_space<vmem_shared>>
      %dma_start3A_193 = arith.constant 0 : i32
      %dma_start3A_194 = tpu.memref_slice %arg24[%add3A_22, %dma_start3A_193] : memref<10240x128xf32, #tpu.memory_space<vmem_shared>> -> memref<40x128xf32, #tpu.memory_space<vmem_shared>>
      tpu.enqueue_dma source(%arg21 : memref<40x128xf32, #tpu.memory_space<vmem>>) target(%dma_start3A_194 : memref<40x128xf32, #tpu.memory_space<vmem_shared>>) target_semaphore(%run_scoped3A : memref<!tpu.dma_semaphore, #tpu.memory_space<semaphore_mem>>)
      %dma_wait3A_195 = arith.constant 0 : i32
      %dma_wait3A_196 = tpu.memref_slice %arg24[%add3A_22, %dma_wait3A_195] : memref<10240x128xf32, #tpu.memory_space<vmem_shared>> -> memref<40x128xf32, #tpu.memory_space<vmem_shared>>
      %dma_wait3A_197 = arith.constant 0 : i32
      %dma_wait3A_198 = tpu.memref_slice %arg24[%add3A_22, %dma_wait3A_197] : memref<10240x128xf32, #tpu.memory_space<vmem_shared>> -> memref<40x128xf32, #tpu.memory_space<vmem_shared>>
      tpu.wait_dma2 semaphore(%run_scoped3A : memref<!tpu.dma_semaphore, #tpu.memory_space<semaphore_mem>>) src(%arg21 : memref<40x128xf32, #tpu.memory_space<vmem>>) dst(%dma_wait3A_198 : memref<40x128xf32, #tpu.memory_space<vmem_shared>>)
      tpu.yield
    }) : () -> ()
    %mul3A_23 = arith.constant 640 : i32
    %mul3A_24 = arith.muli %arg1, %mul3A_23 : i32
    %add3A_25 = arith.constant 40 : i32
    %add3A_26 = arith.addi %mul3A_24, %add3A_25 : i32
    "tpu.region"() ({
      %run_scoped3A = tpu.sem_alloc : memref<!tpu.dma_semaphore, #tpu.memory_space<semaphore_mem>>
      %dma_start3A_191 = arith.constant 0 : i32
      %dma_start3A_192 = tpu.memref_slice %arg24[%add3A_26, %dma_start3A_191] : memref<10240x128xf32, #tpu.memory_space<vmem_shared>> -> memref<40x128xf32, #tpu.memory_space<vmem_shared>>
      %dma_start3A_193 = arith.constant 0 : i32
      %dma_start3A_194 = tpu.memref_slice %arg24[%add3A_26, %dma_start3A_193] : memref<10240x128xf32, #tpu.memory_space<vmem_shared>> -> memref<40x128xf32, #tpu.memory_space<vmem_shared>>
      tpu.enqueue_dma source(%arg21 : memref<40x128xf32, #tpu.memory_space<vmem>>) target(%dma_start3A_194 : memref<40x128xf32, #tpu.memory_space<vmem_shared>>) target_semaphore(%run_scoped3A : memref<!tpu.dma_semaphore, #tpu.memory_space<semaphore_mem>>)
      %dma_wait3A_195 = arith.constant 0 : i32
      %dma_wait3A_196 = tpu.memref_slice %arg24[%add3A_26, %dma_wait3A_195] : memref<10240x128xf32, #tpu.memory_space<vmem_shared>> -> memref<40x128xf32, #tpu.memory_space<vmem_shared>>
      %dma_wait3A_197 = arith.constant 0 : i32
      %dma_wait3A_198 = tpu.memref_slice %arg24[%add3A_26, %dma_wait3A_197] : memref<10240x128xf32, #tpu.memory_space<vmem_shared>> -> memref<40x128xf32, #tpu.memory_space<vmem_shared>>
      tpu.wait_dma2 semaphore(%run_scoped3A : memref<!tpu.dma_semaphore, #tpu.memory_space<semaphore_mem>>) src(%arg21 : memref<40x128xf32, #tpu.memory_space<vmem>>) dst(%dma_wait3A_198 : memref<40x128xf32, #tpu.memory_space<vmem_shared>>)
      tpu.yield
    }) : () -> ()
    %mul3A_27 = arith.constant 640 : i32
    %mul3A_28 = arith.muli %arg1, %mul3A_27 : i32
    %add3A_29 = arith.constant 80 : i32
    %add3A_30 = arith.addi %mul3A_28, %add3A_29 : i32
    "tpu.region"() ({
      %run_scoped3A = tpu.sem_alloc : memref<!tpu.dma_semaphore, #tpu.memory_space<semaphore_mem>>
      %dma_start3A_191 = arith.constant 0 : i32
      %dma_start3A_192 = tpu.memref_slice %arg24[%add3A_30, %dma_start3A_191] : memref<10240x128xf32, #tpu.memory_space<vmem_shared>> -> memref<40x128xf32, #tpu.memory_space<vmem_shared>>
      %dma_start3A_193 = arith.constant 0 : i32
      %dma_start3A_194 = tpu.memref_slice %arg24[%add3A_30, %dma_start3A_193] : memref<10240x128xf32, #tpu.memory_space<vmem_shared>> -> memref<40x128xf32, #tpu.memory_space<vmem_shared>>
      tpu.enqueue_dma source(%arg21 : memref<40x128xf32, #tpu.memory_space<vmem>>) target(%dma_start3A_194 : memref<40x128xf32, #tpu.memory_space<vmem_shared>>) target_semaphore(%run_scoped3A : memref<!tpu.dma_semaphore, #tpu.memory_space<semaphore_mem>>)
      %dma_wait3A_195 = arith.constant 0 : i32
      %dma_wait3A_196 = tpu.memref_slice %arg24[%add3A_30, %dma_wait3A_195] : memref<10240x128xf32, #tpu.memory_space<vmem_shared>> -> memref<40x128xf32, #tpu.memory_space<vmem_shared>>
      %dma_wait3A_197 = arith.constant 0 : i32
      %dma_wait3A_198 = tpu.memref_slice %arg24[%add3A_30, %dma_wait3A_197] : memref<10240x128xf32, #tpu.memory_space<vmem_shared>> -> memref<40x128xf32, #tpu.memory_space<vmem_shared>>
      tpu.wait_dma2 semaphore(%run_scoped3A : memref<!tpu.dma_semaphore, #tpu.memory_space<semaphore_mem>>) src(%arg21 : memref<40x128xf32, #tpu.memory_space<vmem>>) dst(%dma_wait3A_198 : memref<40x128xf32, #tpu.memory_space<vmem_shared>>)
      tpu.yield
    }) : () -> ()
    %mul3A_31 = arith.constant 640 : i32
    %mul3A_32 = arith.muli %arg1, %mul3A_31 : i32
    %add3A_33 = arith.constant 120 : i32
    %add3A_34 = arith.addi %mul3A_32, %add3A_33 : i32
    "tpu.region"() ({
      %run_scoped3A = tpu.sem_alloc : memref<!tpu.dma_semaphore, #tpu.memory_space<semaphore_mem>>
      %dma_start3A_191 = arith.constant 0 : i32
      %dma_start3A_192 = tpu.memref_slice %arg24[%add3A_34, %dma_start3A_191] : memref<10240x128xf32, #tpu.memory_space<vmem_shared>> -> memref<40x128xf32, #tpu.memory_space<vmem_shared>>
      %dma_start3A_193 = arith.constant 0 : i32
      %dma_start3A_194 = tpu.memref_slice %arg24[%add3A_34, %dma_start3A_193] : memref<10240x128xf32, #tpu.memory_space<vmem_shared>> -> memref<40x128xf32, #tpu.memory_space<vmem_shared>>
      tpu.enqueue_dma source(%arg21 : memref<40x128xf32, #tpu.memory_space<vmem>>) target(%dma_start3A_194 : memref<40x128xf32, #tpu.memory_space<vmem_shared>>) target_semaphore(%run_scoped3A : memref<!tpu.dma_semaphore, #tpu.memory_space<semaphore_mem>>)
      %dma_wait3A_195 = arith.constant 0 : i32
      %dma_wait3A_196 = tpu.memref_slice %arg24[%add3A_34, %dma_wait3A_195] : memref<10240x128xf32, #tpu.memory_space<vmem_shared>> -> memref<40x128xf32, #tpu.memory_space<vmem_shared>>
      %dma_wait3A_197 = arith.constant 0 : i32
      %dma_wait3A_198 = tpu.memref_slice %arg24[%add3A_34, %dma_wait3A_197] : memref<10240x128xf32, #tpu.memory_space<vmem_shared>> -> memref<40x128xf32, #tpu.memory_space<vmem_shared>>
      tpu.wait_dma2 semaphore(%run_scoped3A : memref<!tpu.dma_semaphore, #tpu.memory_space<semaphore_mem>>) src(%arg21 : memref<40x128xf32, #tpu.memory_space<vmem>>) dst(%dma_wait3A_198 : memref<40x128xf32, #tpu.memory_space<vmem_shared>>)
      tpu.yield
    }) : () -> ()
    %mul3A_35 = arith.constant 640 : i32
    %mul3A_36 = arith.muli %arg1, %mul3A_35 : i32
    %add3A_37 = arith.constant 160 : i32
    %add3A_38 = arith.addi %mul3A_36, %add3A_37 : i32
    "tpu.region"() ({
      %run_scoped3A = tpu.sem_alloc : memref<!tpu.dma_semaphore, #tpu.memory_space<semaphore_mem>>
      %dma_start3A_191 = arith.constant 0 : i32
      %dma_start3A_192 = tpu.memref_slice %arg24[%add3A_38, %dma_start3A_191] : memref<10240x128xf32, #tpu.memory_space<vmem_shared>> -> memref<40x128xf32, #tpu.memory_space<vmem_shared>>
      %dma_start3A_193 = arith.constant 0 : i32
      %dma_start3A_194 = tpu.memref_slice %arg24[%add3A_38, %dma_start3A_193] : memref<10240x128xf32, #tpu.memory_space<vmem_shared>> -> memref<40x128xf32, #tpu.memory_space<vmem_shared>>
      tpu.enqueue_dma source(%arg21 : memref<40x128xf32, #tpu.memory_space<vmem>>) target(%dma_start3A_194 : memref<40x128xf32, #tpu.memory_space<vmem_shared>>) target_semaphore(%run_scoped3A : memref<!tpu.dma_semaphore, #tpu.memory_space<semaphore_mem>>)
      %dma_wait3A_195 = arith.constant 0 : i32
      %dma_wait3A_196 = tpu.memref_slice %arg24[%add3A_38, %dma_wait3A_195] : memref<10240x128xf32, #tpu.memory_space<vmem_shared>> -> memref<40x128xf32, #tpu.memory_space<vmem_shared>>
      %dma_wait3A_197 = arith.constant 0 : i32
      %dma_wait3A_198 = tpu.memref_slice %arg24[%add3A_38, %dma_wait3A_197] : memref<10240x128xf32, #tpu.memory_space<vmem_shared>> -> memref<40x128xf32, #tpu.memory_space<vmem_shared>>
      tpu.wait_dma2 semaphore(%run_scoped3A : memref<!tpu.dma_semaphore, #tpu.memory_space<semaphore_mem>>) src(%arg21 : memref<40x128xf32, #tpu.memory_space<vmem>>) dst(%dma_wait3A_198 : memref<40x128xf32, #tpu.memory_space<vmem_shared>>)
      tpu.yield
    }) : () -> ()
    %mul3A_39 = arith.constant 640 : i32
    %mul3A_40 = arith.muli %arg1, %mul3A_39 : i32
    %add3A_41 = arith.constant 200 : i32
    %add3A_42 = arith.addi %mul3A_40, %add3A_41 : i32
    "tpu.region"() ({
      %run_scoped3A = tpu.sem_alloc : memref<!tpu.dma_semaphore, #tpu.memory_space<semaphore_mem>>
      %dma_start3A_191 = arith.constant 0 : i32
      %dma_start3A_192 = tpu.memref_slice %arg24[%add3A_42, %dma_start3A_191] : memref<10240x128xf32, #tpu.memory_space<vmem_shared>> -> memref<40x128xf32, #tpu.memory_space<vmem_shared>>
      %dma_start3A_193 = arith.constant 0 : i32
      %dma_start3A_194 = tpu.memref_slice %arg24[%add3A_42, %dma_start3A_193] : memref<10240x128xf32, #tpu.memory_space<vmem_shared>> -> memref<40x128xf32, #tpu.memory_space<vmem_shared>>
      tpu.enqueue_dma source(%arg21 : memref<40x128xf32, #tpu.memory_space<vmem>>) target(%dma_start3A_194 : memref<40x128xf32, #tpu.memory_space<vmem_shared>>) target_semaphore(%run_scoped3A : memref<!tpu.dma_semaphore, #tpu.memory_space<semaphore_mem>>)
      %dma_wait3A_195 = arith.constant 0 : i32
      %dma_wait3A_196 = tpu.memref_slice %arg24[%add3A_42, %dma_wait3A_195] : memref<10240x128xf32, #tpu.memory_space<vmem_shared>> -> memref<40x128xf32, #tpu.memory_space<vmem_shared>>
      %dma_wait3A_197 = arith.constant 0 : i32
      %dma_wait3A_198 = tpu.memref_slice %arg24[%add3A_42, %dma_wait3A_197] : memref<10240x128xf32, #tpu.memory_space<vmem_shared>> -> memref<40x128xf32, #tpu.memory_space<vmem_shared>>
      tpu.wait_dma2 semaphore(%run_scoped3A : memref<!tpu.dma_semaphore, #tpu.memory_space<semaphore_mem>>) src(%arg21 : memref<40x128xf32, #tpu.memory_space<vmem>>) dst(%dma_wait3A_198 : memref<40x128xf32, #tpu.memory_space<vmem_shared>>)
      tpu.yield
    }) : () -> ()
    %mul3A_43 = arith.constant 640 : i32
    %mul3A_44 = arith.muli %arg1, %mul3A_43 : i32
    %add3A_45 = arith.constant 240 : i32
    %add3A_46 = arith.addi %mul3A_44, %add3A_45 : i32
    "tpu.region"() ({
      %run_scoped3A = tpu.sem_alloc : memref<!tpu.dma_semaphore, #tpu.memory_space<semaphore_mem>>
      %dma_start3A_191 = arith.constant 0 : i32
      %dma_start3A_192 = tpu.memref_slice %arg24[%add3A_46, %dma_start3A_191] : memref<10240x128xf32, #tpu.memory_space<vmem_shared>> -> memref<40x128xf32, #tpu.memory_space<vmem_shared>>
      %dma_start3A_193 = arith.constant 0 : i32
      %dma_start3A_194 = tpu.memref_slice %arg24[%add3A_46, %dma_start3A_193] : memref<10240x128xf32, #tpu.memory_space<vmem_shared>> -> memref<40x128xf32, #tpu.memory_space<vmem_shared>>
      tpu.enqueue_dma source(%arg21 : memref<40x128xf32, #tpu.memory_space<vmem>>) target(%dma_start3A_194 : memref<40x128xf32, #tpu.memory_space<vmem_shared>>) target_semaphore(%run_scoped3A : memref<!tpu.dma_semaphore, #tpu.memory_space<semaphore_mem>>)
      %dma_wait3A_195 = arith.constant 0 : i32
      %dma_wait3A_196 = tpu.memref_slice %arg24[%add3A_46, %dma_wait3A_195] : memref<10240x128xf32, #tpu.memory_space<vmem_shared>> -> memref<40x128xf32, #tpu.memory_space<vmem_shared>>
      %dma_wait3A_197 = arith.constant 0 : i32
      %dma_wait3A_198 = tpu.memref_slice %arg24[%add3A_46, %dma_wait3A_197] : memref<10240x128xf32, #tpu.memory_space<vmem_shared>> -> memref<40x128xf32, #tpu.memory_space<vmem_shared>>
      tpu.wait_dma2 semaphore(%run_scoped3A : memref<!tpu.dma_semaphore, #tpu.memory_space<semaphore_mem>>) src(%arg21 : memref<40x128xf32, #tpu.memory_space<vmem>>) dst(%dma_wait3A_198 : memref<40x128xf32, #tpu.memory_space<vmem_shared>>)
      tpu.yield
    }) : () -> ()
    %mul3A_47 = arith.constant 640 : i32
    %mul3A_48 = arith.muli %arg1, %mul3A_47 : i32
    %add3A_49 = arith.constant 280 : i32
    %add3A_50 = arith.addi %mul3A_48, %add3A_49 : i32
    "tpu.region"() ({
      %run_scoped3A = tpu.sem_alloc : memref<!tpu.dma_semaphore, #tpu.memory_space<semaphore_mem>>
      %dma_start3A_191 = arith.constant 0 : i32
      %dma_start3A_192 = tpu.memref_slice %arg24[%add3A_50, %dma_start3A_191] : memref<10240x128xf32, #tpu.memory_space<vmem_shared>> -> memref<40x128xf32, #tpu.memory_space<vmem_shared>>
      %dma_start3A_193 = arith.constant 0 : i32
      %dma_start3A_194 = tpu.memref_slice %arg24[%add3A_50, %dma_start3A_193] : memref<10240x128xf32, #tpu.memory_space<vmem_shared>> -> memref<40x128xf32, #tpu.memory_space<vmem_shared>>
      tpu.enqueue_dma source(%arg21 : memref<40x128xf32, #tpu.memory_space<vmem>>) target(%dma_start3A_194 : memref<40x128xf32, #tpu.memory_space<vmem_shared>>) target_semaphore(%run_scoped3A : memref<!tpu.dma_semaphore, #tpu.memory_space<semaphore_mem>>)
      %dma_wait3A_195 = arith.constant 0 : i32
      %dma_wait3A_196 = tpu.memref_slice %arg24[%add3A_50, %dma_wait3A_195] : memref<10240x128xf32, #tpu.memory_space<vmem_shared>> -> memref<40x128xf32, #tpu.memory_space<vmem_shared>>
      %dma_wait3A_197 = arith.constant 0 : i32
      %dma_wait3A_198 = tpu.memref_slice %arg24[%add3A_50, %dma_wait3A_197] : memref<10240x128xf32, #tpu.memory_space<vmem_shared>> -> memref<40x128xf32, #tpu.memory_space<vmem_shared>>
      tpu.wait_dma2 semaphore(%run_scoped3A : memref<!tpu.dma_semaphore, #tpu.memory_space<semaphore_mem>>) src(%arg21 : memref<40x128xf32, #tpu.memory_space<vmem>>) dst(%dma_wait3A_198 : memref<40x128xf32, #tpu.memory_space<vmem_shared>>)
      tpu.yield
    }) : () -> ()
    %mul3A_51 = arith.constant 640 : i32
    %mul3A_52 = arith.muli %arg1, %mul3A_51 : i32
    %add3A_53 = arith.constant 320 : i32
    %add3A_54 = arith.addi %mul3A_52, %add3A_53 : i32
    "tpu.region"() ({
      %run_scoped3A = tpu.sem_alloc : memref<!tpu.dma_semaphore, #tpu.memory_space<semaphore_mem>>
      %dma_start3A_191 = arith.constant 0 : i32
      %dma_start3A_192 = tpu.memref_slice %arg24[%add3A_54, %dma_start3A_191] : memref<10240x128xf32, #tpu.memory_space<vmem_shared>> -> memref<40x128xf32, #tpu.memory_space<vmem_shared>>
      %dma_start3A_193 = arith.constant 0 : i32
      %dma_start3A_194 = tpu.memref_slice %arg24[%add3A_54, %dma_start3A_193] : memref<10240x128xf32, #tpu.memory_space<vmem_shared>> -> memref<40x128xf32, #tpu.memory_space<vmem_shared>>
      tpu.enqueue_dma source(%arg21 : memref<40x128xf32, #tpu.memory_space<vmem>>) target(%dma_start3A_194 : memref<40x128xf32, #tpu.memory_space<vmem_shared>>) target_semaphore(%run_scoped3A : memref<!tpu.dma_semaphore, #tpu.memory_space<semaphore_mem>>)
      %dma_wait3A_195 = arith.constant 0 : i32
      %dma_wait3A_196 = tpu.memref_slice %arg24[%add3A_54, %dma_wait3A_195] : memref<10240x128xf32, #tpu.memory_space<vmem_shared>> -> memref<40x128xf32, #tpu.memory_space<vmem_shared>>
      %dma_wait3A_197 = arith.constant 0 : i32
      %dma_wait3A_198 = tpu.memref_slice %arg24[%add3A_54, %dma_wait3A_197] : memref<10240x128xf32, #tpu.memory_space<vmem_shared>> -> memref<40x128xf32, #tpu.memory_space<vmem_shared>>
      tpu.wait_dma2 semaphore(%run_scoped3A : memref<!tpu.dma_semaphore, #tpu.memory_space<semaphore_mem>>) src(%arg21 : memref<40x128xf32, #tpu.memory_space<vmem>>) dst(%dma_wait3A_198 : memref<40x128xf32, #tpu.memory_space<vmem_shared>>)
      tpu.yield
    }) : () -> ()
    %mul3A_55 = arith.constant 640 : i32
    %mul3A_56 = arith.muli %arg1, %mul3A_55 : i32
    %add3A_57 = arith.constant 360 : i32
    %add3A_58 = arith.addi %mul3A_56, %add3A_57 : i32
    "tpu.region"() ({
      %run_scoped3A = tpu.sem_alloc : memref<!tpu.dma_semaphore, #tpu.memory_space<semaphore_mem>>
      %dma_start3A_191 = arith.constant 0 : i32
      %dma_start3A_192 = tpu.memref_slice %arg24[%add3A_58, %dma_start3A_191] : memref<10240x128xf32, #tpu.memory_space<vmem_shared>> -> memref<40x128xf32, #tpu.memory_space<vmem_shared>>
      %dma_start3A_193 = arith.constant 0 : i32
      %dma_start3A_194 = tpu.memref_slice %arg24[%add3A_58, %dma_start3A_193] : memref<10240x128xf32, #tpu.memory_space<vmem_shared>> -> memref<40x128xf32, #tpu.memory_space<vmem_shared>>
      tpu.enqueue_dma source(%arg21 : memref<40x128xf32, #tpu.memory_space<vmem>>) target(%dma_start3A_194 : memref<40x128xf32, #tpu.memory_space<vmem_shared>>) target_semaphore(%run_scoped3A : memref<!tpu.dma_semaphore, #tpu.memory_space<semaphore_mem>>)
      %dma_wait3A_195 = arith.constant 0 : i32
      %dma_wait3A_196 = tpu.memref_slice %arg24[%add3A_58, %dma_wait3A_195] : memref<10240x128xf32, #tpu.memory_space<vmem_shared>> -> memref<40x128xf32, #tpu.memory_space<vmem_shared>>
      %dma_wait3A_197 = arith.constant 0 : i32
      %dma_wait3A_198 = tpu.memref_slice %arg24[%add3A_58, %dma_wait3A_197] : memref<10240x128xf32, #tpu.memory_space<vmem_shared>> -> memref<40x128xf32, #tpu.memory_space<vmem_shared>>
      tpu.wait_dma2 semaphore(%run_scoped3A : memref<!tpu.dma_semaphore, #tpu.memory_space<semaphore_mem>>) src(%arg21 : memref<40x128xf32, #tpu.memory_space<vmem>>) dst(%dma_wait3A_198 : memref<40x128xf32, #tpu.memory_space<vmem_shared>>)
      tpu.yield
    }) : () -> ()
    %mul3A_59 = arith.constant 640 : i32
    %mul3A_60 = arith.muli %arg1, %mul3A_59 : i32
    %add3A_61 = arith.constant 400 : i32
    %add3A_62 = arith.addi %mul3A_60, %add3A_61 : i32
    "tpu.region"() ({
      %run_scoped3A = tpu.sem_alloc : memref<!tpu.dma_semaphore, #tpu.memory_space<semaphore_mem>>
      %dma_start3A_191 = arith.constant 0 : i32
      %dma_start3A_192 = tpu.memref_slice %arg24[%add3A_62, %dma_start3A_191] : memref<10240x128xf32, #tpu.memory_space<vmem_shared>> -> memref<40x128xf32, #tpu.memory_space<vmem_shared>>
      %dma_start3A_193 = arith.constant 0 : i32
      %dma_start3A_194 = tpu.memref_slice %arg24[%add3A_62, %dma_start3A_193] : memref<10240x128xf32, #tpu.memory_space<vmem_shared>> -> memref<40x128xf32, #tpu.memory_space<vmem_shared>>
      tpu.enqueue_dma source(%arg21 : memref<40x128xf32, #tpu.memory_space<vmem>>) target(%dma_start3A_194 : memref<40x128xf32, #tpu.memory_space<vmem_shared>>) target_semaphore(%run_scoped3A : memref<!tpu.dma_semaphore, #tpu.memory_space<semaphore_mem>>)
      %dma_wait3A_195 = arith.constant 0 : i32
      %dma_wait3A_196 = tpu.memref_slice %arg24[%add3A_62, %dma_wait3A_195] : memref<10240x128xf32, #tpu.memory_space<vmem_shared>> -> memref<40x128xf32, #tpu.memory_space<vmem_shared>>
      %dma_wait3A_197 = arith.constant 0 : i32
      %dma_wait3A_198 = tpu.memref_slice %arg24[%add3A_62, %dma_wait3A_197] : memref<10240x128xf32, #tpu.memory_space<vmem_shared>> -> memref<40x128xf32, #tpu.memory_space<vmem_shared>>
      tpu.wait_dma2 semaphore(%run_scoped3A : memref<!tpu.dma_semaphore, #tpu.memory_space<semaphore_mem>>) src(%arg21 : memref<40x128xf32, #tpu.memory_space<vmem>>) dst(%dma_wait3A_198 : memref<40x128xf32, #tpu.memory_space<vmem_shared>>)
      tpu.yield
    }) : () -> ()
    %mul3A_63 = arith.constant 640 : i32
    %mul3A_64 = arith.muli %arg1, %mul3A_63 : i32
    %add3A_65 = arith.constant 440 : i32
    %add3A_66 = arith.addi %mul3A_64, %add3A_65 : i32
    "tpu.region"() ({
      %run_scoped3A = tpu.sem_alloc : memref<!tpu.dma_semaphore, #tpu.memory_space<semaphore_mem>>
      %dma_start3A_191 = arith.constant 0 : i32
      %dma_start3A_192 = tpu.memref_slice %arg24[%add3A_66, %dma_start3A_191] : memref<10240x128xf32, #tpu.memory_space<vmem_shared>> -> memref<40x128xf32, #tpu.memory_space<vmem_shared>>
      %dma_start3A_193 = arith.constant 0 : i32
      %dma_start3A_194 = tpu.memref_slice %arg24[%add3A_66, %dma_start3A_193] : memref<10240x128xf32, #tpu.memory_space<vmem_shared>> -> memref<40x128xf32, #tpu.memory_space<vmem_shared>>
      tpu.enqueue_dma source(%arg21 : memref<40x128xf32, #tpu.memory_space<vmem>>) target(%dma_start3A_194 : memref<40x128xf32, #tpu.memory_space<vmem_shared>>) target_semaphore(%run_scoped3A : memref<!tpu.dma_semaphore, #tpu.memory_space<semaphore_mem>>)
      %dma_wait3A_195 = arith.constant 0 : i32
      %dma_wait3A_196 = tpu.memref_slice %arg24[%add3A_66, %dma_wait3A_195] : memref<10240x128xf32, #tpu.memory_space<vmem_shared>> -> memref<40x128xf32, #tpu.memory_space<vmem_shared>>
      %dma_wait3A_197 = arith.constant 0 : i32
      %dma_wait3A_198 = tpu.memref_slice %arg24[%add3A_66, %dma_wait3A_197] : memref<10240x128xf32, #tpu.memory_space<vmem_shared>> -> memref<40x128xf32, #tpu.memory_space<vmem_shared>>
      tpu.wait_dma2 semaphore(%run_scoped3A : memref<!tpu.dma_semaphore, #tpu.memory_space<semaphore_mem>>) src(%arg21 : memref<40x128xf32, #tpu.memory_space<vmem>>) dst(%dma_wait3A_198 : memref<40x128xf32, #tpu.memory_space<vmem_shared>>)
      tpu.yield
    }) : () -> ()
    %mul3A_67 = arith.constant 640 : i32
    %mul3A_68 = arith.muli %arg1, %mul3A_67 : i32
    %add3A_69 = arith.constant 480 : i32
    %add3A_70 = arith.addi %mul3A_68, %add3A_69 : i32
    "tpu.region"() ({
      %run_scoped3A = tpu.sem_alloc : memref<!tpu.dma_semaphore, #tpu.memory_space<semaphore_mem>>
      %dma_start3A_191 = arith.constant 0 : i32
      %dma_start3A_192 = tpu.memref_slice %arg24[%add3A_70, %dma_start3A_191] : memref<10240x128xf32, #tpu.memory_space<vmem_shared>> -> memref<40x128xf32, #tpu.memory_space<vmem_shared>>
      %dma_start3A_193 = arith.constant 0 : i32
      %dma_start3A_194 = tpu.memref_slice %arg24[%add3A_70, %dma_start3A_193] : memref<10240x128xf32, #tpu.memory_space<vmem_shared>> -> memref<40x128xf32, #tpu.memory_space<vmem_shared>>
      tpu.enqueue_dma source(%arg21 : memref<40x128xf32, #tpu.memory_space<vmem>>) target(%dma_start3A_194 : memref<40x128xf32, #tpu.memory_space<vmem_shared>>) target_semaphore(%run_scoped3A : memref<!tpu.dma_semaphore, #tpu.memory_space<semaphore_mem>>)
      %dma_wait3A_195 = arith.constant 0 : i32
      %dma_wait3A_196 = tpu.memref_slice %arg24[%add3A_70, %dma_wait3A_195] : memref<10240x128xf32, #tpu.memory_space<vmem_shared>> -> memref<40x128xf32, #tpu.memory_space<vmem_shared>>
      %dma_wait3A_197 = arith.constant 0 : i32
      %dma_wait3A_198 = tpu.memref_slice %arg24[%add3A_70, %dma_wait3A_197] : memref<10240x128xf32, #tpu.memory_space<vmem_shared>> -> memref<40x128xf32, #tpu.memory_space<vmem_shared>>
      tpu.wait_dma2 semaphore(%run_scoped3A : memref<!tpu.dma_semaphore, #tpu.memory_space<semaphore_mem>>) src(%arg21 : memref<40x128xf32, #tpu.memory_space<vmem>>) dst(%dma_wait3A_198 : memref<40x128xf32, #tpu.memory_space<vmem_shared>>)
      tpu.yield
    }) : () -> ()
    %mul3A_71 = arith.constant 640 : i32
    %mul3A_72 = arith.muli %arg1, %mul3A_71 : i32
    %add3A_73 = arith.constant 520 : i32
    %add3A_74 = arith.addi %mul3A_72, %add3A_73 : i32
    "tpu.region"() ({
      %run_scoped3A = tpu.sem_alloc : memref<!tpu.dma_semaphore, #tpu.memory_space<semaphore_mem>>
      %dma_start3A_191 = arith.constant 0 : i32
      %dma_start3A_192 = tpu.memref_slice %arg24[%add3A_74, %dma_start3A_191] : memref<10240x128xf32, #tpu.memory_space<vmem_shared>> -> memref<40x128xf32, #tpu.memory_space<vmem_shared>>
      %dma_start3A_193 = arith.constant 0 : i32
      %dma_start3A_194 = tpu.memref_slice %arg24[%add3A_74, %dma_start3A_193] : memref<10240x128xf32, #tpu.memory_space<vmem_shared>> -> memref<40x128xf32, #tpu.memory_space<vmem_shared>>
      tpu.enqueue_dma source(%arg21 : memref<40x128xf32, #tpu.memory_space<vmem>>) target(%dma_start3A_194 : memref<40x128xf32, #tpu.memory_space<vmem_shared>>) target_semaphore(%run_scoped3A : memref<!tpu.dma_semaphore, #tpu.memory_space<semaphore_mem>>)
      %dma_wait3A_195 = arith.constant 0 : i32
      %dma_wait3A_196 = tpu.memref_slice %arg24[%add3A_74, %dma_wait3A_195] : memref<10240x128xf32, #tpu.memory_space<vmem_shared>> -> memref<40x128xf32, #tpu.memory_space<vmem_shared>>
      %dma_wait3A_197 = arith.constant 0 : i32
      %dma_wait3A_198 = tpu.memref_slice %arg24[%add3A_74, %dma_wait3A_197] : memref<10240x128xf32, #tpu.memory_space<vmem_shared>> -> memref<40x128xf32, #tpu.memory_space<vmem_shared>>
      tpu.wait_dma2 semaphore(%run_scoped3A : memref<!tpu.dma_semaphore, #tpu.memory_space<semaphore_mem>>) src(%arg21 : memref<40x128xf32, #tpu.memory_space<vmem>>) dst(%dma_wait3A_198 : memref<40x128xf32, #tpu.memory_space<vmem_shared>>)
      tpu.yield
    }) : () -> ()
    %mul3A_75 = arith.constant 640 : i32
    %mul3A_76 = arith.muli %arg1, %mul3A_75 : i32
    %add3A_77 = arith.constant 560 : i32
    %add3A_78 = arith.addi %mul3A_76, %add3A_77 : i32
    "tpu.region"() ({
      %run_scoped3A = tpu.sem_alloc : memref<!tpu.dma_semaphore, #tpu.memory_space<semaphore_mem>>
      %dma_start3A_191 = arith.constant 0 : i32
      %dma_start3A_192 = tpu.memref_slice %arg24[%add3A_78, %dma_start3A_191] : memref<10240x128xf32, #tpu.memory_space<vmem_shared>> -> memref<40x128xf32, #tpu.memory_space<vmem_shared>>
      %dma_start3A_193 = arith.constant 0 : i32
      %dma_start3A_194 = tpu.memref_slice %arg24[%add3A_78, %dma_start3A_193] : memref<10240x128xf32, #tpu.memory_space<vmem_shared>> -> memref<40x128xf32, #tpu.memory_space<vmem_shared>>
      tpu.enqueue_dma source(%arg21 : memref<40x128xf32, #tpu.memory_space<vmem>>) target(%dma_start3A_194 : memref<40x128xf32, #tpu.memory_space<vmem_shared>>) target_semaphore(%run_scoped3A : memref<!tpu.dma_semaphore, #tpu.memory_space<semaphore_mem>>)
      %dma_wait3A_195 = arith.constant 0 : i32
      %dma_wait3A_196 = tpu.memref_slice %arg24[%add3A_78, %dma_wait3A_195] : memref<10240x128xf32, #tpu.memory_space<vmem_shared>> -> memref<40x128xf32, #tpu.memory_space<vmem_shared>>
      %dma_wait3A_197 = arith.constant 0 : i32
      %dma_wait3A_198 = tpu.memref_slice %arg24[%add3A_78, %dma_wait3A_197] : memref<10240x128xf32, #tpu.memory_space<vmem_shared>> -> memref<40x128xf32, #tpu.memory_space<vmem_shared>>
      tpu.wait_dma2 semaphore(%run_scoped3A : memref<!tpu.dma_semaphore, #tpu.memory_space<semaphore_mem>>) src(%arg21 : memref<40x128xf32, #tpu.memory_space<vmem>>) dst(%dma_wait3A_198 : memref<40x128xf32, #tpu.memory_space<vmem_shared>>)
      tpu.yield
    }) : () -> ()
    %mul3A_79 = arith.constant 640 : i32
    %mul3A_80 = arith.muli %arg1, %mul3A_79 : i32
    %add3A_81 = arith.constant 600 : i32
    %add3A_82 = arith.addi %mul3A_80, %add3A_81 : i32
    "tpu.region"() ({
      %run_scoped3A = tpu.sem_alloc : memref<!tpu.dma_semaphore, #tpu.memory_space<semaphore_mem>>
      %dma_start3A_191 = arith.constant 0 : i32
      %dma_start3A_192 = tpu.memref_slice %arg24[%add3A_82, %dma_start3A_191] : memref<10240x128xf32, #tpu.memory_space<vmem_shared>> -> memref<40x128xf32, #tpu.memory_space<vmem_shared>>
      %dma_start3A_193 = arith.constant 0 : i32
      %dma_start3A_194 = tpu.memref_slice %arg24[%add3A_82, %dma_start3A_193] : memref<10240x128xf32, #tpu.memory_space<vmem_shared>> -> memref<40x128xf32, #tpu.memory_space<vmem_shared>>
      tpu.enqueue_dma source(%arg21 : memref<40x128xf32, #tpu.memory_space<vmem>>) target(%dma_start3A_194 : memref<40x128xf32, #tpu.memory_space<vmem_shared>>) target_semaphore(%run_scoped3A : memref<!tpu.dma_semaphore, #tpu.memory_space<semaphore_mem>>)
      %dma_wait3A_195 = arith.constant 0 : i32
      %dma_wait3A_196 = tpu.memref_slice %arg24[%add3A_82, %dma_wait3A_195] : memref<10240x128xf32, #tpu.memory_space<vmem_shared>> -> memref<40x128xf32, #tpu.memory_space<vmem_shared>>
      %dma_wait3A_197 = arith.constant 0 : i32
      %dma_wait3A_198 = tpu.memref_slice %arg24[%add3A_82, %dma_wait3A_197] : memref<10240x128xf32, #tpu.memory_space<vmem_shared>> -> memref<40x128xf32, #tpu.memory_space<vmem_shared>>
      tpu.wait_dma2 semaphore(%run_scoped3A : memref<!tpu.dma_semaphore, #tpu.memory_space<semaphore_mem>>) src(%arg21 : memref<40x128xf32, #tpu.memory_space<vmem>>) dst(%dma_wait3A_198 : memref<40x128xf32, #tpu.memory_space<vmem_shared>>)
      tpu.yield
    }) : () -> ()
    %barrier3A = arith.constant 0 : index
    tpu.barrier barrier_id(%barrier3A)
    %mul3A_83 = arith.constant 10000 : i32
    %mul3A_84 = arith.muli %add3A, %mul3A_83 : i32
    %add3A_85 = arith.constant 0 : i32
    %add3A_86 = arith.addi %mul3A_84, %add3A_85 : i32
    %dma_start3A = tpu.memref_slice %arg3[%add3A_86] : memref<320000xi32, #tpu.memory_space<hbm>> -> memref<40xi32, #tpu.memory_space<hbm>>
    %dma_start3A_87 = tpu.memref_slice %arg3[%add3A_86] : memref<320000xi32, #tpu.memory_space<hbm>> -> memref<40xi32, #tpu.memory_space<hbm>>
    tpu.enqueue_dma source(%dma_start3A_87 : memref<40xi32, #tpu.memory_space<hbm>>) target(%arg11 : memref<40xi32, #tpu.memory_space<vmem>>) target_semaphore(%arg29 : memref<!tpu.dma_semaphore, #tpu.memory_space<semaphore_mem>>)
    %dma_start3A_88 = tpu.memref_slice %arg4[%add3A_86] : memref<320000xi32, #tpu.memory_space<hbm>> -> memref<40xi32, #tpu.memory_space<hbm>>
    %dma_start3A_89 = tpu.memref_slice %arg4[%add3A_86] : memref<320000xi32, #tpu.memory_space<hbm>> -> memref<40xi32, #tpu.memory_space<hbm>>
    tpu.enqueue_dma source(%dma_start3A_89 : memref<40xi32, #tpu.memory_space<hbm>>) target(%arg13 : memref<40xi32, #tpu.memory_space<vmem>>) target_semaphore(%arg29 : memref<!tpu.dma_semaphore, #tpu.memory_space<semaphore_mem>>)
    %dma_start3A_90 = arith.constant 0 : i32
    %dma_start3A_91 = tpu.memref_slice %arg15[%dma_start3A_90] : memref<160xf32, #tpu.memory_space<vmem>> -> memref<40xf32, #tpu.memory_space<vmem>>
    %dma_start3A_92 = tpu.memref_slice %arg5[%add3A_86] : memref<320000xf32, #tpu.memory_space<hbm>> -> memref<40xf32, #tpu.memory_space<hbm>>
    %dma_start3A_93 = arith.constant 0 : i32
    %dma_start3A_94 = tpu.memref_slice %arg15[%dma_start3A_93] : memref<160xf32, #tpu.memory_space<vmem>> -> memref<40xf32, #tpu.memory_space<vmem>>
    %dma_start3A_95 = tpu.memref_slice %arg5[%add3A_86] : memref<320000xf32, #tpu.memory_space<hbm>> -> memref<40xf32, #tpu.memory_space<hbm>>
    tpu.enqueue_dma source(%dma_start3A_95 : memref<40xf32, #tpu.memory_space<hbm>>) target(%dma_start3A_94 : memref<40xf32, #tpu.memory_space<vmem>>) target_semaphore(%arg29 : memref<!tpu.dma_semaphore, #tpu.memory_space<semaphore_mem>>)
    %dma_start3A_96 = arith.constant 40 : i32
    %dma_start3A_97 = tpu.memref_slice %arg15[%dma_start3A_96] : memref<160xf32, #tpu.memory_space<vmem>> -> memref<40xf32, #tpu.memory_space<vmem>>
    %dma_start3A_98 = tpu.memref_slice %arg6[%add3A_86] : memref<320000xf32, #tpu.memory_space<hbm>> -> memref<40xf32, #tpu.memory_space<hbm>>
    %dma_start3A_99 = arith.constant 40 : i32
    %dma_start3A_100 = tpu.memref_slice %arg15[%dma_start3A_99] : memref<160xf32, #tpu.memory_space<vmem>> -> memref<40xf32, #tpu.memory_space<vmem>>
    %dma_start3A_101 = tpu.memref_slice %arg6[%add3A_86] : memref<320000xf32, #tpu.memory_space<hbm>> -> memref<40xf32, #tpu.memory_space<hbm>>
    tpu.enqueue_dma source(%dma_start3A_101 : memref<40xf32, #tpu.memory_space<hbm>>) target(%dma_start3A_100 : memref<40xf32, #tpu.memory_space<vmem>>) target_semaphore(%arg29 : memref<!tpu.dma_semaphore, #tpu.memory_space<semaphore_mem>>)
    %dma_start3A_102 = arith.constant 80 : i32
    %dma_start3A_103 = tpu.memref_slice %arg15[%dma_start3A_102] : memref<160xf32, #tpu.memory_space<vmem>> -> memref<40xf32, #tpu.memory_space<vmem>>
    %dma_start3A_104 = tpu.memref_slice %arg7[%add3A_86] : memref<320000xf32, #tpu.memory_space<hbm>> -> memref<40xf32, #tpu.memory_space<hbm>>
    %dma_start3A_105 = arith.constant 80 : i32
    %dma_start3A_106 = tpu.memref_slice %arg15[%dma_start3A_105] : memref<160xf32, #tpu.memory_space<vmem>> -> memref<40xf32, #tpu.memory_space<vmem>>
    %dma_start3A_107 = tpu.memref_slice %arg7[%add3A_86] : memref<320000xf32, #tpu.memory_space<hbm>> -> memref<40xf32, #tpu.memory_space<hbm>>
    tpu.enqueue_dma source(%dma_start3A_107 : memref<40xf32, #tpu.memory_space<hbm>>) target(%dma_start3A_106 : memref<40xf32, #tpu.memory_space<vmem>>) target_semaphore(%arg29 : memref<!tpu.dma_semaphore, #tpu.memory_space<semaphore_mem>>)
    %dma_start3A_108 = arith.constant 120 : i32
    %dma_start3A_109 = tpu.memref_slice %arg15[%dma_start3A_108] : memref<160xf32, #tpu.memory_space<vmem>> -> memref<40xf32, #tpu.memory_space<vmem>>
    %dma_start3A_110 = tpu.memref_slice %arg8[%add3A_86] : memref<320000xf32, #tpu.memory_space<hbm>> -> memref<40xf32, #tpu.memory_space<hbm>>
    %dma_start3A_111 = arith.constant 120 : i32
    %dma_start3A_112 = tpu.memref_slice %arg15[%dma_start3A_111] : memref<160xf32, #tpu.memory_space<vmem>> -> memref<40xf32, #tpu.memory_space<vmem>>
    %dma_start3A_113 = tpu.memref_slice %arg8[%add3A_86] : memref<320000xf32, #tpu.memory_space<hbm>> -> memref<40xf32, #tpu.memory_space<hbm>>
    tpu.enqueue_dma source(%dma_start3A_113 : memref<40xf32, #tpu.memory_space<hbm>>) target(%dma_start3A_112 : memref<40xf32, #tpu.memory_space<vmem>>) target_semaphore(%arg29 : memref<!tpu.dma_semaphore, #tpu.memory_space<semaphore_mem>>)
    %add3A_114 = arith.constant 40 : i32
    %add3A_115 = arith.addi %mul3A_84, %add3A_114 : i32
    %dma_start3A_116 = tpu.memref_slice %arg3[%add3A_115] : memref<320000xi32, #tpu.memory_space<hbm>> -> memref<40xi32, #tpu.memory_space<hbm>>
    %dma_start3A_117 = tpu.memref_slice %arg3[%add3A_115] : memref<320000xi32, #tpu.memory_space<hbm>> -> memref<40xi32, #tpu.memory_space<hbm>>
    tpu.enqueue_dma source(%dma_start3A_117 : memref<40xi32, #tpu.memory_space<hbm>>) target(%arg12 : memref<40xi32, #tpu.memory_space<vmem>>) target_semaphore(%arg30 : memref<!tpu.dma_semaphore, #tpu.memory_space<semaphore_mem>>)
    %dma_start3A_118 = tpu.memref_slice %arg4[%add3A_115] : memref<320000xi32, #tpu.memory_space<hbm>> -> memref<40xi32, #tpu.memory_space<hbm>>
    %dma_start3A_119 = tpu.memref_slice %arg4[%add3A_115] : memref<320000xi32, #tpu.memory_space<hbm>> -> memref<40xi32, #tpu.memory_space<hbm>>
    tpu.enqueue_dma source(%dma_start3A_119 : memref<40xi32, #tpu.memory_space<hbm>>) target(%arg14 : memref<40xi32, #tpu.memory_space<vmem>>) target_semaphore(%arg30 : memref<!tpu.dma_semaphore, #tpu.memory_space<semaphore_mem>>)
    %dma_start3A_120 = arith.constant 0 : i32
    %dma_start3A_121 = tpu.memref_slice %arg16[%dma_start3A_120] : memref<160xf32, #tpu.memory_space<vmem>> -> memref<40xf32, #tpu.memory_space<vmem>>
    %dma_start3A_122 = tpu.memref_slice %arg5[%add3A_115] : memref<320000xf32, #tpu.memory_space<hbm>> -> memref<40xf32, #tpu.memory_space<hbm>>
    %dma_start3A_123 = arith.constant 0 : i32
    %dma_start3A_124 = tpu.memref_slice %arg16[%dma_start3A_123] : memref<160xf32, #tpu.memory_space<vmem>> -> memref<40xf32, #tpu.memory_space<vmem>>
    %dma_start3A_125 = tpu.memref_slice %arg5[%add3A_115] : memref<320000xf32, #tpu.memory_space<hbm>> -> memref<40xf32, #tpu.memory_space<hbm>>
    tpu.enqueue_dma source(%dma_start3A_125 : memref<40xf32, #tpu.memory_space<hbm>>) target(%dma_start3A_124 : memref<40xf32, #tpu.memory_space<vmem>>) target_semaphore(%arg30 : memref<!tpu.dma_semaphore, #tpu.memory_space<semaphore_mem>>)
    %dma_start3A_126 = arith.constant 40 : i32
    %dma_start3A_127 = tpu.memref_slice %arg16[%dma_start3A_126] : memref<160xf32, #tpu.memory_space<vmem>> -> memref<40xf32, #tpu.memory_space<vmem>>
    %dma_start3A_128 = tpu.memref_slice %arg6[%add3A_115] : memref<320000xf32, #tpu.memory_space<hbm>> -> memref<40xf32, #tpu.memory_space<hbm>>
    %dma_start3A_129 = arith.constant 40 : i32
    %dma_start3A_130 = tpu.memref_slice %arg16[%dma_start3A_129] : memref<160xf32, #tpu.memory_space<vmem>> -> memref<40xf32, #tpu.memory_space<vmem>>
    %dma_start3A_131 = tpu.memref_slice %arg6[%add3A_115] : memref<320000xf32, #tpu.memory_space<hbm>> -> memref<40xf32, #tpu.memory_space<hbm>>
    tpu.enqueue_dma source(%dma_start3A_131 : memref<40xf32, #tpu.memory_space<hbm>>) target(%dma_start3A_130 : memref<40xf32, #tpu.memory_space<vmem>>) target_semaphore(%arg30 : memref<!tpu.dma_semaphore, #tpu.memory_space<semaphore_mem>>)
    %dma_start3A_132 = arith.constant 80 : i32
    %dma_start3A_133 = tpu.memref_slice %arg16[%dma_start3A_132] : memref<160xf32, #tpu.memory_space<vmem>> -> memref<40xf32, #tpu.memory_space<vmem>>
    %dma_start3A_134 = tpu.memref_slice %arg7[%add3A_115] : memref<320000xf32, #tpu.memory_space<hbm>> -> memref<40xf32, #tpu.memory_space<hbm>>
    %dma_start3A_135 = arith.constant 80 : i32
    %dma_start3A_136 = tpu.memref_slice %arg16[%dma_start3A_135] : memref<160xf32, #tpu.memory_space<vmem>> -> memref<40xf32, #tpu.memory_space<vmem>>
    %dma_start3A_137 = tpu.memref_slice %arg7[%add3A_115] : memref<320000xf32, #tpu.memory_space<hbm>> -> memref<40xf32, #tpu.memory_space<hbm>>
    tpu.enqueue_dma source(%dma_start3A_137 : memref<40xf32, #tpu.memory_space<hbm>>) target(%dma_start3A_136 : memref<40xf32, #tpu.memory_space<vmem>>) target_semaphore(%arg30 : memref<!tpu.dma_semaphore, #tpu.memory_space<semaphore_mem>>)
    %dma_start3A_138 = arith.constant 120 : i32
    %dma_start3A_139 = tpu.memref_slice %arg16[%dma_start3A_138] : memref<160xf32, #tpu.memory_space<vmem>> -> memref<40xf32, #tpu.memory_space<vmem>>
    %dma_start3A_140 = tpu.memref_slice %arg8[%add3A_115] : memref<320000xf32, #tpu.memory_space<hbm>> -> memref<40xf32, #tpu.memory_space<hbm>>
    %dma_start3A_141 = arith.constant 120 : i32
    %dma_start3A_142 = tpu.memref_slice %arg16[%dma_start3A_141] : memref<160xf32, #tpu.memory_space<vmem>> -> memref<40xf32, #tpu.memory_space<vmem>>
    %dma_start3A_143 = tpu.memref_slice %arg8[%add3A_115] : memref<320000xf32, #tpu.memory_space<hbm>> -> memref<40xf32, #tpu.memory_space<hbm>>
    tpu.enqueue_dma source(%dma_start3A_143 : memref<40xf32, #tpu.memory_space<hbm>>) target(%dma_start3A_142 : memref<40xf32, #tpu.memory_space<vmem>>) target_semaphore(%arg30 : memref<!tpu.dma_semaphore, #tpu.memory_space<semaphore_mem>>)
    %add3A_144 = arith.constant 0 : i32
    %add3A_145 = arith.addi %mul3A_84, %add3A_144 : i32
    %dma_wait3A = tpu.memref_slice %arg3[%add3A_145] : memref<320000xi32, #tpu.memory_space<hbm>> -> memref<40xi32, #tpu.memory_space<hbm>>
    %dma_wait3A_146 = tpu.memref_slice %arg3[%add3A_145] : memref<320000xi32, #tpu.memory_space<hbm>> -> memref<40xi32, #tpu.memory_space<hbm>>
    tpu.wait_dma2 semaphore(%arg29 : memref<!tpu.dma_semaphore, #tpu.memory_space<semaphore_mem>>) src(%dma_wait3A_146 : memref<40xi32, #tpu.memory_space<hbm>>) dst(%arg11 : memref<40xi32, #tpu.memory_space<vmem>>)
    %dma_wait3A_147 = tpu.memref_slice %arg4[%add3A_145] : memref<320000xi32, #tpu.memory_space<hbm>> -> memref<40xi32, #tpu.memory_space<hbm>>
    %dma_wait3A_148 = tpu.memref_slice %arg4[%add3A_145] : memref<320000xi32, #tpu.memory_space<hbm>> -> memref<40xi32, #tpu.memory_space<hbm>>
    tpu.wait_dma2 semaphore(%arg29 : memref<!tpu.dma_semaphore, #tpu.memory_space<semaphore_mem>>) src(%dma_wait3A_148 : memref<40xi32, #tpu.memory_space<hbm>>) dst(%arg13 : memref<40xi32, #tpu.memory_space<vmem>>)
    %dma_wait3A_149 = arith.constant 0 : i32
    %dma_wait3A_150 = tpu.memref_slice %arg15[%dma_wait3A_149] : memref<160xf32, #tpu.memory_space<vmem>> -> memref<40xf32, #tpu.memory_space<vmem>>
    %dma_wait3A_151 = tpu.memref_slice %arg5[%add3A_145] : memref<320000xf32, #tpu.memory_space<hbm>> -> memref<40xf32, #tpu.memory_space<hbm>>
    %dma_wait3A_152 = arith.constant 0 : i32
    %dma_wait3A_153 = tpu.memref_slice %arg15[%dma_wait3A_152] : memref<160xf32, #tpu.memory_space<vmem>> -> memref<40xf32, #tpu.memory_space<vmem>>
    %dma_wait3A_154 = tpu.memref_slice %arg5[%add3A_145] : memref<320000xf32, #tpu.memory_space<hbm>> -> memref<40xf32, #tpu.memory_space<hbm>>
    tpu.wait_dma2 semaphore(%arg29 : memref<!tpu.dma_semaphore, #tpu.memory_space<semaphore_mem>>) src(%dma_wait3A_154 : memref<40xf32, #tpu.memory_space<hbm>>) dst(%dma_wait3A_153 : memref<40xf32, #tpu.memory_space<vmem>>)
    %dma_wait3A_155 = arith.constant 40 : i32
    %dma_wait3A_156 = tpu.memref_slice %arg15[%dma_wait3A_155] : memref<160xf32, #tpu.memory_space<vmem>> -> memref<40xf32, #tpu.memory_space<vmem>>
    %dma_wait3A_157 = tpu.memref_slice %arg6[%add3A_145] : memref<320000xf32, #tpu.memory_space<hbm>> -> memref<40xf32, #tpu.memory_space<hbm>>
    %dma_wait3A_158 = arith.constant 40 : i32
    %dma_wait3A_159 = tpu.memref_slice %arg15[%dma_wait3A_158] : memref<160xf32, #tpu.memory_space<vmem>> -> memref<40xf32, #tpu.memory_space<vmem>>
    %dma_wait3A_160 = tpu.memref_slice %arg6[%add3A_145] : memref<320000xf32, #tpu.memory_space<hbm>> -> memref<40xf32, #tpu.memory_space<hbm>>
    tpu.wait_dma2 semaphore(%arg29 : memref<!tpu.dma_semaphore, #tpu.memory_space<semaphore_mem>>) src(%dma_wait3A_160 : memref<40xf32, #tpu.memory_space<hbm>>) dst(%dma_wait3A_159 : memref<40xf32, #tpu.memory_space<vmem>>)
    %dma_wait3A_161 = arith.constant 80 : i32
    %dma_wait3A_162 = tpu.memref_slice %arg15[%dma_wait3A_161] : memref<160xf32, #tpu.memory_space<vmem>> -> memref<40xf32, #tpu.memory_space<vmem>>
    %dma_wait3A_163 = tpu.memref_slice %arg7[%add3A_145] : memref<320000xf32, #tpu.memory_space<hbm>> -> memref<40xf32, #tpu.memory_space<hbm>>
    %dma_wait3A_164 = arith.constant 80 : i32
    %dma_wait3A_165 = tpu.memref_slice %arg15[%dma_wait3A_164] : memref<160xf32, #tpu.memory_space<vmem>> -> memref<40xf32, #tpu.memory_space<vmem>>
    %dma_wait3A_166 = tpu.memref_slice %arg7[%add3A_145] : memref<320000xf32, #tpu.memory_space<hbm>> -> memref<40xf32, #tpu.memory_space<hbm>>
    tpu.wait_dma2 semaphore(%arg29 : memref<!tpu.dma_semaphore, #tpu.memory_space<semaphore_mem>>) src(%dma_wait3A_166 : memref<40xf32, #tpu.memory_space<hbm>>) dst(%dma_wait3A_165 : memref<40xf32, #tpu.memory_space<vmem>>)
    %dma_wait3A_167 = arith.constant 120 : i32
    %dma_wait3A_168 = tpu.memref_slice %arg15[%dma_wait3A_167] : memref<160xf32, #tpu.memory_space<vmem>> -> memref<40xf32, #tpu.memory_space<vmem>>
    %dma_wait3A_169 = tpu.memref_slice %arg8[%add3A_145] : memref<320000xf32, #tpu.memory_space<hbm>> -> memref<40xf32, #tpu.memory_space<hbm>>
    %dma_wait3A_170 = arith.constant 120 : i32
    %dma_wait3A_171 = tpu.memref_slice %arg15[%dma_wait3A_170] : memref<160xf32, #tpu.memory_space<vmem>> -> memref<40xf32, #tpu.memory_space<vmem>>
    %dma_wait3A_172 = tpu.memref_slice %arg8[%add3A_145] : memref<320000xf32, #tpu.memory_space<hbm>> -> memref<40xf32, #tpu.memory_space<hbm>>
    tpu.wait_dma2 semaphore(%arg29 : memref<!tpu.dma_semaphore, #tpu.memory_space<semaphore_mem>>) src(%dma_wait3A_172 : memref<40xf32, #tpu.memory_space<hbm>>) dst(%dma_wait3A_171 : memref<40xf32, #tpu.memory_space<vmem>>)
    %dma_start3A_173 = arith.constant 0 : i32
    %dma_start3A_174 = arith.constant 0 : i32
    %dma_start3A_175 = tpu.memref_slice %arg2[%dma_start3A_173, %dma_start3A_174] : memref<10000x256xi32, #tpu.memory_space<hbm>> -> memref<10000x256xi32, #tpu.memory_space<hbm>>
    tpu.enqueue_indirect_dma source(%dma_start3A_175 : memref<10000x256xi32, #tpu.memory_space<hbm>>) target(%arg19 : memref<40x256xi32, #tpu.memory_space<vmem>>) offsets(%arg11 : memref<40xi32, #tpu.memory_space<vmem>>) semaphore(%arg25 : memref<!tpu.dma_semaphore, #tpu.memory_space<semaphore_mem>>)
    %scan3A_176 = arith.constant 0 : i32
    %scan3A_177 = arith.constant 0 : i32
    %scan3A_178 = arith.constant 125 : i32
    %scan3A_179 = arith.addi %scan3A_177, %scan3A_178 : i32
    %scan3A_180 = arith.constant 1 : i32
    %scan3A_181 = scf.for %scan3A_191 = %scan3A_177 to %scan3A_179 step %scan3A_180 iter_args(%scan3A_192 = %scan3A_176) -> (i32)  : i32 {
      %mul3A_193 = arith.constant 2 : i32
      %mul3A_194 = arith.muli %scan3A_191, %mul3A_193 : i32
      %add3A_195 = arith.constant 0 : i32
      %add3A_196 = arith.addi %mul3A_194, %add3A_195 : i32
      %dma_wait3A_197 = arith.constant 0 : i32
      %dma_wait3A_198 = arith.constant 0 : i32
      %dma_wait3A_199 = tpu.memref_slice %arg2[%dma_wait3A_197, %dma_wait3A_198] : memref<10000x256xi32, #tpu.memory_space<hbm>> -> memref<10000x256xi32, #tpu.memory_space<hbm>>
      tpu.wait_indirect_dma semaphore(%arg25 : memref<!tpu.dma_semaphore, #tpu.memory_space<semaphore_mem>>) src(%dma_wait3A_199 : memref<10000x256xi32, #tpu.memory_space<hbm>>) dst(%arg19 : memref<40x256xi32, #tpu.memory_space<vmem>>)
      %ge3A = arith.constant 1 : i32
      %ge3A_200 = arith.cmpi sge, %add3A_196, %ge3A : i32
      %convert_element_type3A = arith.extui %ge3A_200 : i1 to i32
      %cond3A = arith.constant 0 : i32
      %cond3A_201 = arith.cmpi ne, %convert_element_type3A, %cond3A : i32
      scf.if %cond3A_201 {
        %dma_wait3A_275 = arith.constant 0 : i32
        %dma_wait3A_276 = arith.constant 0 : i32
        %dma_wait3A_277 = tpu.memref_slice %arg24[%dma_wait3A_275, %dma_wait3A_276] : memref<10240x128xf32, #tpu.memory_space<vmem_shared>> -> memref<10240x128xf32, #tpu.memory_space<vmem_shared>>
        tpu.wait_indirect_dma semaphore(%arg28 : memref<!tpu.dma_semaphore, #tpu.memory_space<semaphore_mem>>) src(%arg22 : memref<40x128xf32, #tpu.memory_space<vmem>>) dst(%dma_wait3A_277 : memref<10240x128xf32, #tpu.memory_space<vmem_shared>>)
      } else {
      }
      %get3A = arith.constant 0 : index
      %get3A_202 = tpu.vector_load %arg13[%get3A] {strides = array<i32>} : memref<40xi32, #tpu.memory_space<vmem>>, vector<16xi32>,
      %swap3A = arith.constant 0 : index
      %swap3A_203 = tpu.vector_load %arg17[%swap3A] {strides = array<i32>} : memref<40xi32, #tpu.memory_space<vmem>>, vector<16xi32>,
      tpu.vector_store %arg17[%swap3A], %get3A_202 {strides = array<i32>} : memref<40xi32, #tpu.memory_space<vmem>>, vector<16xi32>,
      %get3A_204 = arith.constant 16 : index
      %get3A_205 = tpu.vector_load %arg13[%get3A_204] {strides = array<i32>} : memref<40xi32, #tpu.memory_space<vmem>>, vector<16xi32>,
      %swap3A_206 = arith.constant 16 : index
      %swap3A_207 = tpu.vector_load %arg17[%swap3A_206] {strides = array<i32>} : memref<40xi32, #tpu.memory_space<vmem>>, vector<16xi32>,
      tpu.vector_store %arg17[%swap3A_206], %get3A_205 {strides = array<i32>} : memref<40xi32, #tpu.memory_space<vmem>>, vector<16xi32>,
      %get3A_208 = arith.constant 24 : index
      %get3A_209 = tpu.vector_load %arg13[%get3A_208] {strides = array<i32>} : memref<40xi32, #tpu.memory_space<vmem>>, vector<16xi32>,
      %swap3A_210 = arith.constant 24 : index
      %swap3A_211 = tpu.vector_load %arg17[%swap3A_210] {strides = array<i32>} : memref<40xi32, #tpu.memory_space<vmem>>, vector<16xi32>,
      tpu.vector_store %arg17[%swap3A_210], %get3A_209 {strides = array<i32>} : memref<40xi32, #tpu.memory_space<vmem>>, vector<16xi32>,
      %add3A_212 = arith.constant 1 : i32
      %add3A_213 = arith.addi %add3A_196, %add3A_212 : i32
      %lt3A = arith.constant 250 : i32
      %lt3A_214 = arith.cmpi slt, %add3A_213, %lt3A : i32
      %convert_element_type3A_215 = arith.extui %lt3A_214 : i1 to i32
      %cond3A_216 = arith.constant 0 : i32
      %cond3A_217 = arith.cmpi ne, %convert_element_type3A_215, %cond3A_216 : i32
      scf.if %cond3A_217 {
        %add3A_275 = arith.constant 1 : i32
        %add3A_276 = arith.addi %add3A_196, %add3A_275 : i32
        %mul3A_277 = arith.constant 40 : i32
        %mul3A_278 = arith.muli %add3A_276, %mul3A_277 : i32
        %add3A_279 = arith.addi %mul3A_84, %mul3A_278 : i32
        %dma_wait3A_280 = tpu.memref_slice %arg3[%add3A_279] : memref<320000xi32, #tpu.memory_space<hbm>> -> memref<40xi32, #tpu.memory_space<hbm>>
        %dma_wait3A_281 = tpu.memref_slice %arg3[%add3A_279] : memref<320000xi32, #tpu.memory_space<hbm>> -> memref<40xi32, #tpu.memory_space<hbm>>
        tpu.wait_dma2 semaphore(%arg30 : memref<!tpu.dma_semaphore, #tpu.memory_space<semaphore_mem>>) src(%dma_wait3A_281 : memref<40xi32, #tpu.memory_space<hbm>>) dst(%arg12 : memref<40xi32, #tpu.memory_space<vmem>>)
        %dma_wait3A_282 = tpu.memref_slice %arg4[%add3A_279] : memref<320000xi32, #tpu.memory_space<hbm>> -> memref<40xi32, #tpu.memory_space<hbm>>
        %dma_wait3A_283 = tpu.memref_slice %arg4[%add3A_279] : memref<320000xi32, #tpu.memory_space<hbm>> -> memref<40xi32, #tpu.memory_space<hbm>>
        tpu.wait_dma2 semaphore(%arg30 : memref<!tpu.dma_semaphore, #tpu.memory_space<semaphore_mem>>) src(%dma_wait3A_283 : memref<40xi32, #tpu.memory_space<hbm>>) dst(%arg14 : memref<40xi32, #tpu.memory_space<vmem>>)
        %dma_wait3A_284 = arith.constant 0 : i32
        %dma_wait3A_285 = tpu.memref_slice %arg16[%dma_wait3A_284] : memref<160xf32, #tpu.memory_space<vmem>> -> memref<40xf32, #tpu.memory_space<vmem>>
        %dma_wait3A_286 = tpu.memref_slice %arg5[%add3A_279] : memref<320000xf32, #tpu.memory_space<hbm>> -> memref<40xf32, #tpu.memory_space<hbm>>
        %dma_wait3A_287 = arith.constant 0 : i32
        %dma_wait3A_288 = tpu.memref_slice %arg16[%dma_wait3A_287] : memref<160xf32, #tpu.memory_space<vmem>> -> memref<40xf32, #tpu.memory_space<vmem>>
        %dma_wait3A_289 = tpu.memref_slice %arg5[%add3A_279] : memref<320000xf32, #tpu.memory_space<hbm>> -> memref<40xf32, #tpu.memory_space<hbm>>
        tpu.wait_dma2 semaphore(%arg30 : memref<!tpu.dma_semaphore, #tpu.memory_space<semaphore_mem>>) src(%dma_wait3A_289 : memref<40xf32, #tpu.memory_space<hbm>>) dst(%dma_wait3A_288 : memref<40xf32, #tpu.memory_space<vmem>>)
        %dma_wait3A_290 = arith.constant 40 : i32
        %dma_wait3A_291 = tpu.memref_slice %arg16[%dma_wait3A_290] : memref<160xf32, #tpu.memory_space<vmem>> -> memref<40xf32, #tpu.memory_space<vmem>>
        %dma_wait3A_292 = tpu.memref_slice %arg6[%add3A_279] : memref<320000xf32, #tpu.memory_space<hbm>> -> memref<40xf32, #tpu.memory_space<hbm>>
        %dma_wait3A_293 = arith.constant 40 : i32
        %dma_wait3A_294 = tpu.memref_slice %arg16[%dma_wait3A_293] : memref<160xf32, #tpu.memory_space<vmem>> -> memref<40xf32, #tpu.memory_space<vmem>>
        %dma_wait3A_295 = tpu.memref_slice %arg6[%add3A_279] : memref<320000xf32, #tpu.memory_space<hbm>> -> memref<40xf32, #tpu.memory_space<hbm>>
        tpu.wait_dma2 semaphore(%arg30 : memref<!tpu.dma_semaphore, #tpu.memory_space<semaphore_mem>>) src(%dma_wait3A_295 : memref<40xf32, #tpu.memory_space<hbm>>) dst(%dma_wait3A_294 : memref<40xf32, #tpu.memory_space<vmem>>)
        %dma_wait3A_296 = arith.constant 80 : i32
        %dma_wait3A_297 = tpu.memref_slice %arg16[%dma_wait3A_296] : memref<160xf32, #tpu.memory_space<vmem>> -> memref<40xf32, #tpu.memory_space<vmem>>
        %dma_wait3A_298 = tpu.memref_slice %arg7[%add3A_279] : memref<320000xf32, #tpu.memory_space<hbm>> -> memref<40xf32, #tpu.memory_space<hbm>>
        %dma_wait3A_299 = arith.constant 80 : i32
        %dma_wait3A_300 = tpu.memref_slice %arg16[%dma_wait3A_299] : memref<160xf32, #tpu.memory_space<vmem>> -> memref<40xf32, #tpu.memory_space<vmem>>
        %dma_wait3A_301 = tpu.memref_slice %arg7[%add3A_279] : memref<320000xf32, #tpu.memory_space<hbm>> -> memref<40xf32, #tpu.memory_space<hbm>>
        tpu.wait_dma2 semaphore(%arg30 : memref<!tpu.dma_semaphore, #tpu.memory_space<semaphore_mem>>) src(%dma_wait3A_301 : memref<40xf32, #tpu.memory_space<hbm>>) dst(%dma_wait3A_300 : memref<40xf32, #tpu.memory_space<vmem>>)
        %dma_wait3A_302 = arith.constant 120 : i32
        %dma_wait3A_303 = tpu.memref_slice %arg16[%dma_wait3A_302] : memref<160xf32, #tpu.memory_space<vmem>> -> memref<40xf32, #tpu.memory_space<vmem>>
        %dma_wait3A_304 = tpu.memref_slice %arg8[%add3A_279] : memref<320000xf32, #tpu.memory_space<hbm>> -> memref<40xf32, #tpu.memory_space<hbm>>
        %dma_wait3A_305 = arith.constant 120 : i32
        %dma_wait3A_306 = tpu.memref_slice %arg16[%dma_wait3A_305] : memref<160xf32, #tpu.memory_space<vmem>> -> memref<40xf32, #tpu.memory_space<vmem>>
        %dma_wait3A_307 = tpu.memref_slice %arg8[%add3A_279] : memref<320000xf32, #tpu.memory_space<hbm>> -> memref<40xf32, #tpu.memory_space<hbm>>
        tpu.wait_dma2 semaphore(%arg30 : memref<!tpu.dma_semaphore, #tpu.memory_space<semaphore_mem>>) src(%dma_wait3A_307 : memref<40xf32, #tpu.memory_space<hbm>>) dst(%dma_wait3A_306 : memref<40xf32, #tpu.memory_space<vmem>>)
        %dma_start3A_308 = arith.constant 0 : i32
        %dma_start3A_309 = arith.constant 0 : i32
        %dma_start3A_310 = tpu.memref_slice %arg2[%dma_start3A_308, %dma_start3A_309] : memref<10000x256xi32, #tpu.memory_space<hbm>> -> memref<10000x256xi32, #tpu.memory_space<hbm>>
        tpu.enqueue_indirect_dma source(%dma_start3A_310 : memref<10000x256xi32, #tpu.memory_space<hbm>>) target(%arg20 : memref<40x256xi32, #tpu.memory_space<vmem>>) offsets(%arg12 : memref<40xi32, #tpu.memory_space<vmem>>) semaphore(%arg26 : memref<!tpu.dma_semaphore, #tpu.memory_space<semaphore_mem>>)
      } else {
      }
      %parallel_loop3A = arith.constant 0 : i32
      %parallel_loop3A_218 = arith.constant 40 : i32
      %parallel_loop3A_219 = arith.constant 1 : i32
      scf.for %parallel_loop3A_275 = %parallel_loop3A to %parallel_loop3A_218 step %parallel_loop3A_219  : i32 {
        %parallel_loop3A_276 = vector.broadcast %parallel_loop3A_275 : i32 to vector<16xi32>
        %parallel_loop3A_277 = tpu.vector_load_idx %arg15[%parallel_loop3A_276] : memref<160xf32, #tpu.memory_space<vmem>>[vector<16xi32>], vector<16xf32>,
        %parallel_loop3A_278 = arith.constant 40 : i32
        %parallel_loop3A_279 = arith.addi %parallel_loop3A_278, %parallel_loop3A_275 : i32
        %parallel_loop3A_280 = vector.broadcast %parallel_loop3A_279 : i32 to vector<16xi32>
        %parallel_loop3A_281 = tpu.vector_load_idx %arg15[%parallel_loop3A_280] : memref<160xf32, #tpu.memory_space<vmem>>[vector<16xi32>], vector<16xf32>,
        %parallel_loop3A_282 = arith.constant 80 : i32
        %parallel_loop3A_283 = arith.addi %parallel_loop3A_282, %parallel_loop3A_275 : i32
        %parallel_loop3A_284 = vector.broadcast %parallel_loop3A_283 : i32 to vector<16xi32>
        %parallel_loop3A_285 = tpu.vector_load_idx %arg15[%parallel_loop3A_284] : memref<160xf32, #tpu.memory_space<vmem>>[vector<16xi32>], vector<16xf32>,
        %parallel_loop3A_286 = arith.constant 120 : i32
        %parallel_loop3A_287 = arith.addi %parallel_loop3A_286, %parallel_loop3A_275 : i32
        %parallel_loop3A_288 = vector.broadcast %parallel_loop3A_287 : i32 to vector<16xi32>
        %parallel_loop3A_289 = tpu.vector_load_idx %arg15[%parallel_loop3A_288] : memref<160xf32, #tpu.memory_space<vmem>>[vector<16xi32>], vector<16xf32>,
        %parallel_loop3A_290 = tpu.pack_subelements %parallel_loop3A_277, %parallel_loop3A_277 {pack_format = #tpu.pack_format<interleaved>, positions = array<i32: 0, 1>} : vector<16xf32>, vector<16xf32> -> vector<32xbf16>
        %parallel_loop3A_291 = tpu.pack_subelements %parallel_loop3A_281, %parallel_loop3A_281 {pack_format = #tpu.pack_format<interleaved>, positions = array<i32: 0, 1>} : vector<16xf32>, vector<16xf32> -> vector<32xbf16>
        %parallel_loop3A_292 = tpu.pack_subelements %parallel_loop3A_285, %parallel_loop3A_285 {pack_format = #tpu.pack_format<interleaved>, positions = array<i32: 0, 1>} : vector<16xf32>, vector<16xf32> -> vector<32xbf16>
        %parallel_loop3A_293 = tpu.pack_subelements %parallel_loop3A_289, %parallel_loop3A_289 {pack_format = #tpu.pack_format<interleaved>, positions = array<i32: 0, 1>} : vector<16xf32>, vector<16xf32> -> vector<32xbf16>
        %parallel_loop3A_294 = arith.index_cast %parallel_loop3A_275 : i32 to index
        %parallel_loop3A_295 = arith.constant 0 : index
        %parallel_loop3A_296 = tpu.vector_load %arg19[%parallel_loop3A_294, %parallel_loop3A_295] {strides = array<i32>} : memref<40x256xi32, #tpu.memory_space<vmem>>, vector<16xi32>,
        %parallel_loop3A_297 = vector.bitcast %parallel_loop3A_296 : vector<16xi32> to vector<32xbf16>
        %parallel_loop3A_298 = arith.mulf %parallel_loop3A_290, %parallel_loop3A_297 : vector<32xbf16>
        %parallel_loop3A_299 = arith.index_cast %parallel_loop3A_275 : i32 to index
        %parallel_loop3A_300 = arith.constant 64 : index
        %parallel_loop3A_301 = tpu.vector_load %arg19[%parallel_loop3A_299, %parallel_loop3A_300] {strides = array<i32>} : memref<40x256xi32, #tpu.memory_space<vmem>>, vector<16xi32>,
        %parallel_loop3A_302 = vector.bitcast %parallel_loop3A_301 : vector<16xi32> to vector<32xbf16>
        %parallel_loop3A_303 = arith.mulf %parallel_loop3A_291, %parallel_loop3A_302 : vector<32xbf16>
        %parallel_loop3A_304 = arith.addf %parallel_loop3A_298, %parallel_loop3A_303 : vector<32xbf16>
        %parallel_loop3A_305 = arith.index_cast %parallel_loop3A_275 : i32 to index
        %parallel_loop3A_306 = arith.constant 128 : index
        %parallel_loop3A_307 = tpu.vector_load %arg19[%parallel_loop3A_305, %parallel_loop3A_306] {strides = array<i32>} : memref<40x256xi32, #tpu.memory_space<vmem>>, vector<16xi32>,
        %parallel_loop3A_308 = vector.bitcast %parallel_loop3A_307 : vector<16xi32> to vector<32xbf16>
        %parallel_loop3A_309 = arith.mulf %parallel_loop3A_292, %parallel_loop3A_308 : vector<32xbf16>
        %parallel_loop3A_310 = arith.addf %parallel_loop3A_304, %parallel_loop3A_309 : vector<32xbf16>
        %parallel_loop3A_311 = arith.index_cast %parallel_loop3A_275 : i32 to index
        %parallel_loop3A_312 = arith.constant 192 : index
        %parallel_loop3A_313 = tpu.vector_load %arg19[%parallel_loop3A_311, %parallel_loop3A_312] {strides = array<i32>} : memref<40x256xi32, #tpu.memory_space<vmem>>, vector<16xi32>,
        %parallel_loop3A_314 = vector.bitcast %parallel_loop3A_313 : vector<16xi32> to vector<32xbf16>
        %parallel_loop3A_315 = arith.mulf %parallel_loop3A_293, %parallel_loop3A_314 : vector<32xbf16>
        %parallel_loop3A_316 = arith.addf %parallel_loop3A_310, %parallel_loop3A_315 : vector<32xbf16>
        %parallel_loop3A_317 = tpu.unpack_subelements %parallel_loop3A_316, 0 {pack_format = #tpu.pack_format<interleaved>} : vector<32xbf16> -> vector<16xf32>
        %parallel_loop3A_318 = tpu.unpack_subelements %parallel_loop3A_316, 1 {pack_format = #tpu.pack_format<interleaved>} : vector<32xbf16> -> vector<16xf32>
        %parallel_loop3A_319 = arith.index_cast %parallel_loop3A_275 : i32 to index
        %parallel_loop3A_320 = arith.constant 0 : index
        %parallel_loop3A_321 = tpu.vector_load %arg21[%parallel_loop3A_319, %parallel_loop3A_320] {strides = array<i32>} : memref<40x128xf32, #tpu.memory_space<vmem>>, vector<16xf32>,
        tpu.vector_store %arg21[%parallel_loop3A_319, %parallel_loop3A_320], %parallel_loop3A_317 {strides = array<i32>} : memref<40x128xf32, #tpu.memory_space<vmem>>, vector<16xf32>,
        %parallel_loop3A_322 = arith.index_cast %parallel_loop3A_275 : i32 to index
        %parallel_loop3A_323 = arith.constant 16 : index
        %parallel_loop3A_324 = tpu.vector_load %arg21[%parallel_loop3A_322, %parallel_loop3A_323] {strides = array<i32>} : memref<40x128xf32, #tpu.memory_space<vmem>>, vector<16xf32>,
        tpu.vector_store %arg21[%parallel_loop3A_322, %parallel_loop3A_323], %parallel_loop3A_318 {strides = array<i32>} : memref<40x128xf32, #tpu.memory_space<vmem>>, vector<16xf32>,
        %parallel_loop3A_325 = arith.index_cast %parallel_loop3A_275 : i32 to index
        %parallel_loop3A_326 = arith.constant 16 : index
        %parallel_loop3A_327 = tpu.vector_load %arg19[%parallel_loop3A_325, %parallel_loop3A_326] {strides = array<i32>} : memref<40x256xi32, #tpu.memory_space<vmem>>, vector<16xi32>,
        %parallel_loop3A_328 = vector.bitcast %parallel_loop3A_327 : vector<16xi32> to vector<32xbf16>
        %parallel_loop3A_329 = arith.mulf %parallel_loop3A_290, %parallel_loop3A_328 : vector<32xbf16>
        %parallel_loop3A_330 = arith.index_cast %parallel_loop3A_275 : i32 to index
        %parallel_loop3A_331 = arith.constant 80 : index
        %parallel_loop3A_332 = tpu.vector_load %arg19[%parallel_loop3A_330, %parallel_loop3A_331] {strides = array<i32>} : memref<40x256xi32, #tpu.memory_space<vmem>>, vector<16xi32>,
        %parallel_loop3A_333 = vector.bitcast %parallel_loop3A_332 : vector<16xi32> to vector<32xbf16>
        %parallel_loop3A_334 = arith.mulf %parallel_loop3A_291, %parallel_loop3A_333 : vector<32xbf16>
        %parallel_loop3A_335 = arith.addf %parallel_loop3A_329, %parallel_loop3A_334 : vector<32xbf16>
        %parallel_loop3A_336 = arith.index_cast %parallel_loop3A_275 : i32 to index
        %parallel_loop3A_337 = arith.constant 144 : index
        %parallel_loop3A_338 = tpu.vector_load %arg19[%parallel_loop3A_336, %parallel_loop3A_337] {strides = array<i32>} : memref<40x256xi32, #tpu.memory_space<vmem>>, vector<16xi32>,
        %parallel_loop3A_339 = vector.bitcast %parallel_loop3A_338 : vector<16xi32> to vector<32xbf16>
        %parallel_loop3A_340 = arith.mulf %parallel_loop3A_292, %parallel_loop3A_339 : vector<32xbf16>
        %parallel_loop3A_341 = arith.addf %parallel_loop3A_335, %parallel_loop3A_340 : vector<32xbf16>
        %parallel_loop3A_342 = arith.index_cast %parallel_loop3A_275 : i32 to index
        %parallel_loop3A_343 = arith.constant 208 : index
        %parallel_loop3A_344 = tpu.vector_load %arg19[%parallel_loop3A_342, %parallel_loop3A_343] {strides = array<i32>} : memref<40x256xi32, #tpu.memory_space<vmem>>, vector<16xi32>,
        %parallel_loop3A_345 = vector.bitcast %parallel_loop3A_344 : vector<16xi32> to vector<32xbf16>
        %parallel_loop3A_346 = arith.mulf %parallel_loop3A_293, %parallel_loop3A_345 : vector<32xbf16>
        %parallel_loop3A_347 = arith.addf %parallel_loop3A_341, %parallel_loop3A_346 : vector<32xbf16>
        %parallel_loop3A_348 = tpu.unpack_subelements %parallel_loop3A_347, 0 {pack_format = #tpu.pack_format<interleaved>} : vector<32xbf16> -> vector<16xf32>
        %parallel_loop3A_349 = tpu.unpack_subelements %parallel_loop3A_347, 1 {pack_format = #tpu.pack_format<interleaved>} : vector<32xbf16> -> vector<16xf32>
        %parallel_loop3A_350 = arith.index_cast %parallel_loop3A_275 : i32 to index
        %parallel_loop3A_351 = arith.constant 32 : index
        %parallel_loop3A_352 = tpu.vector_load %arg21[%parallel_loop3A_350, %parallel_loop3A_351] {strides = array<i32>} : memref<40x128xf32, #tpu.memory_space<vmem>>, vector<16xf32>,
        tpu.vector_store %arg21[%parallel_loop3A_350, %parallel_loop3A_351], %parallel_loop3A_348 {strides = array<i32>} : memref<40x128xf32, #tpu.memory_space<vmem>>, vector<16xf32>,
        %parallel_loop3A_353 = arith.index_cast %parallel_loop3A_275 : i32 to index
        %parallel_loop3A_354 = arith.constant 48 : index
        %parallel_loop3A_355 = tpu.vector_load %arg21[%parallel_loop3A_353, %parallel_loop3A_354] {strides = array<i32>} : memref<40x128xf32, #tpu.memory_space<vmem>>, vector<16xf32>,
        tpu.vector_store %arg21[%parallel_loop3A_353, %parallel_loop3A_354], %parallel_loop3A_349 {strides = array<i32>} : memref<40x128xf32, #tpu.memory_space<vmem>>, vector<16xf32>,
        %parallel_loop3A_356 = arith.index_cast %parallel_loop3A_275 : i32 to index
        %parallel_loop3A_357 = arith.constant 32 : index
        %parallel_loop3A_358 = tpu.vector_load %arg19[%parallel_loop3A_356, %parallel_loop3A_357] {strides = array<i32>} : memref<40x256xi32, #tpu.memory_space<vmem>>, vector<16xi32>,
        %parallel_loop3A_359 = vector.bitcast %parallel_loop3A_358 : vector<16xi32> to vector<32xbf16>
        %parallel_loop3A_360 = arith.mulf %parallel_loop3A_290, %parallel_loop3A_359 : vector<32xbf16>
        %parallel_loop3A_361 = arith.index_cast %parallel_loop3A_275 : i32 to index
        %parallel_loop3A_362 = arith.constant 96 : index
        %parallel_loop3A_363 = tpu.vector_load %arg19[%parallel_loop3A_361, %parallel_loop3A_362] {strides = array<i32>} : memref<40x256xi32, #tpu.memory_space<vmem>>, vector<16xi32>,
        %parallel_loop3A_364 = vector.bitcast %parallel_loop3A_363 : vector<16xi32> to vector<32xbf16>
        %parallel_loop3A_365 = arith.mulf %parallel_loop3A_291, %parallel_loop3A_364 : vector<32xbf16>
        %parallel_loop3A_366 = arith.addf %parallel_loop3A_360, %parallel_loop3A_365 : vector<32xbf16>
        %parallel_loop3A_367 = arith.index_cast %parallel_loop3A_275 : i32 to index
        %parallel_loop3A_368 = arith.constant 160 : index
        %parallel_loop3A_369 = tpu.vector_load %arg19[%parallel_loop3A_367, %parallel_loop3A_368] {strides = array<i32>} : memref<40x256xi32, #tpu.memory_space<vmem>>, vector<16xi32>,
        %parallel_loop3A_370 = vector.bitcast %parallel_loop3A_369 : vector<16xi32> to vector<32xbf16>
        %parallel_loop3A_371 = arith.mulf %parallel_loop3A_292, %parallel_loop3A_370 : vector<32xbf16>
        %parallel_loop3A_372 = arith.addf %parallel_loop3A_366, %parallel_loop3A_371 : vector<32xbf16>
        %parallel_loop3A_373 = arith.index_cast %parallel_loop3A_275 : i32 to index
        %parallel_loop3A_374 = arith.constant 224 : index
        %parallel_loop3A_375 = tpu.vector_load %arg19[%parallel_loop3A_373, %parallel_loop3A_374] {strides = array<i32>} : memref<40x256xi32, #tpu.memory_space<vmem>>, vector<16xi32>,
        %parallel_loop3A_376 = vector.bitcast %parallel_loop3A_375 : vector<16xi32> to vector<32xbf16>
        %parallel_loop3A_377 = arith.mulf %parallel_loop3A_293, %parallel_loop3A_376 : vector<32xbf16>
        %parallel_loop3A_378 = arith.addf %parallel_loop3A_372, %parallel_loop3A_377 : vector<32xbf16>
        %parallel_loop3A_379 = tpu.unpack_subelements %parallel_loop3A_378, 0 {pack_format = #tpu.pack_format<interleaved>} : vector<32xbf16> -> vector<16xf32>
        %parallel_loop3A_380 = tpu.unpack_subelements %parallel_loop3A_378, 1 {pack_format = #tpu.pack_format<interleaved>} : vector<32xbf16> -> vector<16xf32>
        %parallel_loop3A_381 = arith.index_cast %parallel_loop3A_275 : i32 to index
        %parallel_loop3A_382 = arith.constant 64 : index
        %parallel_loop3A_383 = tpu.vector_load %arg21[%parallel_loop3A_381, %parallel_loop3A_382] {strides = array<i32>} : memref<40x128xf32, #tpu.memory_space<vmem>>, vector<16xf32>,
        tpu.vector_store %arg21[%parallel_loop3A_381, %parallel_loop3A_382], %parallel_loop3A_379 {strides = array<i32>} : memref<40x128xf32, #tpu.memory_space<vmem>>, vector<16xf32>,
        %parallel_loop3A_384 = arith.index_cast %parallel_loop3A_275 : i32 to index
        %parallel_loop3A_385 = arith.constant 80 : index
        %parallel_loop3A_386 = tpu.vector_load %arg21[%parallel_loop3A_384, %parallel_loop3A_385] {strides = array<i32>} : memref<40x128xf32, #tpu.memory_space<vmem>>, vector<16xf32>,
        tpu.vector_store %arg21[%parallel_loop3A_384, %parallel_loop3A_385], %parallel_loop3A_380 {strides = array<i32>} : memref<40x128xf32, #tpu.memory_space<vmem>>, vector<16xf32>,
        %parallel_loop3A_387 = arith.index_cast %parallel_loop3A_275 : i32 to index
        %parallel_loop3A_388 = arith.constant 48 : index
        %parallel_loop3A_389 = tpu.vector_load %arg19[%parallel_loop3A_387, %parallel_loop3A_388] {strides = array<i32>} : memref<40x256xi32, #tpu.memory_space<vmem>>, vector<16xi32>,
        %parallel_loop3A_390 = vector.bitcast %parallel_loop3A_389 : vector<16xi32> to vector<32xbf16>
        %parallel_loop3A_391 = arith.mulf %parallel_loop3A_290, %parallel_loop3A_390 : vector<32xbf16>
        %parallel_loop3A_392 = arith.index_cast %parallel_loop3A_275 : i32 to index
        %parallel_loop3A_393 = arith.constant 112 : index
        %parallel_loop3A_394 = tpu.vector_load %arg19[%parallel_loop3A_392, %parallel_loop3A_393] {strides = array<i32>} : memref<40x256xi32, #tpu.memory_space<vmem>>, vector<16xi32>,
        %parallel_loop3A_395 = vector.bitcast %parallel_loop3A_394 : vector<16xi32> to vector<32xbf16>
        %parallel_loop3A_396 = arith.mulf %parallel_loop3A_291, %parallel_loop3A_395 : vector<32xbf16>
        %parallel_loop3A_397 = arith.addf %parallel_loop3A_391, %parallel_loop3A_396 : vector<32xbf16>
        %parallel_loop3A_398 = arith.index_cast %parallel_loop3A_275 : i32 to index
        %parallel_loop3A_399 = arith.constant 176 : index
        %parallel_loop3A_400 = tpu.vector_load %arg19[%parallel_loop3A_398, %parallel_loop3A_399] {strides = array<i32>} : memref<40x256xi32, #tpu.memory_space<vmem>>, vector<16xi32>,
        %parallel_loop3A_401 = vector.bitcast %parallel_loop3A_400 : vector<16xi32> to vector<32xbf16>
        %parallel_loop3A_402 = arith.mulf %parallel_loop3A_292, %parallel_loop3A_401 : vector<32xbf16>
        %parallel_loop3A_403 = arith.addf %parallel_loop3A_397, %parallel_loop3A_402 : vector<32xbf16>
        %parallel_loop3A_404 = arith.index_cast %parallel_loop3A_275 : i32 to index
        %parallel_loop3A_405 = arith.constant 240 : index
        %parallel_loop3A_406 = tpu.vector_load %arg19[%parallel_loop3A_404, %parallel_loop3A_405] {strides = array<i32>} : memref<40x256xi32, #tpu.memory_space<vmem>>, vector<16xi32>,
        %parallel_loop3A_407 = vector.bitcast %parallel_loop3A_406 : vector<16xi32> to vector<32xbf16>
        %parallel_loop3A_408 = arith.mulf %parallel_loop3A_293, %parallel_loop3A_407 : vector<32xbf16>
        %parallel_loop3A_409 = arith.addf %parallel_loop3A_403, %parallel_loop3A_408 : vector<32xbf16>
        %parallel_loop3A_410 = tpu.unpack_subelements %parallel_loop3A_409, 0 {pack_format = #tpu.pack_format<interleaved>} : vector<32xbf16> -> vector<16xf32>
        %parallel_loop3A_411 = tpu.unpack_subelements %parallel_loop3A_409, 1 {pack_format = #tpu.pack_format<interleaved>} : vector<32xbf16> -> vector<16xf32>
        %parallel_loop3A_412 = arith.index_cast %parallel_loop3A_275 : i32 to index
        %parallel_loop3A_413 = arith.constant 96 : index
        %parallel_loop3A_414 = tpu.vector_load %arg21[%parallel_loop3A_412, %parallel_loop3A_413] {strides = array<i32>} : memref<40x128xf32, #tpu.memory_space<vmem>>, vector<16xf32>,
        tpu.vector_store %arg21[%parallel_loop3A_412, %parallel_loop3A_413], %parallel_loop3A_410 {strides = array<i32>} : memref<40x128xf32, #tpu.memory_space<vmem>>, vector<16xf32>,
        %parallel_loop3A_415 = arith.index_cast %parallel_loop3A_275 : i32 to index
        %parallel_loop3A_416 = arith.constant 112 : index
        %parallel_loop3A_417 = tpu.vector_load %arg21[%parallel_loop3A_415, %parallel_loop3A_416] {strides = array<i32>} : memref<40x128xf32, #tpu.memory_space<vmem>>, vector<16xf32>,
        tpu.vector_store %arg21[%parallel_loop3A_415, %parallel_loop3A_416], %parallel_loop3A_411 {strides = array<i32>} : memref<40x128xf32, #tpu.memory_space<vmem>>, vector<16xf32>,
        %parallel_loop3A_418 = vector.broadcast %parallel_loop3A_275 : i32 to vector<16xi32>
        %parallel_loop3A_419 = tpu.vector_load_idx %arg17[%parallel_loop3A_418] : memref<40xi32, #tpu.memory_space<vmem>>[vector<16xi32>], vector<16xi32>,
        tpu.vector_store_idx %arg23[%parallel_loop3A_419], %broadcast_in_dim3A_3 masked %eq3A_5 {add = true} : memref<10240xf32, #tpu.memory_space<vmem>>[vector<16xi32>], vector<16xf32>, vector<16xi1>
      } {sc.loop_unroll_factor = 4 : i64, sc.parallel_access}
      %dma_start3A_220 = arith.constant 0 : i32
      %dma_start3A_221 = arith.constant 0 : i32
      %dma_start3A_222 = tpu.memref_slice %arg24[%dma_start3A_220, %dma_start3A_221] : memref<10240x128xf32, #tpu.memory_space<vmem_shared>> -> memref<10240x128xf32, #tpu.memory_space<vmem_shared>>
      tpu.enqueue_indirect_dma source(%arg21 : memref<40x128xf32, #tpu.memory_space<vmem>>) target(%dma_start3A_222 : memref<10240x128xf32, #tpu.memory_space<vmem_shared>>) offsets(%arg17 : memref<40xi32, #tpu.memory_space<vmem>>) semaphore(%arg27 : memref<!tpu.dma_semaphore, #tpu.memory_space<semaphore_mem>>) {add = true}
      %add3A_223 = arith.constant 2 : i32
      %add3A_224 = arith.addi %add3A_196, %add3A_223 : i32
      %lt3A_225 = arith.constant 250 : i32
      %lt3A_226 = arith.cmpi slt, %add3A_224, %lt3A_225 : i32
      %convert_element_type3A_227 = arith.extui %lt3A_226 : i1 to i32
      %cond3A_228 = arith.constant 0 : i32
      %cond3A_229 = arith.cmpi ne, %convert_element_type3A_227, %cond3A_228 : i32
      scf.if %cond3A_229 {
        %add3A_275 = arith.constant 2 : i32
        %add3A_276 = arith.addi %add3A_196, %add3A_275 : i32
        %mul3A_277 = arith.constant 40 : i32
        %mul3A_278 = arith.muli %add3A_276, %mul3A_277 : i32
        %add3A_279 = arith.addi %mul3A_84, %mul3A_278 : i32
        %dma_start3A_280 = tpu.memref_slice %arg3[%add3A_279] : memref<320000xi32, #tpu.memory_space<hbm>> -> memref<40xi32, #tpu.memory_space<hbm>>
        %dma_start3A_281 = tpu.memref_slice %arg3[%add3A_279] : memref<320000xi32, #tpu.memory_space<hbm>> -> memref<40xi32, #tpu.memory_space<hbm>>
        tpu.enqueue_dma source(%dma_start3A_281 : memref<40xi32, #tpu.memory_space<hbm>>) target(%arg11 : memref<40xi32, #tpu.memory_space<vmem>>) target_semaphore(%arg29 : memref<!tpu.dma_semaphore, #tpu.memory_space<semaphore_mem>>)
        %dma_start3A_282 = tpu.memref_slice %arg4[%add3A_279] : memref<320000xi32, #tpu.memory_space<hbm>> -> memref<40xi32, #tpu.memory_space<hbm>>
        %dma_start3A_283 = tpu.memref_slice %arg4[%add3A_279] : memref<320000xi32, #tpu.memory_space<hbm>> -> memref<40xi32, #tpu.memory_space<hbm>>
        tpu.enqueue_dma source(%dma_start3A_283 : memref<40xi32, #tpu.memory_space<hbm>>) target(%arg13 : memref<40xi32, #tpu.memory_space<vmem>>) target_semaphore(%arg29 : memref<!tpu.dma_semaphore, #tpu.memory_space<semaphore_mem>>)
        %dma_start3A_284 = arith.constant 0 : i32
        %dma_start3A_285 = tpu.memref_slice %arg15[%dma_start3A_284] : memref<160xf32, #tpu.memory_space<vmem>> -> memref<40xf32, #tpu.memory_space<vmem>>
        %dma_start3A_286 = tpu.memref_slice %arg5[%add3A_279] : memref<320000xf32, #tpu.memory_space<hbm>> -> memref<40xf32, #tpu.memory_space<hbm>>
        %dma_start3A_287 = arith.constant 0 : i32
        %dma_start3A_288 = tpu.memref_slice %arg15[%dma_start3A_287] : memref<160xf32, #tpu.memory_space<vmem>> -> memref<40xf32, #tpu.memory_space<vmem>>
        %dma_start3A_289 = tpu.memref_slice %arg5[%add3A_279] : memref<320000xf32, #tpu.memory_space<hbm>> -> memref<40xf32, #tpu.memory_space<hbm>>
        tpu.enqueue_dma source(%dma_start3A_289 : memref<40xf32, #tpu.memory_space<hbm>>) target(%dma_start3A_288 : memref<40xf32, #tpu.memory_space<vmem>>) target_semaphore(%arg29 : memref<!tpu.dma_semaphore, #tpu.memory_space<semaphore_mem>>)
        %dma_start3A_290 = arith.constant 40 : i32
        %dma_start3A_291 = tpu.memref_slice %arg15[%dma_start3A_290] : memref<160xf32, #tpu.memory_space<vmem>> -> memref<40xf32, #tpu.memory_space<vmem>>
        %dma_start3A_292 = tpu.memref_slice %arg6[%add3A_279] : memref<320000xf32, #tpu.memory_space<hbm>> -> memref<40xf32, #tpu.memory_space<hbm>>
        %dma_start3A_293 = arith.constant 40 : i32
        %dma_start3A_294 = tpu.memref_slice %arg15[%dma_start3A_293] : memref<160xf32, #tpu.memory_space<vmem>> -> memref<40xf32, #tpu.memory_space<vmem>>
        %dma_start3A_295 = tpu.memref_slice %arg6[%add3A_279] : memref<320000xf32, #tpu.memory_space<hbm>> -> memref<40xf32, #tpu.memory_space<hbm>>
        tpu.enqueue_dma source(%dma_start3A_295 : memref<40xf32, #tpu.memory_space<hbm>>) target(%dma_start3A_294 : memref<40xf32, #tpu.memory_space<vmem>>) target_semaphore(%arg29 : memref<!tpu.dma_semaphore, #tpu.memory_space<semaphore_mem>>)
        %dma_start3A_296 = arith.constant 80 : i32
        %dma_start3A_297 = tpu.memref_slice %arg15[%dma_start3A_296] : memref<160xf32, #tpu.memory_space<vmem>> -> memref<40xf32, #tpu.memory_space<vmem>>
        %dma_start3A_298 = tpu.memref_slice %arg7[%add3A_279] : memref<320000xf32, #tpu.memory_space<hbm>> -> memref<40xf32, #tpu.memory_space<hbm>>
        %dma_start3A_299 = arith.constant 80 : i32
        %dma_start3A_300 = tpu.memref_slice %arg15[%dma_start3A_299] : memref<160xf32, #tpu.memory_space<vmem>> -> memref<40xf32, #tpu.memory_space<vmem>>
        %dma_start3A_301 = tpu.memref_slice %arg7[%add3A_279] : memref<320000xf32, #tpu.memory_space<hbm>> -> memref<40xf32, #tpu.memory_space<hbm>>
        tpu.enqueue_dma source(%dma_start3A_301 : memref<40xf32, #tpu.memory_space<hbm>>) target(%dma_start3A_300 : memref<40xf32, #tpu.memory_space<vmem>>) target_semaphore(%arg29 : memref<!tpu.dma_semaphore, #tpu.memory_space<semaphore_mem>>)
        %dma_start3A_302 = arith.constant 120 : i32
        %dma_start3A_303 = tpu.memref_slice %arg15[%dma_start3A_302] : memref<160xf32, #tpu.memory_space<vmem>> -> memref<40xf32, #tpu.memory_space<vmem>>
        %dma_start3A_304 = tpu.memref_slice %arg8[%add3A_279] : memref<320000xf32, #tpu.memory_space<hbm>> -> memref<40xf32, #tpu.memory_space<hbm>>
        %dma_start3A_305 = arith.constant 120 : i32
        %dma_start3A_306 = tpu.memref_slice %arg15[%dma_start3A_305] : memref<160xf32, #tpu.memory_space<vmem>> -> memref<40xf32, #tpu.memory_space<vmem>>
        %dma_start3A_307 = tpu.memref_slice %arg8[%add3A_279] : memref<320000xf32, #tpu.memory_space<hbm>> -> memref<40xf32, #tpu.memory_space<hbm>>
        tpu.enqueue_dma source(%dma_start3A_307 : memref<40xf32, #tpu.memory_space<hbm>>) target(%dma_start3A_306 : memref<40xf32, #tpu.memory_space<vmem>>) target_semaphore(%arg29 : memref<!tpu.dma_semaphore, #tpu.memory_space<semaphore_mem>>)
      } else {
      }
      %mul3A_230 = arith.constant 2 : i32
      %mul3A_231 = arith.muli %scan3A_191, %mul3A_230 : i32
      %add3A_232 = arith.constant 1 : i32
      %add3A_233 = arith.addi %mul3A_231, %add3A_232 : i32
      %dma_wait3A_234 = arith.constant 0 : i32
      %dma_wait3A_235 = arith.constant 0 : i32
      %dma_wait3A_236 = tpu.memref_slice %arg2[%dma_wait3A_234, %dma_wait3A_235] : memref<10000x256xi32, #tpu.memory_space<hbm>> -> memref<10000x256xi32, #tpu.memory_space<hbm>>
      tpu.wait_indirect_dma semaphore(%arg26 : memref<!tpu.dma_semaphore, #tpu.memory_space<semaphore_mem>>) src(%dma_wait3A_236 : memref<10000x256xi32, #tpu.memory_space<hbm>>) dst(%arg20 : memref<40x256xi32, #tpu.memory_space<vmem>>)
      %ge3A_237 = arith.constant 1 : i32
      %ge3A_238 = arith.cmpi sge, %add3A_233, %ge3A_237 : i32
      %convert_element_type3A_239 = arith.extui %ge3A_238 : i1 to i32
      %cond3A_240 = arith.constant 0 : i32
      %cond3A_241 = arith.cmpi ne, %convert_element_type3A_239, %cond3A_240 : i32
      scf.if %cond3A_241 {
        %dma_wait3A_275 = arith.constant 0 : i32
        %dma_wait3A_276 = arith.constant 0 : i32
        %dma_wait3A_277 = tpu.memref_slice %arg24[%dma_wait3A_275, %dma_wait3A_276] : memref<10240x128xf32, #tpu.memory_space<vmem_shared>> -> memref<10240x128xf32, #tpu.memory_space<vmem_shared>>
        tpu.wait_indirect_dma semaphore(%arg27 : memref<!tpu.dma_semaphore, #tpu.memory_space<semaphore_mem>>) src(%arg21 : memref<40x128xf32, #tpu.memory_space<vmem>>) dst(%dma_wait3A_277 : memref<10240x128xf32, #tpu.memory_space<vmem_shared>>)
      } else {
      }
      %get3A_242 = arith.constant 0 : index
      %get3A_243 = tpu.vector_load %arg14[%get3A_242] {strides = array<i32>} : memref<40xi32, #tpu.memory_space<vmem>>, vector<16xi32>,
      %swap3A_244 = arith.constant 0 : index
      %swap3A_245 = tpu.vector_load %arg18[%swap3A_244] {strides = array<i32>} : memref<40xi32, #tpu.memory_space<vmem>>, vector<16xi32>,
      tpu.vector_store %arg18[%swap3A_244], %get3A_243 {strides = array<i32>} : memref<40xi32, #tpu.memory_space<vmem>>, vector<16xi32>,
      %get3A_246 = arith.constant 16 : index
      %get3A_247 = tpu.vector_load %arg14[%get3A_246] {strides = array<i32>} : memref<40xi32, #tpu.memory_space<vmem>>, vector<16xi32>,
      %swap3A_248 = arith.constant 16 : index
      %swap3A_249 = tpu.vector_load %arg18[%swap3A_248] {strides = array<i32>} : memref<40xi32, #tpu.memory_space<vmem>>, vector<16xi32>,
      tpu.vector_store %arg18[%swap3A_248], %get3A_247 {strides = array<i32>} : memref<40xi32, #tpu.memory_space<vmem>>, vector<16xi32>,
      %get3A_250 = arith.constant 24 : index
      %get3A_251 = tpu.vector_load %arg14[%get3A_250] {strides = array<i32>} : memref<40xi32, #tpu.memory_space<vmem>>, vector<16xi32>,
      %swap3A_252 = arith.constant 24 : index
      %swap3A_253 = tpu.vector_load %arg18[%swap3A_252] {strides = array<i32>} : memref<40xi32, #tpu.memory_space<vmem>>, vector<16xi32>,
      tpu.vector_store %arg18[%swap3A_252], %get3A_251 {strides = array<i32>} : memref<40xi32, #tpu.memory_space<vmem>>, vector<16xi32>,
      %add3A_254 = arith.constant 1 : i32
      %add3A_255 = arith.addi %add3A_233, %add3A_254 : i32
      %lt3A_256 = arith.constant 250 : i32
      %lt3A_257 = arith.cmpi slt, %add3A_255, %lt3A_256 : i32
      %convert_element_type3A_258 = arith.extui %lt3A_257 : i1 to i32
      %cond3A_259 = arith.constant 0 : i32
      %cond3A_260 = arith.cmpi ne, %convert_element_type3A_258, %cond3A_259 : i32
      scf.if %cond3A_260 {
        %add3A_275 = arith.constant 1 : i32
        %add3A_276 = arith.addi %add3A_233, %add3A_275 : i32
        %mul3A_277 = arith.constant 40 : i32
        %mul3A_278 = arith.muli %add3A_276, %mul3A_277 : i32
        %add3A_279 = arith.addi %mul3A_84, %mul3A_278 : i32
        %dma_wait3A_280 = tpu.memref_slice %arg3[%add3A_279] : memref<320000xi32, #tpu.memory_space<hbm>> -> memref<40xi32, #tpu.memory_space<hbm>>
        %dma_wait3A_281 = tpu.memref_slice %arg3[%add3A_279] : memref<320000xi32, #tpu.memory_space<hbm>> -> memref<40xi32, #tpu.memory_space<hbm>>
        tpu.wait_dma2 semaphore(%arg29 : memref<!tpu.dma_semaphore, #tpu.memory_space<semaphore_mem>>) src(%dma_wait3A_281 : memref<40xi32, #tpu.memory_space<hbm>>) dst(%arg11 : memref<40xi32, #tpu.memory_space<vmem>>)
        %dma_wait3A_282 = tpu.memref_slice %arg4[%add3A_279] : memref<320000xi32, #tpu.memory_space<hbm>> -> memref<40xi32, #tpu.memory_space<hbm>>
        %dma_wait3A_283 = tpu.memref_slice %arg4[%add3A_279] : memref<320000xi32, #tpu.memory_space<hbm>> -> memref<40xi32, #tpu.memory_space<hbm>>
        tpu.wait_dma2 semaphore(%arg29 : memref<!tpu.dma_semaphore, #tpu.memory_space<semaphore_mem>>) src(%dma_wait3A_283 : memref<40xi32, #tpu.memory_space<hbm>>) dst(%arg13 : memref<40xi32, #tpu.memory_space<vmem>>)
        %dma_wait3A_284 = arith.constant 0 : i32
        %dma_wait3A_285 = tpu.memref_slice %arg15[%dma_wait3A_284] : memref<160xf32, #tpu.memory_space<vmem>> -> memref<40xf32, #tpu.memory_space<vmem>>
        %dma_wait3A_286 = tpu.memref_slice %arg5[%add3A_279] : memref<320000xf32, #tpu.memory_space<hbm>> -> memref<40xf32, #tpu.memory_space<hbm>>
        %dma_wait3A_287 = arith.constant 0 : i32
        %dma_wait3A_288 = tpu.memref_slice %arg15[%dma_wait3A_287] : memref<160xf32, #tpu.memory_space<vmem>> -> memref<40xf32, #tpu.memory_space<vmem>>
        %dma_wait3A_289 = tpu.memref_slice %arg5[%add3A_279] : memref<320000xf32, #tpu.memory_space<hbm>> -> memref<40xf32, #tpu.memory_space<hbm>>
        tpu.wait_dma2 semaphore(%arg29 : memref<!tpu.dma_semaphore, #tpu.memory_space<semaphore_mem>>) src(%dma_wait3A_289 : memref<40xf32, #tpu.memory_space<hbm>>) dst(%dma_wait3A_288 : memref<40xf32, #tpu.memory_space<vmem>>)
        %dma_wait3A_290 = arith.constant 40 : i32
        %dma_wait3A_291 = tpu.memref_slice %arg15[%dma_wait3A_290] : memref<160xf32, #tpu.memory_space<vmem>> -> memref<40xf32, #tpu.memory_space<vmem>>
        %dma_wait3A_292 = tpu.memref_slice %arg6[%add3A_279] : memref<320000xf32, #tpu.memory_space<hbm>> -> memref<40xf32, #tpu.memory_space<hbm>>
        %dma_wait3A_293 = arith.constant 40 : i32
        %dma_wait3A_294 = tpu.memref_slice %arg15[%dma_wait3A_293] : memref<160xf32, #tpu.memory_space<vmem>> -> memref<40xf32, #tpu.memory_space<vmem>>
        %dma_wait3A_295 = tpu.memref_slice %arg6[%add3A_279] : memref<320000xf32, #tpu.memory_space<hbm>> -> memref<40xf32, #tpu.memory_space<hbm>>
        tpu.wait_dma2 semaphore(%arg29 : memref<!tpu.dma_semaphore, #tpu.memory_space<semaphore_mem>>) src(%dma_wait3A_295 : memref<40xf32, #tpu.memory_space<hbm>>) dst(%dma_wait3A_294 : memref<40xf32, #tpu.memory_space<vmem>>)
        %dma_wait3A_296 = arith.constant 80 : i32
        %dma_wait3A_297 = tpu.memref_slice %arg15[%dma_wait3A_296] : memref<160xf32, #tpu.memory_space<vmem>> -> memref<40xf32, #tpu.memory_space<vmem>>
        %dma_wait3A_298 = tpu.memref_slice %arg7[%add3A_279] : memref<320000xf32, #tpu.memory_space<hbm>> -> memref<40xf32, #tpu.memory_space<hbm>>
        %dma_wait3A_299 = arith.constant 80 : i32
        %dma_wait3A_300 = tpu.memref_slice %arg15[%dma_wait3A_299] : memref<160xf32, #tpu.memory_space<vmem>> -> memref<40xf32, #tpu.memory_space<vmem>>
        %dma_wait3A_301 = tpu.memref_slice %arg7[%add3A_279] : memref<320000xf32, #tpu.memory_space<hbm>> -> memref<40xf32, #tpu.memory_space<hbm>>
        tpu.wait_dma2 semaphore(%arg29 : memref<!tpu.dma_semaphore, #tpu.memory_space<semaphore_mem>>) src(%dma_wait3A_301 : memref<40xf32, #tpu.memory_space<hbm>>) dst(%dma_wait3A_300 : memref<40xf32, #tpu.memory_space<vmem>>)
        %dma_wait3A_302 = arith.constant 120 : i32
        %dma_wait3A_303 = tpu.memref_slice %arg15[%dma_wait3A_302] : memref<160xf32, #tpu.memory_space<vmem>> -> memref<40xf32, #tpu.memory_space<vmem>>
        %dma_wait3A_304 = tpu.memref_slice %arg8[%add3A_279] : memref<320000xf32, #tpu.memory_space<hbm>> -> memref<40xf32, #tpu.memory_space<hbm>>
        %dma_wait3A_305 = arith.constant 120 : i32
        %dma_wait3A_306 = tpu.memref_slice %arg15[%dma_wait3A_305] : memref<160xf32, #tpu.memory_space<vmem>> -> memref<40xf32, #tpu.memory_space<vmem>>
        %dma_wait3A_307 = tpu.memref_slice %arg8[%add3A_279] : memref<320000xf32, #tpu.memory_space<hbm>> -> memref<40xf32, #tpu.memory_space<hbm>>
        tpu.wait_dma2 semaphore(%arg29 : memref<!tpu.dma_semaphore, #tpu.memory_space<semaphore_mem>>) src(%dma_wait3A_307 : memref<40xf32, #tpu.memory_space<hbm>>) dst(%dma_wait3A_306 : memref<40xf32, #tpu.memory_space<vmem>>)
        %dma_start3A_308 = arith.constant 0 : i32
        %dma_start3A_309 = arith.constant 0 : i32
        %dma_start3A_310 = tpu.memref_slice %arg2[%dma_start3A_308, %dma_start3A_309] : memref<10000x256xi32, #tpu.memory_space<hbm>> -> memref<10000x256xi32, #tpu.memory_space<hbm>>
        tpu.enqueue_indirect_dma source(%dma_start3A_310 : memref<10000x256xi32, #tpu.memory_space<hbm>>) target(%arg19 : memref<40x256xi32, #tpu.memory_space<vmem>>) offsets(%arg11 : memref<40xi32, #tpu.memory_space<vmem>>) semaphore(%arg25 : memref<!tpu.dma_semaphore, #tpu.memory_space<semaphore_mem>>)
      } else {
      }
      %parallel_loop3A_261 = arith.constant 0 : i32
      %parallel_loop3A_262 = arith.constant 40 : i32
      %parallel_loop3A_263 = arith.constant 1 : i32
      scf.for %parallel_loop3A_275 = %parallel_loop3A_261 to %parallel_loop3A_262 step %parallel_loop3A_263  : i32 {
        %parallel_loop3A_276 = vector.broadcast %parallel_loop3A_275 : i32 to vector<16xi32>
        %parallel_loop3A_277 = tpu.vector_load_idx %arg16[%parallel_loop3A_276] : memref<160xf32, #tpu.memory_space<vmem>>[vector<16xi32>], vector<16xf32>,
        %parallel_loop3A_278 = arith.constant 40 : i32
        %parallel_loop3A_279 = arith.addi %parallel_loop3A_278, %parallel_loop3A_275 : i32
        %parallel_loop3A_280 = vector.broadcast %parallel_loop3A_279 : i32 to vector<16xi32>
        %parallel_loop3A_281 = tpu.vector_load_idx %arg16[%parallel_loop3A_280] : memref<160xf32, #tpu.memory_space<vmem>>[vector<16xi32>], vector<16xf32>,
        %parallel_loop3A_282 = arith.constant 80 : i32
        %parallel_loop3A_283 = arith.addi %parallel_loop3A_282, %parallel_loop3A_275 : i32
        %parallel_loop3A_284 = vector.broadcast %parallel_loop3A_283 : i32 to vector<16xi32>
        %parallel_loop3A_285 = tpu.vector_load_idx %arg16[%parallel_loop3A_284] : memref<160xf32, #tpu.memory_space<vmem>>[vector<16xi32>], vector<16xf32>,
        %parallel_loop3A_286 = arith.constant 120 : i32
        %parallel_loop3A_287 = arith.addi %parallel_loop3A_286, %parallel_loop3A_275 : i32
        %parallel_loop3A_288 = vector.broadcast %parallel_loop3A_287 : i32 to vector<16xi32>
        %parallel_loop3A_289 = tpu.vector_load_idx %arg16[%parallel_loop3A_288] : memref<160xf32, #tpu.memory_space<vmem>>[vector<16xi32>], vector<16xf32>,
        %parallel_loop3A_290 = tpu.pack_subelements %parallel_loop3A_277, %parallel_loop3A_277 {pack_format = #tpu.pack_format<interleaved>, positions = array<i32: 0, 1>} : vector<16xf32>, vector<16xf32> -> vector<32xbf16>
        %parallel_loop3A_291 = tpu.pack_subelements %parallel_loop3A_281, %parallel_loop3A_281 {pack_format = #tpu.pack_format<interleaved>, positions = array<i32: 0, 1>} : vector<16xf32>, vector<16xf32> -> vector<32xbf16>
        %parallel_loop3A_292 = tpu.pack_subelements %parallel_loop3A_285, %parallel_loop3A_285 {pack_format = #tpu.pack_format<interleaved>, positions = array<i32: 0, 1>} : vector<16xf32>, vector<16xf32> -> vector<32xbf16>
        %parallel_loop3A_293 = tpu.pack_subelements %parallel_loop3A_289, %parallel_loop3A_289 {pack_format = #tpu.pack_format<interleaved>, positions = array<i32: 0, 1>} : vector<16xf32>, vector<16xf32> -> vector<32xbf16>
        %parallel_loop3A_294 = arith.index_cast %parallel_loop3A_275 : i32 to index
        %parallel_loop3A_295 = arith.constant 0 : index
        %parallel_loop3A_296 = tpu.vector_load %arg20[%parallel_loop3A_294, %parallel_loop3A_295] {strides = array<i32>} : memref<40x256xi32, #tpu.memory_space<vmem>>, vector<16xi32>,
        %parallel_loop3A_297 = vector.bitcast %parallel_loop3A_296 : vector<16xi32> to vector<32xbf16>
        %parallel_loop3A_298 = arith.mulf %parallel_loop3A_290, %parallel_loop3A_297 : vector<32xbf16>
        %parallel_loop3A_299 = arith.index_cast %parallel_loop3A_275 : i32 to index
        %parallel_loop3A_300 = arith.constant 64 : index
        %parallel_loop3A_301 = tpu.vector_load %arg20[%parallel_loop3A_299, %parallel_loop3A_300] {strides = array<i32>} : memref<40x256xi32, #tpu.memory_space<vmem>>, vector<16xi32>,
        %parallel_loop3A_302 = vector.bitcast %parallel_loop3A_301 : vector<16xi32> to vector<32xbf16>
        %parallel_loop3A_303 = arith.mulf %parallel_loop3A_291, %parallel_loop3A_302 : vector<32xbf16>
        %parallel_loop3A_304 = arith.addf %parallel_loop3A_298, %parallel_loop3A_303 : vector<32xbf16>
        %parallel_loop3A_305 = arith.index_cast %parallel_loop3A_275 : i32 to index
        %parallel_loop3A_306 = arith.constant 128 : index
        %parallel_loop3A_307 = tpu.vector_load %arg20[%parallel_loop3A_305, %parallel_loop3A_306] {strides = array<i32>} : memref<40x256xi32, #tpu.memory_space<vmem>>, vector<16xi32>,
        %parallel_loop3A_308 = vector.bitcast %parallel_loop3A_307 : vector<16xi32> to vector<32xbf16>
        %parallel_loop3A_309 = arith.mulf %parallel_loop3A_292, %parallel_loop3A_308 : vector<32xbf16>
        %parallel_loop3A_310 = arith.addf %parallel_loop3A_304, %parallel_loop3A_309 : vector<32xbf16>
        %parallel_loop3A_311 = arith.index_cast %parallel_loop3A_275 : i32 to index
        %parallel_loop3A_312 = arith.constant 192 : index
        %parallel_loop3A_313 = tpu.vector_load %arg20[%parallel_loop3A_311, %parallel_loop3A_312] {strides = array<i32>} : memref<40x256xi32, #tpu.memory_space<vmem>>, vector<16xi32>,
        %parallel_loop3A_314 = vector.bitcast %parallel_loop3A_313 : vector<16xi32> to vector<32xbf16>
        %parallel_loop3A_315 = arith.mulf %parallel_loop3A_293, %parallel_loop3A_314 : vector<32xbf16>
        %parallel_loop3A_316 = arith.addf %parallel_loop3A_310, %parallel_loop3A_315 : vector<32xbf16>
        %parallel_loop3A_317 = tpu.unpack_subelements %parallel_loop3A_316, 0 {pack_format = #tpu.pack_format<interleaved>} : vector<32xbf16> -> vector<16xf32>
        %parallel_loop3A_318 = tpu.unpack_subelements %parallel_loop3A_316, 1 {pack_format = #tpu.pack_format<interleaved>} : vector<32xbf16> -> vector<16xf32>
        %parallel_loop3A_319 = arith.index_cast %parallel_loop3A_275 : i32 to index
        %parallel_loop3A_320 = arith.constant 0 : index
        %parallel_loop3A_321 = tpu.vector_load %arg22[%parallel_loop3A_319, %parallel_loop3A_320] {strides = array<i32>} : memref<40x128xf32, #tpu.memory_space<vmem>>, vector<16xf32>,
        tpu.vector_store %arg22[%parallel_loop3A_319, %parallel_loop3A_320], %parallel_loop3A_317 {strides = array<i32>} : memref<40x128xf32, #tpu.memory_space<vmem>>, vector<16xf32>,
        %parallel_loop3A_322 = arith.index_cast %parallel_loop3A_275 : i32 to index
        %parallel_loop3A_323 = arith.constant 16 : index
        %parallel_loop3A_324 = tpu.vector_load %arg22[%parallel_loop3A_322, %parallel_loop3A_323] {strides = array<i32>} : memref<40x128xf32, #tpu.memory_space<vmem>>, vector<16xf32>,
        tpu.vector_store %arg22[%parallel_loop3A_322, %parallel_loop3A_323], %parallel_loop3A_318 {strides = array<i32>} : memref<40x128xf32, #tpu.memory_space<vmem>>, vector<16xf32>,
        %parallel_loop3A_325 = arith.index_cast %parallel_loop3A_275 : i32 to index
        %parallel_loop3A_326 = arith.constant 16 : index
        %parallel_loop3A_327 = tpu.vector_load %arg20[%parallel_loop3A_325, %parallel_loop3A_326] {strides = array<i32>} : memref<40x256xi32, #tpu.memory_space<vmem>>, vector<16xi32>,
        %parallel_loop3A_328 = vector.bitcast %parallel_loop3A_327 : vector<16xi32> to vector<32xbf16>
        %parallel_loop3A_329 = arith.mulf %parallel_loop3A_290, %parallel_loop3A_328 : vector<32xbf16>
        %parallel_loop3A_330 = arith.index_cast %parallel_loop3A_275 : i32 to index
        %parallel_loop3A_331 = arith.constant 80 : index
        %parallel_loop3A_332 = tpu.vector_load %arg20[%parallel_loop3A_330, %parallel_loop3A_331] {strides = array<i32>} : memref<40x256xi32, #tpu.memory_space<vmem>>, vector<16xi32>,
        %parallel_loop3A_333 = vector.bitcast %parallel_loop3A_332 : vector<16xi32> to vector<32xbf16>
        %parallel_loop3A_334 = arith.mulf %parallel_loop3A_291, %parallel_loop3A_333 : vector<32xbf16>
        %parallel_loop3A_335 = arith.addf %parallel_loop3A_329, %parallel_loop3A_334 : vector<32xbf16>
        %parallel_loop3A_336 = arith.index_cast %parallel_loop3A_275 : i32 to index
        %parallel_loop3A_337 = arith.constant 144 : index
        %parallel_loop3A_338 = tpu.vector_load %arg20[%parallel_loop3A_336, %parallel_loop3A_337] {strides = array<i32>} : memref<40x256xi32, #tpu.memory_space<vmem>>, vector<16xi32>,
        %parallel_loop3A_339 = vector.bitcast %parallel_loop3A_338 : vector<16xi32> to vector<32xbf16>
        %parallel_loop3A_340 = arith.mulf %parallel_loop3A_292, %parallel_loop3A_339 : vector<32xbf16>
        %parallel_loop3A_341 = arith.addf %parallel_loop3A_335, %parallel_loop3A_340 : vector<32xbf16>
        %parallel_loop3A_342 = arith.index_cast %parallel_loop3A_275 : i32 to index
        %parallel_loop3A_343 = arith.constant 208 : index
        %parallel_loop3A_344 = tpu.vector_load %arg20[%parallel_loop3A_342, %parallel_loop3A_343] {strides = array<i32>} : memref<40x256xi32, #tpu.memory_space<vmem>>, vector<16xi32>,
        %parallel_loop3A_345 = vector.bitcast %parallel_loop3A_344 : vector<16xi32> to vector<32xbf16>
        %parallel_loop3A_346 = arith.mulf %parallel_loop3A_293, %parallel_loop3A_345 : vector<32xbf16>
        %parallel_loop3A_347 = arith.addf %parallel_loop3A_341, %parallel_loop3A_346 : vector<32xbf16>
        %parallel_loop3A_348 = tpu.unpack_subelements %parallel_loop3A_347, 0 {pack_format = #tpu.pack_format<interleaved>} : vector<32xbf16> -> vector<16xf32>
        %parallel_loop3A_349 = tpu.unpack_subelements %parallel_loop3A_347, 1 {pack_format = #tpu.pack_format<interleaved>} : vector<32xbf16> -> vector<16xf32>
        %parallel_loop3A_350 = arith.index_cast %parallel_loop3A_275 : i32 to index
        %parallel_loop3A_351 = arith.constant 32 : index
        %parallel_loop3A_352 = tpu.vector_load %arg22[%parallel_loop3A_350, %parallel_loop3A_351] {strides = array<i32>} : memref<40x128xf32, #tpu.memory_space<vmem>>, vector<16xf32>,
        tpu.vector_store %arg22[%parallel_loop3A_350, %parallel_loop3A_351], %parallel_loop3A_348 {strides = array<i32>} : memref<40x128xf32, #tpu.memory_space<vmem>>, vector<16xf32>,
        %parallel_loop3A_353 = arith.index_cast %parallel_loop3A_275 : i32 to index
        %parallel_loop3A_354 = arith.constant 48 : index
        %parallel_loop3A_355 = tpu.vector_load %arg22[%parallel_loop3A_353, %parallel_loop3A_354] {strides = array<i32>} : memref<40x128xf32, #tpu.memory_space<vmem>>, vector<16xf32>,
        tpu.vector_store %arg22[%parallel_loop3A_353, %parallel_loop3A_354], %parallel_loop3A_349 {strides = array<i32>} : memref<40x128xf32, #tpu.memory_space<vmem>>, vector<16xf32>,
        %parallel_loop3A_356 = arith.index_cast %parallel_loop3A_275 : i32 to index
        %parallel_loop3A_357 = arith.constant 32 : index
        %parallel_loop3A_358 = tpu.vector_load %arg20[%parallel_loop3A_356, %parallel_loop3A_357] {strides = array<i32>} : memref<40x256xi32, #tpu.memory_space<vmem>>, vector<16xi32>,
        %parallel_loop3A_359 = vector.bitcast %parallel_loop3A_358 : vector<16xi32> to vector<32xbf16>
        %parallel_loop3A_360 = arith.mulf %parallel_loop3A_290, %parallel_loop3A_359 : vector<32xbf16>
        %parallel_loop3A_361 = arith.index_cast %parallel_loop3A_275 : i32 to index
        %parallel_loop3A_362 = arith.constant 96 : index
        %parallel_loop3A_363 = tpu.vector_load %arg20[%parallel_loop3A_361, %parallel_loop3A_362] {strides = array<i32>} : memref<40x256xi32, #tpu.memory_space<vmem>>, vector<16xi32>,
        %parallel_loop3A_364 = vector.bitcast %parallel_loop3A_363 : vector<16xi32> to vector<32xbf16>
        %parallel_loop3A_365 = arith.mulf %parallel_loop3A_291, %parallel_loop3A_364 : vector<32xbf16>
        %parallel_loop3A_366 = arith.addf %parallel_loop3A_360, %parallel_loop3A_365 : vector<32xbf16>
        %parallel_loop3A_367 = arith.index_cast %parallel_loop3A_275 : i32 to index
        %parallel_loop3A_368 = arith.constant 160 : index
        %parallel_loop3A_369 = tpu.vector_load %arg20[%parallel_loop3A_367, %parallel_loop3A_368] {strides = array<i32>} : memref<40x256xi32, #tpu.memory_space<vmem>>, vector<16xi32>,
        %parallel_loop3A_370 = vector.bitcast %parallel_loop3A_369 : vector<16xi32> to vector<32xbf16>
        %parallel_loop3A_371 = arith.mulf %parallel_loop3A_292, %parallel_loop3A_370 : vector<32xbf16>
        %parallel_loop3A_372 = arith.addf %parallel_loop3A_366, %parallel_loop3A_371 : vector<32xbf16>
        %parallel_loop3A_373 = arith.index_cast %parallel_loop3A_275 : i32 to index
        %parallel_loop3A_374 = arith.constant 224 : index
        %parallel_loop3A_375 = tpu.vector_load %arg20[%parallel_loop3A_373, %parallel_loop3A_374] {strides = array<i32>} : memref<40x256xi32, #tpu.memory_space<vmem>>, vector<16xi32>,
        %parallel_loop3A_376 = vector.bitcast %parallel_loop3A_375 : vector<16xi32> to vector<32xbf16>
        %parallel_loop3A_377 = arith.mulf %parallel_loop3A_293, %parallel_loop3A_376 : vector<32xbf16>
        %parallel_loop3A_378 = arith.addf %parallel_loop3A_372, %parallel_loop3A_377 : vector<32xbf16>
        %parallel_loop3A_379 = tpu.unpack_subelements %parallel_loop3A_378, 0 {pack_format = #tpu.pack_format<interleaved>} : vector<32xbf16> -> vector<16xf32>
        %parallel_loop3A_380 = tpu.unpack_subelements %parallel_loop3A_378, 1 {pack_format = #tpu.pack_format<interleaved>} : vector<32xbf16> -> vector<16xf32>
        %parallel_loop3A_381 = arith.index_cast %parallel_loop3A_275 : i32 to index
        %parallel_loop3A_382 = arith.constant 64 : index
        %parallel_loop3A_383 = tpu.vector_load %arg22[%parallel_loop3A_381, %parallel_loop3A_382] {strides = array<i32>} : memref<40x128xf32, #tpu.memory_space<vmem>>, vector<16xf32>,
        tpu.vector_store %arg22[%parallel_loop3A_381, %parallel_loop3A_382], %parallel_loop3A_379 {strides = array<i32>} : memref<40x128xf32, #tpu.memory_space<vmem>>, vector<16xf32>,
        %parallel_loop3A_384 = arith.index_cast %parallel_loop3A_275 : i32 to index
        %parallel_loop3A_385 = arith.constant 80 : index
        %parallel_loop3A_386 = tpu.vector_load %arg22[%parallel_loop3A_384, %parallel_loop3A_385] {strides = array<i32>} : memref<40x128xf32, #tpu.memory_space<vmem>>, vector<16xf32>,
        tpu.vector_store %arg22[%parallel_loop3A_384, %parallel_loop3A_385], %parallel_loop3A_380 {strides = array<i32>} : memref<40x128xf32, #tpu.memory_space<vmem>>, vector<16xf32>,
        %parallel_loop3A_387 = arith.index_cast %parallel_loop3A_275 : i32 to index
        %parallel_loop3A_388 = arith.constant 48 : index
        %parallel_loop3A_389 = tpu.vector_load %arg20[%parallel_loop3A_387, %parallel_loop3A_388] {strides = array<i32>} : memref<40x256xi32, #tpu.memory_space<vmem>>, vector<16xi32>,
        %parallel_loop3A_390 = vector.bitcast %parallel_loop3A_389 : vector<16xi32> to vector<32xbf16>
        %parallel_loop3A_391 = arith.mulf %parallel_loop3A_290, %parallel_loop3A_390 : vector<32xbf16>
        %parallel_loop3A_392 = arith.index_cast %parallel_loop3A_275 : i32 to index
        %parallel_loop3A_393 = arith.constant 112 : index
        %parallel_loop3A_394 = tpu.vector_load %arg20[%parallel_loop3A_392, %parallel_loop3A_393] {strides = array<i32>} : memref<40x256xi32, #tpu.memory_space<vmem>>, vector<16xi32>,
        %parallel_loop3A_395 = vector.bitcast %parallel_loop3A_394 : vector<16xi32> to vector<32xbf16>
        %parallel_loop3A_396 = arith.mulf %parallel_loop3A_291, %parallel_loop3A_395 : vector<32xbf16>
        %parallel_loop3A_397 = arith.addf %parallel_loop3A_391, %parallel_loop3A_396 : vector<32xbf16>
        %parallel_loop3A_398 = arith.index_cast %parallel_loop3A_275 : i32 to index
        %parallel_loop3A_399 = arith.constant 176 : index
        %parallel_loop3A_400 = tpu.vector_load %arg20[%parallel_loop3A_398, %parallel_loop3A_399] {strides = array<i32>} : memref<40x256xi32, #tpu.memory_space<vmem>>, vector<16xi32>,
        %parallel_loop3A_401 = vector.bitcast %parallel_loop3A_400 : vector<16xi32> to vector<32xbf16>
        %parallel_loop3A_402 = arith.mulf %parallel_loop3A_292, %parallel_loop3A_401 : vector<32xbf16>
        %parallel_loop3A_403 = arith.addf %parallel_loop3A_397, %parallel_loop3A_402 : vector<32xbf16>
        %parallel_loop3A_404 = arith.index_cast %parallel_loop3A_275 : i32 to index
        %parallel_loop3A_405 = arith.constant 240 : index
        %parallel_loop3A_406 = tpu.vector_load %arg20[%parallel_loop3A_404, %parallel_loop3A_405] {strides = array<i32>} : memref<40x256xi32, #tpu.memory_space<vmem>>, vector<16xi32>,
        %parallel_loop3A_407 = vector.bitcast %parallel_loop3A_406 : vector<16xi32> to vector<32xbf16>
        %parallel_loop3A_408 = arith.mulf %parallel_loop3A_293, %parallel_loop3A_407 : vector<32xbf16>
        %parallel_loop3A_409 = arith.addf %parallel_loop3A_403, %parallel_loop3A_408 : vector<32xbf16>
        %parallel_loop3A_410 = tpu.unpack_subelements %parallel_loop3A_409, 0 {pack_format = #tpu.pack_format<interleaved>} : vector<32xbf16> -> vector<16xf32>
        %parallel_loop3A_411 = tpu.unpack_subelements %parallel_loop3A_409, 1 {pack_format = #tpu.pack_format<interleaved>} : vector<32xbf16> -> vector<16xf32>
        %parallel_loop3A_412 = arith.index_cast %parallel_loop3A_275 : i32 to index
        %parallel_loop3A_413 = arith.constant 96 : index
        %parallel_loop3A_414 = tpu.vector_load %arg22[%parallel_loop3A_412, %parallel_loop3A_413] {strides = array<i32>} : memref<40x128xf32, #tpu.memory_space<vmem>>, vector<16xf32>,
        tpu.vector_store %arg22[%parallel_loop3A_412, %parallel_loop3A_413], %parallel_loop3A_410 {strides = array<i32>} : memref<40x128xf32, #tpu.memory_space<vmem>>, vector<16xf32>,
        %parallel_loop3A_415 = arith.index_cast %parallel_loop3A_275 : i32 to index
        %parallel_loop3A_416 = arith.constant 112 : index
        %parallel_loop3A_417 = tpu.vector_load %arg22[%parallel_loop3A_415, %parallel_loop3A_416] {strides = array<i32>} : memref<40x128xf32, #tpu.memory_space<vmem>>, vector<16xf32>,
        tpu.vector_store %arg22[%parallel_loop3A_415, %parallel_loop3A_416], %parallel_loop3A_411 {strides = array<i32>} : memref<40x128xf32, #tpu.memory_space<vmem>>, vector<16xf32>,
        %parallel_loop3A_418 = vector.broadcast %parallel_loop3A_275 : i32 to vector<16xi32>
        %parallel_loop3A_419 = tpu.vector_load_idx %arg18[%parallel_loop3A_418] : memref<40xi32, #tpu.memory_space<vmem>>[vector<16xi32>], vector<16xi32>,
        tpu.vector_store_idx %arg23[%parallel_loop3A_419], %broadcast_in_dim3A_3 masked %eq3A_5 {add = true} : memref<10240xf32, #tpu.memory_space<vmem>>[vector<16xi32>], vector<16xf32>, vector<16xi1>
      } {sc.loop_unroll_factor = 4 : i64, sc.parallel_access}
      %dma_start3A_264 = arith.constant 0 : i32
      %dma_start3A_265 = arith.constant 0 : i32
      %dma_start3A_266 = tpu.memref_slice %arg24[%dma_start3A_264, %dma_start3A_265] : memref<10240x128xf32, #tpu.memory_space<vmem_shared>> -> memref<10240x128xf32, #tpu.memory_space<vmem_shared>>
      tpu.enqueue_indirect_dma source(%arg22 : memref<40x128xf32, #tpu.memory_space<vmem>>) target(%dma_start3A_266 : memref<10240x128xf32, #tpu.memory_space<vmem_shared>>) offsets(%arg18 : memref<40xi32, #tpu.memory_space<vmem>>) semaphore(%arg28 : memref<!tpu.dma_semaphore, #tpu.memory_space<semaphore_mem>>) {add = true}
      %add3A_267 = arith.constant 2 : i32
      %add3A_268 = arith.addi %add3A_233, %add3A_267 : i32
      %lt3A_269 = arith.constant 250 : i32
      %lt3A_270 = arith.cmpi slt, %add3A_268, %lt3A_269 : i32
      %convert_element_type3A_271 = arith.extui %lt3A_270 : i1 to i32
      %cond3A_272 = arith.constant 0 : i32
      %cond3A_273 = arith.cmpi ne, %convert_element_type3A_271, %cond3A_272 : i32
      scf.if %cond3A_273 {
        %add3A_275 = arith.constant 2 : i32
        %add3A_276 = arith.addi %add3A_233, %add3A_275 : i32
        %mul3A_277 = arith.constant 40 : i32
        %mul3A_278 = arith.muli %add3A_276, %mul3A_277 : i32
        %add3A_279 = arith.addi %mul3A_84, %mul3A_278 : i32
        %dma_start3A_280 = tpu.memref_slice %arg3[%add3A_279] : memref<320000xi32, #tpu.memory_space<hbm>> -> memref<40xi32, #tpu.memory_space<hbm>>
        %dma_start3A_281 = tpu.memref_slice %arg3[%add3A_279] : memref<320000xi32, #tpu.memory_space<hbm>> -> memref<40xi32, #tpu.memory_space<hbm>>
        tpu.enqueue_dma source(%dma_start3A_281 : memref<40xi32, #tpu.memory_space<hbm>>) target(%arg12 : memref<40xi32, #tpu.memory_space<vmem>>) target_semaphore(%arg30 : memref<!tpu.dma_semaphore, #tpu.memory_space<semaphore_mem>>)
        %dma_start3A_282 = tpu.memref_slice %arg4[%add3A_279] : memref<320000xi32, #tpu.memory_space<hbm>> -> memref<40xi32, #tpu.memory_space<hbm>>
        %dma_start3A_283 = tpu.memref_slice %arg4[%add3A_279] : memref<320000xi32, #tpu.memory_space<hbm>> -> memref<40xi32, #tpu.memory_space<hbm>>
        tpu.enqueue_dma source(%dma_start3A_283 : memref<40xi32, #tpu.memory_space<hbm>>) target(%arg14 : memref<40xi32, #tpu.memory_space<vmem>>) target_semaphore(%arg30 : memref<!tpu.dma_semaphore, #tpu.memory_space<semaphore_mem>>)
        %dma_start3A_284 = arith.constant 0 : i32
        %dma_start3A_285 = tpu.memref_slice %arg16[%dma_start3A_284] : memref<160xf32, #tpu.memory_space<vmem>> -> memref<40xf32, #tpu.memory_space<vmem>>
        %dma_start3A_286 = tpu.memref_slice %arg5[%add3A_279] : memref<320000xf32, #tpu.memory_space<hbm>> -> memref<40xf32, #tpu.memory_space<hbm>>
        %dma_start3A_287 = arith.constant 0 : i32
        %dma_start3A_288 = tpu.memref_slice %arg16[%dma_start3A_287] : memref<160xf32, #tpu.memory_space<vmem>> -> memref<40xf32, #tpu.memory_space<vmem>>
        %dma_start3A_289 = tpu.memref_slice %arg5[%add3A_279] : memref<320000xf32, #tpu.memory_space<hbm>> -> memref<40xf32, #tpu.memory_space<hbm>>
        tpu.enqueue_dma source(%dma_start3A_289 : memref<40xf32, #tpu.memory_space<hbm>>) target(%dma_start3A_288 : memref<40xf32, #tpu.memory_space<vmem>>) target_semaphore(%arg30 : memref<!tpu.dma_semaphore, #tpu.memory_space<semaphore_mem>>)
        %dma_start3A_290 = arith.constant 40 : i32
        %dma_start3A_291 = tpu.memref_slice %arg16[%dma_start3A_290] : memref<160xf32, #tpu.memory_space<vmem>> -> memref<40xf32, #tpu.memory_space<vmem>>
        %dma_start3A_292 = tpu.memref_slice %arg6[%add3A_279] : memref<320000xf32, #tpu.memory_space<hbm>> -> memref<40xf32, #tpu.memory_space<hbm>>
        %dma_start3A_293 = arith.constant 40 : i32
        %dma_start3A_294 = tpu.memref_slice %arg16[%dma_start3A_293] : memref<160xf32, #tpu.memory_space<vmem>> -> memref<40xf32, #tpu.memory_space<vmem>>
        %dma_start3A_295 = tpu.memref_slice %arg6[%add3A_279] : memref<320000xf32, #tpu.memory_space<hbm>> -> memref<40xf32, #tpu.memory_space<hbm>>
        tpu.enqueue_dma source(%dma_start3A_295 : memref<40xf32, #tpu.memory_space<hbm>>) target(%dma_start3A_294 : memref<40xf32, #tpu.memory_space<vmem>>) target_semaphore(%arg30 : memref<!tpu.dma_semaphore, #tpu.memory_space<semaphore_mem>>)
        %dma_start3A_296 = arith.constant 80 : i32
        %dma_start3A_297 = tpu.memref_slice %arg16[%dma_start3A_296] : memref<160xf32, #tpu.memory_space<vmem>> -> memref<40xf32, #tpu.memory_space<vmem>>
        %dma_start3A_298 = tpu.memref_slice %arg7[%add3A_279] : memref<320000xf32, #tpu.memory_space<hbm>> -> memref<40xf32, #tpu.memory_space<hbm>>
        %dma_start3A_299 = arith.constant 80 : i32
        %dma_start3A_300 = tpu.memref_slice %arg16[%dma_start3A_299] : memref<160xf32, #tpu.memory_space<vmem>> -> memref<40xf32, #tpu.memory_space<vmem>>
        %dma_start3A_301 = tpu.memref_slice %arg7[%add3A_279] : memref<320000xf32, #tpu.memory_space<hbm>> -> memref<40xf32, #tpu.memory_space<hbm>>
        tpu.enqueue_dma source(%dma_start3A_301 : memref<40xf32, #tpu.memory_space<hbm>>) target(%dma_start3A_300 : memref<40xf32, #tpu.memory_space<vmem>>) target_semaphore(%arg30 : memref<!tpu.dma_semaphore, #tpu.memory_space<semaphore_mem>>)
        %dma_start3A_302 = arith.constant 120 : i32
        %dma_start3A_303 = tpu.memref_slice %arg16[%dma_start3A_302] : memref<160xf32, #tpu.memory_space<vmem>> -> memref<40xf32, #tpu.memory_space<vmem>>
        %dma_start3A_304 = tpu.memref_slice %arg8[%add3A_279] : memref<320000xf32, #tpu.memory_space<hbm>> -> memref<40xf32, #tpu.memory_space<hbm>>
        %dma_start3A_305 = arith.constant 120 : i32
        %dma_start3A_306 = tpu.memref_slice %arg16[%dma_start3A_305] : memref<160xf32, #tpu.memory_space<vmem>> -> memref<40xf32, #tpu.memory_space<vmem>>
        %dma_start3A_307 = tpu.memref_slice %arg8[%add3A_279] : memref<320000xf32, #tpu.memory_space<hbm>> -> memref<40xf32, #tpu.memory_space<hbm>>
        tpu.enqueue_dma source(%dma_start3A_307 : memref<40xf32, #tpu.memory_space<hbm>>) target(%dma_start3A_306 : memref<40xf32, #tpu.memory_space<vmem>>) target_semaphore(%arg30 : memref<!tpu.dma_semaphore, #tpu.memory_space<semaphore_mem>>)
      } else {
      }
      %scan3A_274 = arith.constant 0 : i32
      scf.yield %scan3A_274 : i32
    }
    %scan3A_182 = arith.constant 125 : i32
    %dma_wait3A_183 = arith.constant 0 : i32
    %dma_wait3A_184 = arith.constant 0 : i32
    %dma_wait3A_185 = tpu.memref_slice %arg24[%dma_wait3A_183, %dma_wait3A_184] : memref<10240x128xf32, #tpu.memory_space<vmem_shared>> -> memref<10240x128xf32, #tpu.memory_space<vmem_shared>>
    tpu.wait_indirect_dma semaphore(%arg28 : memref<!tpu.dma_semaphore, #tpu.memory_space<semaphore_mem>>) src(%arg22 : memref<40x128xf32, #tpu.memory_space<vmem>>) dst(%dma_wait3A_185 : memref<10240x128xf32, #tpu.memory_space<vmem_shared>>)
    "tpu.region"() ({
      %run_scoped3A = tpu.sem_alloc : memref<!tpu.dma_semaphore, #tpu.memory_space<semaphore_mem>>
      %dma_start3A_191 = arith.constant 0 : i32
      %dma_start3A_192 = tpu.memref_slice %arg10[%add3A, %dma_start3A_191] : memref<32x10240xf32, #tpu.memory_space<hbm>> -> memref<1x10240xf32, #tpu.memory_space<hbm>>
      %dma_start3A_193 = tpu.memref_squeeze %dma_start3A_192 : memref<1x10240xf32, #tpu.memory_space<hbm>> -> memref<10240xf32, #tpu.memory_space<hbm>>
      %dma_start3A_194 = arith.constant 0 : i32
      %dma_start3A_195 = tpu.memref_slice %arg10[%add3A, %dma_start3A_194] : memref<32x10240xf32, #tpu.memory_space<hbm>> -> memref<1x10240xf32, #tpu.memory_space<hbm>>
      %dma_start3A_196 = tpu.memref_squeeze %dma_start3A_195 : memref<1x10240xf32, #tpu.memory_space<hbm>> -> memref<10240xf32, #tpu.memory_space<hbm>>
      tpu.enqueue_dma source(%arg23 : memref<10240xf32, #tpu.memory_space<vmem>>) target(%dma_start3A_196 : memref<10240xf32, #tpu.memory_space<hbm>>) target_semaphore(%run_scoped3A : memref<!tpu.dma_semaphore, #tpu.memory_space<semaphore_mem>>)
      %dma_wait3A_197 = arith.constant 0 : i32
      %dma_wait3A_198 = tpu.memref_slice %arg10[%add3A, %dma_wait3A_197] : memref<32x10240xf32, #tpu.memory_space<hbm>> -> memref<1x10240xf32, #tpu.memory_space<hbm>>
      %dma_wait3A_199 = tpu.memref_squeeze %dma_wait3A_198 : memref<1x10240xf32, #tpu.memory_space<hbm>> -> memref<10240xf32, #tpu.memory_space<hbm>>
      %dma_wait3A_200 = arith.constant 0 : i32
      %dma_wait3A_201 = tpu.memref_slice %arg10[%add3A, %dma_wait3A_200] : memref<32x10240xf32, #tpu.memory_space<hbm>> -> memref<1x10240xf32, #tpu.memory_space<hbm>>
      %dma_wait3A_202 = tpu.memref_squeeze %dma_wait3A_201 : memref<1x10240xf32, #tpu.memory_space<hbm>> -> memref<10240xf32, #tpu.memory_space<hbm>>
      tpu.wait_dma2 semaphore(%run_scoped3A : memref<!tpu.dma_semaphore, #tpu.memory_space<semaphore_mem>>) src(%arg23 : memref<10240xf32, #tpu.memory_space<vmem>>) dst(%dma_wait3A_202 : memref<10240xf32, #tpu.memory_space<hbm>>)
      tpu.yield
    }) : () -> ()
    %barrier3A_186 = arith.constant 0 : index
    tpu.barrier barrier_id(%barrier3A_186)
    %mul3A_187 = arith.constant 640 : i32
    %mul3A_188 = arith.muli %arg1, %mul3A_187 : i32
    %mul3A_189 = arith.constant 640 : i32
    %mul3A_190 = arith.muli %arg1, %mul3A_189 : i32
    "tpu.region"() ({
      %run_scoped3A = tpu.sem_alloc : memref<!tpu.dma_semaphore, #tpu.memory_space<semaphore_mem>>
      %dma_start3A_191 = arith.constant 0 : i32
      %dma_start3A_192 = tpu.memref_slice %arg9[%arg0, %mul3A_190, %dma_start3A_191] : memref<2x10240x128xf32, #tpu.memory_space<hbm>> -> memref<1x640x128xf32, #tpu.memory_space<hbm>>
      %dma_start3A_193 = tpu.memref_squeeze %dma_start3A_192 : memref<1x640x128xf32, #tpu.memory_space<hbm>> -> memref<640x128xf32, #tpu.memory_space<hbm>>
      %dma_start3A_194 = arith.constant 0 : i32
      %dma_start3A_195 = tpu.memref_slice %arg24[%mul3A_188, %dma_start3A_194] : memref<10240x128xf32, #tpu.memory_space<vmem_shared>> -> memref<640x128xf32, #tpu.memory_space<vmem_shared>>
      tpu.enqueue_dma source(%dma_start3A_195 : memref<640x128xf32, #tpu.memory_space<vmem_shared>>) target(%dma_start3A_193 : memref<640x128xf32, #tpu.memory_space<hbm>>) target_semaphore(%run_scoped3A : memref<!tpu.dma_semaphore, #tpu.memory_space<semaphore_mem>>)
      %dma_wait3A_196 = arith.constant 0 : i32
      %dma_wait3A_197 = tpu.memref_slice %arg9[%arg0, %mul3A_190, %dma_wait3A_196] : memref<2x10240x128xf32, #tpu.memory_space<hbm>> -> memref<1x640x128xf32, #tpu.memory_space<hbm>>
      %dma_wait3A_198 = tpu.memref_squeeze %dma_wait3A_197 : memref<1x640x128xf32, #tpu.memory_space<hbm>> -> memref<640x128xf32, #tpu.memory_space<hbm>>
      %dma_wait3A_199 = arith.constant 0 : i32
      %dma_wait3A_200 = tpu.memref_slice %arg24[%mul3A_188, %dma_wait3A_199] : memref<10240x128xf32, #tpu.memory_space<vmem_shared>> -> memref<640x128xf32, #tpu.memory_space<vmem_shared>>
      tpu.wait_dma2 semaphore(%run_scoped3A : memref<!tpu.dma_semaphore, #tpu.memory_space<semaphore_mem>>) src(%dma_wait3A_200 : memref<640x128xf32, #tpu.memory_space<vmem_shared>>) dst(%dma_wait3A_198 : memref<640x128xf32, #tpu.memory_space<hbm>>)
      tpu.yield
    }) : () -> ()
    return
  }
}

module attributes {stable_mosaic.version = 14 : i64} {
  func.func @_matmul_body(%arg0: i32, %arg1: memref<2000x128xf32, #tpu.memory_space<vmem>>, %arg2: memref<128x256xf32, #tpu.memory_space<vmem>>, %arg3: memref<128x256xf32, #tpu.memory_space<vmem>>, %arg4: memref<128x128xf32, #tpu.memory_space<vmem>>, %arg5: memref<2000x256xi32, #tpu.memory_space<vmem>>, %arg6: memref<2000x128xf32, #tpu.memory_space<vmem>>) attributes {dimension_semantics = [#tpu.dimension_semantics<arbitrary>], iteration_bounds = array<i64: 5>, scalar_prefetch = 0 : i64, scratch_operands = 0 : i64, tpu.core_type = #tpu.core_type<tc>, window_params = [{transform_indices = @transform_0, window_bounds = array<i64: 2000, 128>}, {pipeline_mode = #tpu.pipeline_mode<synchronous>, transform_indices = @transform_1, window_bounds = array<i64: 128, 256>}, {pipeline_mode = #tpu.pipeline_mode<synchronous>, transform_indices = @transform_2, window_bounds = array<i64: 128, 256>}, {pipeline_mode = #tpu.pipeline_mode<synchronous>, transform_indices = @transform_3, window_bounds = array<i64: 128, 128>}, {transform_indices = @transform_4, window_bounds = array<i64: 2000, 256>}, {transform_indices = @transform_5, window_bounds = array<i64: 2000, 128>}]} {
    %get3A = arith.constant 0 : index
    %get3A_0 = arith.constant 0 : index
    %get3A_1 = vector.load %arg1[%get3A, %get3A_0] : memref<2000x128xf32, #tpu.memory_space<vmem>>, vector<2000x128xf32>
    %get3A_2 = arith.constant 0 : index
    %get3A_3 = arith.constant 0 : index
    %get3A_4 = vector.load %arg2[%get3A_2, %get3A_3] : memref<128x256xf32, #tpu.memory_space<vmem>>, vector<128x256xf32>
    %dot_general3A = arith.constant dense<0.000000e+00> : vector<2000x256xf32>
    %dot_general3A_5 = tpu.matmul %get3A_1, %get3A_4, %dot_general3A {dimension_numbers = #tpu.dot_dimension_numbers<[1], [0], [0], [1], [0, 0, 1, 1], [], []>, transpose_lhs_hint = false} : vector<2000x128xf32>, vector<128x256xf32>, vector<2000x256xf32> -> vector<2000x256xf32>
    %get3A_6 = arith.constant 0 : index
    %get3A_7 = arith.constant 0 : index
    %get3A_8 = vector.load %arg3[%get3A_6, %get3A_7] : memref<128x256xf32, #tpu.memory_space<vmem>>, vector<128x256xf32>
    %dot_general3A_9 = arith.constant dense<0.000000e+00> : vector<2000x256xf32>
    %dot_general3A_10 = tpu.matmul %get3A_1, %get3A_8, %dot_general3A_9 {dimension_numbers = #tpu.dot_dimension_numbers<[1], [0], [0], [1], [0, 0, 1, 1], [], []>, transpose_lhs_hint = false} : vector<2000x128xf32>, vector<128x256xf32>, vector<2000x256xf32> -> vector<2000x256xf32>
    %convert_element_type3A = arith.truncf %dot_general3A_5 : vector<2000x256xf32> to vector<2000x256xbf16>
    %bitcast_convert_type3A = tpu.bitcast %convert_element_type3A : vector<2000x256xbf16> -> vector<2000x256xi16>
    %convert_element_type3A_11 = arith.truncf %dot_general3A_10 : vector<2000x256xf32> to vector<2000x256xbf16>
    %bitcast_convert_type3A_12 = tpu.bitcast %convert_element_type3A_11 : vector<2000x256xbf16> -> vector<2000x256xi16>
    %convert_element_type3A_13 = arith.extui %bitcast_convert_type3A : vector<2000x256xi16> to vector<2000x256xi32>
    %convert_element_type3A_14 = arith.extui %bitcast_convert_type3A_12 : vector<2000x256xi16> to vector<2000x256xi32>
    %shift_left3A = arith.constant 16 : i32
    %shift_left3A_15 = vector.broadcast %shift_left3A : i32 to vector<2000x256xi32>
    %shift_left3A_16 = arith.shli %convert_element_type3A_14, %shift_left3A_15 : vector<2000x256xi32>
    %or3A = arith.ori %convert_element_type3A_13, %shift_left3A_16 : vector<2000x256xi32>
    %swap3A = arith.constant 0 : index
    %swap3A_17 = arith.constant 0 : index
    %swap3A_18 = vector.load %arg5[%swap3A, %swap3A_17] : memref<2000x256xi32, #tpu.memory_space<vmem>>, vector<2000x256xi32>
    tpu.vector_store %arg5[%swap3A, %swap3A_17], %or3A {strides = array<i32>} : memref<2000x256xi32, #tpu.memory_space<vmem>>, vector<2000x256xi32>,
    %get3A_19 = arith.constant 0 : index
    %get3A_20 = arith.constant 0 : index
    %get3A_21 = vector.load %arg4[%get3A_19, %get3A_20] : memref<128x128xf32, #tpu.memory_space<vmem>>, vector<128x128xf32>
    %dot_general3A_22 = arith.constant dense<0.000000e+00> : vector<2000x128xf32>
    %dot_general3A_23 = tpu.matmul %get3A_1, %get3A_21, %dot_general3A_22 {dimension_numbers = #tpu.dot_dimension_numbers<[1], [0], [0], [1], [0, 0, 1, 1], [], []>, transpose_lhs_hint = false} : vector<2000x128xf32>, vector<128x128xf32>, vector<2000x128xf32> -> vector<2000x128xf32>
    %swap3A_24 = arith.constant 0 : index
    %swap3A_25 = arith.constant 0 : index
    %swap3A_26 = vector.load %arg6[%swap3A_24, %swap3A_25] : memref<2000x128xf32, #tpu.memory_space<vmem>>, vector<2000x128xf32>
    tpu.vector_store %arg6[%swap3A_24, %swap3A_25], %dot_general3A_23 {strides = array<i32>} : memref<2000x128xf32, #tpu.memory_space<vmem>>, vector<2000x128xf32>,
    return
  }
  func.func @transform_0(%arg0: i32) -> (i32, i32) {
    %c0_i32 = arith.constant 0 : i32
    %c0_i32_0 = arith.constant 0 : i32
    return %arg0, %c0_i32 : i32, i32
  }
  func.func @transform_1(%arg0: i32) -> (i32, i32) {
    %c0_i32 = arith.constant 0 : i32
    %c0_i32_0 = arith.constant 0 : i32
    %c0_i32_1 = arith.constant 0 : i32
    return %c0_i32, %c0_i32_0 : i32, i32
  }
  func.func @transform_2(%arg0: i32) -> (i32, i32) {
    %c0_i32 = arith.constant 0 : i32
    %c0_i32_0 = arith.constant 0 : i32
    %c0_i32_1 = arith.constant 0 : i32
    return %c0_i32, %c0_i32_0 : i32, i32
  }
  func.func @transform_3(%arg0: i32) -> (i32, i32) {
    %c0_i32 = arith.constant 0 : i32
    %c0_i32_0 = arith.constant 0 : i32
    %c0_i32_1 = arith.constant 0 : i32
    return %c0_i32, %c0_i32_0 : i32, i32
  }
  func.func @transform_4(%arg0: i32) -> (i32, i32) {
    %c0_i32 = arith.constant 0 : i32
    %c0_i32_0 = arith.constant 0 : i32
    return %arg0, %c0_i32 : i32, i32
  }
  func.func @transform_5(%arg0: i32) -> (i32, i32) {
    %c0_i32 = arith.constant 0 : i32
    %c0_i32_0 = arith.constant 0 : i32
    return %arg0, %c0_i32 : i32, i32
  }
}

module attributes {stable_mosaic.version = 14 : i64} {
  func.func @_linearize_body(%arg0: i32, %arg1: memref<2x320000xi32, #tpu.memory_space<vmem>>, %arg2: memref<3200x4xf32, #tpu.memory_space<vmem>>, %arg3: memref<320000xi32, #tpu.memory_space<vmem>>, %arg4: memref<320000xi32, #tpu.memory_space<vmem>>, %arg5: memref<320000xf32, #tpu.memory_space<vmem>>, %arg6: memref<320000xf32, #tpu.memory_space<vmem>>, %arg7: memref<320000xf32, #tpu.memory_space<vmem>>, %arg8: memref<320000xf32, #tpu.memory_space<vmem>>) attributes {dimension_semantics = [#tpu.dimension_semantics<arbitrary>], iteration_bounds = array<i64: 100>, scalar_prefetch = 0 : i64, scratch_operands = 0 : i64, tpu.core_type = #tpu.core_type<tc>, window_params = [{pipeline_mode = #tpu.pipeline_mode<synchronous>, transform_indices = @transform_0, window_bounds = array<i64: 2, 320000>}, {transform_indices = @transform_1, window_bounds = array<i64: 3200, 4>}, {pipeline_mode = #tpu.pipeline_mode<synchronous>, transform_indices = @transform_2, window_bounds = array<i64: 320000>}, {pipeline_mode = #tpu.pipeline_mode<synchronous>, transform_indices = @transform_3, window_bounds = array<i64: 320000>}, {pipeline_mode = #tpu.pipeline_mode<synchronous>, transform_indices = @transform_4, window_bounds = array<i64: 320000>}, {pipeline_mode = #tpu.pipeline_mode<synchronous>, transform_indices = @transform_5, window_bounds = array<i64: 320000>}, {pipeline_mode = #tpu.pipeline_mode<synchronous>, transform_indices = @transform_6, window_bounds = array<i64: 320000>}, {pipeline_mode = #tpu.pipeline_mode<synchronous>, transform_indices = @transform_7, window_bounds = array<i64: 320000>}]} {
    %mul3A = arith.constant 3200 : i32
    %mul3A_0 = arith.muli %arg0, %mul3A : i32
    %get3A = arith.constant 0 : index
    %get3A_1 = arith.index_cast %mul3A_0 : i32 to index
    %get3A_2 = vector.load %arg1[%get3A, %get3A_1] : memref<2x320000xi32, #tpu.memory_space<vmem>>, vector<2x3200xi32>
    %slice3A = vector.extract_strided_slice %get3A_2 {offsets = [1, 0], sizes = [1, 3200], strides = [1, 1]} : vector<2x3200xi32> to vector<1x3200xi32>
    %squeeze3A = vector.shape_cast %slice3A : vector<1x3200xi32> to vector<3200xi32>
    %swap3A = arith.index_cast %mul3A_0 : i32 to index
    %swap3A_3 = vector.load %arg3[%swap3A] : memref<320000xi32, #tpu.memory_space<vmem>>, vector<3200xi32>
    tpu.vector_store %arg3[%swap3A], %squeeze3A {strides = array<i32>} : memref<320000xi32, #tpu.memory_space<vmem>>, vector<3200xi32>,
    %slice3A_4 = vector.extract_strided_slice %get3A_2 {offsets = [0, 0], sizes = [1, 3200], strides = [1, 1]} : vector<2x3200xi32> to vector<1x3200xi32>
    %squeeze3A_5 = vector.shape_cast %slice3A_4 : vector<1x3200xi32> to vector<3200xi32>
    %swap3A_6 = arith.index_cast %mul3A_0 : i32 to index
    %swap3A_7 = vector.load %arg4[%swap3A_6] : memref<320000xi32, #tpu.memory_space<vmem>>, vector<3200xi32>
    tpu.vector_store %arg4[%swap3A_6], %squeeze3A_5 {strides = array<i32>} : memref<320000xi32, #tpu.memory_space<vmem>>, vector<3200xi32>,
    %get3A_8 = arith.constant 0 : index
    %get3A_9 = arith.constant 0 : index
    %get3A_10 = vector.load %arg2[%get3A_8, %get3A_9] : memref<3200x4xf32, #tpu.memory_space<vmem>>, vector<3200x4xf32>
    %transpose3A = tpu.transpose %get3A_10, [1, 0] : vector<3200x4xf32> -> vector<4x3200xf32>
    %slice3A_11 = vector.extract_strided_slice %transpose3A {offsets = [0, 0], sizes = [1, 3200], strides = [1, 1]} : vector<4x3200xf32> to vector<1x3200xf32>
    %squeeze3A_12 = vector.shape_cast %slice3A_11 : vector<1x3200xf32> to vector<3200xf32>
    %swap3A_13 = arith.index_cast %mul3A_0 : i32 to index
    %swap3A_14 = vector.load %arg5[%swap3A_13] : memref<320000xf32, #tpu.memory_space<vmem>>, vector<3200xf32>
    tpu.vector_store %arg5[%swap3A_13], %squeeze3A_12 {strides = array<i32>} : memref<320000xf32, #tpu.memory_space<vmem>>, vector<3200xf32>,
    %slice3A_15 = vector.extract_strided_slice %transpose3A {offsets = [1, 0], sizes = [1, 3200], strides = [1, 1]} : vector<4x3200xf32> to vector<1x3200xf32>
    %squeeze3A_16 = vector.shape_cast %slice3A_15 : vector<1x3200xf32> to vector<3200xf32>
    %swap3A_17 = arith.index_cast %mul3A_0 : i32 to index
    %swap3A_18 = vector.load %arg6[%swap3A_17] : memref<320000xf32, #tpu.memory_space<vmem>>, vector<3200xf32>
    tpu.vector_store %arg6[%swap3A_17], %squeeze3A_16 {strides = array<i32>} : memref<320000xf32, #tpu.memory_space<vmem>>, vector<3200xf32>,
    %slice3A_19 = vector.extract_strided_slice %transpose3A {offsets = [2, 0], sizes = [1, 3200], strides = [1, 1]} : vector<4x3200xf32> to vector<1x3200xf32>
    %squeeze3A_20 = vector.shape_cast %slice3A_19 : vector<1x3200xf32> to vector<3200xf32>
    %swap3A_21 = arith.index_cast %mul3A_0 : i32 to index
    %swap3A_22 = vector.load %arg7[%swap3A_21] : memref<320000xf32, #tpu.memory_space<vmem>>, vector<3200xf32>
    tpu.vector_store %arg7[%swap3A_21], %squeeze3A_20 {strides = array<i32>} : memref<320000xf32, #tpu.memory_space<vmem>>, vector<3200xf32>,
    %slice3A_23 = vector.extract_strided_slice %transpose3A {offsets = [3, 0], sizes = [1, 3200], strides = [1, 1]} : vector<4x3200xf32> to vector<1x3200xf32>
    %squeeze3A_24 = vector.shape_cast %slice3A_23 : vector<1x3200xf32> to vector<3200xf32>
    %swap3A_25 = arith.index_cast %mul3A_0 : i32 to index
    %swap3A_26 = vector.load %arg8[%swap3A_25] : memref<320000xf32, #tpu.memory_space<vmem>>, vector<3200xf32>
    tpu.vector_store %arg8[%swap3A_25], %squeeze3A_24 {strides = array<i32>} : memref<320000xf32, #tpu.memory_space<vmem>>, vector<3200xf32>,
    return
  }
  func.func @transform_0(%arg0: i32) -> (i32, i32) {
    %c0_i32 = arith.constant 0 : i32
    %c0_i32_0 = arith.constant 0 : i32
    %c0_i32_1 = arith.constant 0 : i32
    return %c0_i32, %c0_i32_0 : i32, i32
  }
  func.func @transform_1(%arg0: i32) -> (i32, i32) {
    %c0_i32 = arith.constant 0 : i32
    %c0_i32_0 = arith.constant 0 : i32
    return %arg0, %c0_i32 : i32, i32
  }
  func.func @transform_2(%arg0: i32) -> i32 {
    %c0_i32 = arith.constant 0 : i32
    %c0_i32_0 = arith.constant 0 : i32
    return %c0_i32 : i32
  }
  func.func @transform_3(%arg0: i32) -> i32 {
    %c0_i32 = arith.constant 0 : i32
    %c0_i32_0 = arith.constant 0 : i32
    return %c0_i32 : i32
  }
  func.func @transform_4(%arg0: i32) -> i32 {
    %c0_i32 = arith.constant 0 : i32
    %c0_i32_0 = arith.constant 0 : i32
    return %c0_i32 : i32
  }
  func.func @transform_5(%arg0: i32) -> i32 {
    %c0_i32 = arith.constant 0 : i32
    %c0_i32_0 = arith.constant 0 : i32
    return %c0_i32 : i32
  }
  func.func @transform_6(%arg0: i32) -> i32 {
    %c0_i32 = arith.constant 0 : i32
    %c0_i32_0 = arith.constant 0 : i32
    return %c0_i32 : i32
  }
  func.func @transform_7(%arg0: i32) -> i32 {
    %c0_i32 = arith.constant 0 : i32
    %c0_i32_0 = arith.constant 0 : i32
    return %c0_i32 : i32
  }
}

module attributes {stable_mosaic.version = 14 : i64} {
  func.func @_deg_body(%arg0: i32, %arg1: memref<32x2048xf32, #tpu.memory_space<vmem>>, %arg2: memref<2048x1xf32, #tpu.memory_space<vmem>>) attributes {dimension_semantics = [#tpu.dimension_semantics<arbitrary>], iteration_bounds = array<i64: 5>, scalar_prefetch = 0 : i64, scratch_operands = 0 : i64, tpu.core_type = #tpu.core_type<tc>, window_params = [{transform_indices = @transform_0, window_bounds = array<i64: 32, 2048>}, {transform_indices = @transform_1, window_bounds = array<i64: 2048, 1>}]} {
    %get3A = arith.constant 0 : index
    %get3A_0 = arith.constant 0 : index
    %get3A_1 = vector.load %arg1[%get3A, %get3A_0] : memref<32x2048xf32, #tpu.memory_space<vmem>>, vector<32x2048xf32>
    %reduce_sum3A = arith.constant dense<0.000000e+00> : vector<2048xf32>
    %reduce_sum3A_2 = vector.multi_reduction <add>, %get3A_1, %reduce_sum3A [0] : vector<32x2048xf32> to vector<2048xf32>
    %max3A = arith.constant 1.000000e+00 : f32
    %max3A_3 = vector.broadcast %max3A : f32 to vector<2048xf32>
    %max3A_4 = arith.maximumf %reduce_sum3A_2, %max3A_3 : vector<2048xf32>
    %div3A = arith.constant 1.000000e+00 : f32
    %div3A_5 = vector.broadcast %div3A : f32 to vector<2048xf32>
    %div3A_6 = arith.divf %div3A_5, %max3A_4 : vector<2048xf32>
    %broadcast_in_dim3A = vector.shape_cast %div3A_6 : vector<2048xf32> to vector<2048x1xf32>
    %swap3A = arith.constant 0 : index
    %swap3A_7 = arith.constant 0 : index
    %swap3A_8 = vector.load %arg2[%swap3A, %swap3A_7] : memref<2048x1xf32, #tpu.memory_space<vmem>>, vector<2048x1xf32>
    tpu.vector_store %arg2[%swap3A, %swap3A_7], %broadcast_in_dim3A {strides = array<i32>} : memref<2048x1xf32, #tpu.memory_space<vmem>>, vector<2048x1xf32>,
    return
  }
  func.func @transform_0(%arg0: i32) -> (i32, i32) {
    %c0_i32 = arith.constant 0 : i32
    %c0_i32_0 = arith.constant 0 : i32
    return %c0_i32, %arg0 : i32, i32
  }
  func.func @transform_1(%arg0: i32) -> (i32, i32) {
    %c0_i32 = arith.constant 0 : i32
    %c0_i32_0 = arith.constant 0 : i32
    return %arg0, %c0_i32 : i32, i32
  }
}

module attributes {stable_mosaic.version = 14 : i64} {
  func.func @_final_body(%arg0: i32, %arg1: memref<2x2000x128xf32, #tpu.memory_space<vmem>>, %arg2: memref<2000x1xf32, #tpu.memory_space<vmem>>, %arg3: memref<2000x128xf32, #tpu.memory_space<vmem>>, %arg4: memref<1x128xf32, #tpu.memory_space<vmem>>, %arg5: memref<2000x128xf32, #tpu.memory_space<vmem>>) attributes {dimension_semantics = [#tpu.dimension_semantics<arbitrary>], iteration_bounds = array<i64: 5>, scalar_prefetch = 0 : i64, scratch_operands = 0 : i64, tpu.core_type = #tpu.core_type<tc>, window_params = [{transform_indices = @transform_0, window_bounds = array<i64: 2, 2000, 128>}, {transform_indices = @transform_1, window_bounds = array<i64: 2000, 1>}, {transform_indices = @transform_2, window_bounds = array<i64: 2000, 128>}, {pipeline_mode = #tpu.pipeline_mode<synchronous>, transform_indices = @transform_3, window_bounds = array<i64: 1, 128>}, {transform_indices = @transform_4, window_bounds = array<i64: 2000, 128>}]} {
    %get3A = arith.constant 0 : index
    %get3A_0 = arith.constant 0 : index
    %get3A_1 = arith.constant 0 : index
    %get3A_2 = vector.load %arg1[%get3A, %get3A_0, %get3A_1] : memref<2x2000x128xf32, #tpu.memory_space<vmem>>, vector<2x2000x128xf32>
    %slice3A = vector.extract_strided_slice %get3A_2 {offsets = [0, 0, 0], sizes = [1, 2000, 128], strides = [1, 1, 1]} : vector<2x2000x128xf32> to vector<1x2000x128xf32>
    %squeeze3A = vector.shape_cast %slice3A : vector<1x2000x128xf32> to vector<2000x128xf32>
    %slice3A_3 = vector.extract_strided_slice %get3A_2 {offsets = [1, 0, 0], sizes = [1, 2000, 128], strides = [1, 1, 1]} : vector<2x2000x128xf32> to vector<1x2000x128xf32>
    %squeeze3A_4 = vector.shape_cast %slice3A_3 : vector<1x2000x128xf32> to vector<2000x128xf32>
    %add3A = arith.addf %squeeze3A, %squeeze3A_4 : vector<2000x128xf32>
    %get3A_5 = arith.constant 0 : index
    %get3A_6 = arith.constant 0 : index
    %get3A_7 = vector.load %arg2[%get3A_5, %get3A_6] : memref<2000x1xf32, #tpu.memory_space<vmem>>, vector<2000x1xf32>
    %mul3A = vector.broadcast %get3A_7 : vector<2000x1xf32> to vector<2000x128xf32>
    %mul3A_8 = arith.mulf %add3A, %mul3A : vector<2000x128xf32>
    %get3A_9 = arith.constant 0 : index
    %get3A_10 = arith.constant 0 : index
    %get3A_11 = vector.load %arg3[%get3A_9, %get3A_10] : memref<2000x128xf32, #tpu.memory_space<vmem>>, vector<2000x128xf32>
    %add3A_12 = arith.addf %mul3A_8, %get3A_11 : vector<2000x128xf32>
    %get3A_13 = arith.constant 0 : index
    %get3A_14 = arith.constant 0 : index
    %get3A_15 = vector.load %arg4[%get3A_13, %get3A_14] : memref<1x128xf32, #tpu.memory_space<vmem>>, vector<1x128xf32>
    %add3A_16 = vector.broadcast %get3A_15 : vector<1x128xf32> to vector<2000x128xf32>
    %add3A_17 = arith.addf %add3A_12, %add3A_16 : vector<2000x128xf32>
    %swap3A = arith.constant 0 : index
    %swap3A_18 = arith.constant 0 : index
    %swap3A_19 = vector.load %arg5[%swap3A, %swap3A_18] : memref<2000x128xf32, #tpu.memory_space<vmem>>, vector<2000x128xf32>
    tpu.vector_store %arg5[%swap3A, %swap3A_18], %add3A_17 {strides = array<i32>} : memref<2000x128xf32, #tpu.memory_space<vmem>>, vector<2000x128xf32>,
    return
  }
  func.func @transform_0(%arg0: i32) -> (i32, i32, i32) {
    %c0_i32 = arith.constant 0 : i32
    %c0_i32_0 = arith.constant 0 : i32
    %c0_i32_1 = arith.constant 0 : i32
    return %c0_i32, %arg0, %c0_i32_0 : i32, i32, i32
  }
  func.func @transform_1(%arg0: i32) -> (i32, i32) {
    %c0_i32 = arith.constant 0 : i32
    %c0_i32_0 = arith.constant 0 : i32
    return %arg0, %c0_i32 : i32, i32
  }
  func.func @transform_2(%arg0: i32) -> (i32, i32) {
    %c0_i32 = arith.constant 0 : i32
    %c0_i32_0 = arith.constant 0 : i32
    return %arg0, %c0_i32 : i32, i32
  }
  func.func @transform_3(%arg0: i32) -> (i32, i32) {
    %c0_i32 = arith.constant 0 : i32
    %c0_i32_0 = arith.constant 0 : i32
    %c0_i32_1 = arith.constant 0 : i32
    return %c0_i32, %c0_i32_0 : i32, i32
  }
  func.func @transform_4(%arg0: i32) -> (i32, i32) {
    %c0_i32 = arith.constant 0 : i32
    %c0_i32_0 = arith.constant 0 : i32
    return %arg0, %c0_i32 : i32, i32
  }
}

</mosaic_0001>

<sc_bundles>
// kernel: kernel.7.cloned.1.call-start
scs
__scs_entry_jumppad:
0x0: {  	(pc) =	sbr.rel $0x88, $3  }
0x1: {  	(tag) =	ssettag $0x0;
	lr =	simm.s32 $0x1  }
0x2: {  	[smem:$0x3F9B] =	sst lr;
	_ =	strace $0xD0000000  }
0x3: {  	_ = 	snop  }
0x4: {  	_ = 	snop  }
0x5: {  	_ = 	snop  }
0x6: {  	_ = 	snop  }
0x7: {  	_ = 	snop  }
__scs_overlays_trampoline_lowered:
0x8: {  	[smem:$0x3FAA] =	sst s0  }
0x9: {  	[smem:$0x3FAB] =	sst s1  }
0xa: {  	[smem:$0x3FAC] =	sst s2  }
0xb: {  	[smem:$0x3FAD] =	sst s3  }
0xc: {  	[smem:$0x3FAE] =	sst s4  }
0xd: {  	[smem:$0x3FAF] =	sst s5  }
0xe: {  	[smem:$0x3FB0] =	sst s6  }
0xf: {  	[smem:$0x3FB1] =	sst s7  }
0x10: {  	[smem:$0x3FB2] =	sst s8  }
0x11: {  	[smem:$0x3FB3] =	sst s9;
	s0 =	simm.s32 @!p0 $0x0  }
0x12: {  	s1 =	sld [smem:$0x3F99];
	s0 =	simm.s32 @p0 $0x1  }
0x13: {  	[smem:$0x3FB4] =	sst s0;
	s0 =	simm.s32 @!p1 $0x0  }
0x14: {  	s2 =	sld [smem:$0x3F98];
	s0 =	simm.s32 @p1 $0x1  }
0x15: {  	[smem:$0x3FB5] =	sst s0;
	s0 =	simm.s32 @!p2 $0x0  }
0x16: {  	s3 =	sld [smem:$0x3FDB];
	s0 =	simm.s32 @p2 $0x1  }
0x17: {  	s4 =	simm.s32 $0x1BF5;
	[smem:$0x3FB7] =	sst s0  }
0x18: {  	s0 =	sld [smem:$0x3F9A];
	_ =	swait.ge [sflag:s4], $0x0  }
0x19: {  	s7 =	sld [smem:$0x3F9B]  }
0x1a: {  	s8 =	sadd.s32 $0xFFFFE003, lr  }
0x1b: {  	s9 =	sadd.s32 $0xFFFFFEF7, lr;
	s5 =	simm.s32 $0xFFFFFFFF;
	p2 =	slt.u32 s8, $0xFFFFF086  }
0x1c: {  	p1 =	slt.u32 s9, $0xF7A;
	s5 =	simm.s32 @!p2 $0x0  }
0x1d: {  	s5 =	simm.s32 @p1 $0x1;
	p0 =	seq.s32 s7, s2  }
0x1e: {  	s7 =	smul.u32 @!p0 $0xF7A, s2;
	p2 =	seq.s32 @!p0 s5, $0x0  }
0x1f: {  	s9 =	smul.u32 $0xF7A, s1;
	s8 =	simm.s32 @!p0 $0x1BF5;
	p2 =	por !p2, p0  }
0x20: {  	[sflag:s8] =	ssyncset.s32 @!p0 $0xFFFFF086;
	s6 =	sadd.s32 @!p0 s3, s7;
	s7 =	simm.s32 @!p0 $0x108  }
0x21: {  	s3 =	sadd.s32 s3, s9;
	s6 =	sadd.s32 @!p0 $0x88, s6;
	s7 =	simm.s32 @p2 $0x1082  }
0x22: {  	[simem:s7], [sflag:s8] =	dma.local @!p0 [hbm:s6], $0xF7A  }
0x23: {  	s9 =	sor.u32 $0xD0000000, s2;
	s6 =	simm.s32 $0x108;
	_ =	swait.ge @!p0 [sflag:s8], $0x0  }
0x24: {  	s3 =	sadd.s32 $0x88, s3;
	s6 =	simm.s32 @!p1 $0x1082;
	[sflag:s4] =	ssyncset.s32 $0xFFFFF086  }
0x25: {  	[simem:s6], [sflag:s4] =	dma.local [hbm:s3], $0xF7A  }
0x26: {  	[smem:$0x3F9B] =	sst s1;
	(tag) =	ssettag s2;
	_ =	strace s9  }
0x27: {  	s1 =	sld [smem:$0x3FAB]  }
0x28: {  	s2 =	sld [smem:$0x3FAC]  }
0x29: {  	s4 =	sld [smem:$0x3FAE]  }
0x2a: {  	p0 =	seq.s32 s5, $0x0;
	s5 =	sld [smem:$0x3FAF]  }
0x2b: {  	s6 =	sld [smem:$0x3FB0]  }
0x2c: {  	s7 =	sld [smem:$0x3FB1]  }
0x2d: {  	s3 =	simm.s32 $0x108;
	s8 =	sld [smem:$0x3FB2]  }
0x2e: {  	s3 =	simm.s32 @!p0 $0x1082;
	s9 =	sld [smem:$0x3FB3]  }
0x2f: {  	lr =	sadd.s32 s0, s3;
	s0 =	sld [smem:$0x3FAA]  }
0x30: {  	s3 =	sld [smem:$0x3FAD]  }
0x31: {  	[smem:$0x3FB6] =	sst s10  }
0x32: {  	s10 =	sld [smem:$0x3FB4];
	_ =	sdelay $0x3  }
0x33: {  	p0 =	seq.s32 s10, $0x1;
	s10 =	sld [smem:$0x3FB6];
	_ =	sdelay $0x3  }
0x34: {  	[smem:$0x3FB6] =	sst s10  }
0x35: {  	s10 =	sld [smem:$0x3FB5];
	_ =	sdelay $0x3  }
0x36: {  	p1 =	seq.s32 s10, $0x1;
	s10 =	sld [smem:$0x3FB6];
	_ =	sdelay $0x3  }
0x37: {  	[smem:$0x3FB6] =	sst s10  }
0x38: {  	s10 =	sld [smem:$0x3FB7]  }
0x39: {  	_ = 	snop;
	(pc) =	sbr.ind lr, $3  }
0x3a: {  	_ = 	snop  }
0x3b: {  	_ = 	snop  }
0x3c: {  	p2 =	seq.s32 s10, $0x1;
	s10 =	sld [smem:$0x3FB6]  }
0x3d: {  	_ =	shalt  }
0x3e: {  	_ =	shalt  }
0x3f: {  	_ =	shalt  }
0x40: {  	_ =	shalt  }
0x41: {  	_ =	shalt  }
0x42: {  	_ =	shalt  }
0x43: {  	_ =	shalt  }
0x44: {  	_ =	shalt  }
0x45: {  	_ =	shalt  }
0x46: {  	_ =	shalt  }
0x47: {  	_ =	shalt  }
0x48: {  	_ =	shalt  }
0x49: {  	_ =	shalt  }
0x4a: {  	_ =	shalt  }
0x4b: {  	_ =	shalt  }
0x4c: {  	_ =	shalt  }
0x4d: {  	_ =	shalt  }
0x4e: {  	_ =	shalt  }
0x4f: {  	_ =	shalt  }
0x50: {  	_ =	shalt  }
0x51: {  	_ =	shalt  }
0x52: {  	_ =	shalt  }
0x53: {  	_ =	shalt  }
0x54: {  	_ =	shalt  }
0x55: {  	_ =	shalt  }
0x56: {  	_ =	shalt  }
0x57: {  	_ =	shalt  }
0x58: {  	_ =	shalt  }
0x59: {  	_ =	shalt  }
0x5a: {  	_ =	shalt  }
0x5b: {  	_ =	shalt  }
0x5c: {  	_ =	shalt  }
0x5d: {  	_ =	shalt  }
0x5e: {  	_ =	shalt  }
0x5f: {  	_ =	shalt  }
0x60: {  	_ =	shalt  }
0x61: {  	_ =	shalt  }
0x62: {  	_ =	shalt  }
0x63: {  	_ =	shalt  }
0x64: {  	_ =	shalt  }
0x65: {  	_ =	shalt  }
0x66: {  	_ =	shalt  }
0x67: {  	_ =	shalt  }
0x68: {  	_ =	shalt  }
0x69: {  	_ =	shalt  }
0x6a: {  	_ =	shalt  }
0x6b: {  	_ =	shalt  }
0x6c: {  	_ =	shalt  }
0x6d: {  	_ =	shalt  }
0x6e: {  	_ =	shalt  }
0x6f: {  	_ =	shalt  }
0x70: {  	_ =	shalt  }
0x71: {  	_ =	shalt  }
0x72: {  	_ =	shalt  }
0x73: {  	_ =	shalt  }
0x74: {  	_ =	shalt  }
0x75: {  	_ =	shalt  }
0x76: {  	_ =	shalt  }
0x77: {  	_ =	shalt  }
0x78: {  	_ =	shalt  }
0x79: {  	_ =	shalt  }
0x7a: {  	_ =	shalt  }
0x7b: {  	_ =	shalt  }
0x7c: {  	_ =	shalt  }
0x7d: {  	_ =	shalt  }
0x7e: {  	_ =	shalt  }
0x7f: {  	_ =	shalt  }
0x80: {  	_ =	shalt  }
0x81: {  	_ =	shalt  }
0x82: {  	_ =	shalt  }
0x83: {  	_ =	shalt  }
0x84: {  	_ =	shalt  }
0x85: {  	_ =	shalt  }
0x86: {  	_ =	shalt  }
0x87: {  	_ =	shalt  }
.Lfunc_end0:
.L_simem_size_0:
called_computation_lowered:
.L_overlay_start_0:
0x88: {  	s2 =	sld [smem:$0x3FD9]  }
0x89: {  	s3 =	sld [smem:$0x3FFE];
	_ =	sdelay $0x1  }
0x8a: {  	s1 =	srdreg.scid  }
0x8b: {  	s0 =	sand.u32 $0x1, s1  }
0x8c: {  	s17 =	sshll.u32 s0, $0xA;
	s2 =	sadd.s32 s3, s2  }
0x8d: {  	s2 =	sadd.s32 s2, s17  }
0x8e: {  	[smem:$0x3FC2] =	sst s2  }
0x8f: {  	_ = 	snop  }
0x90: {  	s2 =	sld [smem:$0x3FD0];
	(tm) =	ssettm $0x1  }
0x91: {  	s18 =	sld [smem:$0x3FFB];
	_ =	sdelay $0x3  }
0x92: {  	_ =	strace s18  }
0x93: {  	s3 =	sld [smem:$0x3FFC];
	_ =	sdelay $0x3  }
0x94: {  	_ =	strace s3  }
0x95: {  	s3 =	sld [smem:$0x3FFD];
	_ =	sdelay $0x3  }
0x96: {  	_ =	strace s3  }
0x97: {  	_ =	strace $0x8FFFFFFF  }
0x98: {  	s19 =	sld [smem:$0x3FDB];
	_ =	sdelay $0x1  }
0x99: {  	s4 =	simm.s32 $_scs_section_size  }
0x9a: {  	s5 =	simm.s32 $_size__tile_overlayer_lowered;
	s6 =	simm.s32 $_tile_overlayer_lowered  }
0x9b: {  	s22 =	simm.s32 $0x1BFF;
	s21 =	sshll.u32 s6, $0x1;
	s3 =	sadd.s32 s4, s19  }
0x9c: {  	s7 =	simm.s32 $0x0;
	s20 =	sshll.u32 s5, $0x1;
	s5 =	sadd.s32 s21, s3  }
0x9d: {  	[timem:s7], [sflag:s22] =	dma.local [hbm:s5], s20  }
0x9e: {  	_ =	swait.ge [sflag:s22], s20  }
0x9f: {  	s4 =	ssub.s32 $0x0, s20;
	[sflag:s22] =	ssyncset.done $0x0  }
0xa0: {  	[sflag:s22] =	ssyncadd.s32 s4;
	_ =	sdelay $0x1  }
0xa1: {  	s23 =	simm.s32 $0x1B8B  }
0xa2: {  	_ =	swait.ge [sflag:s23], $0x1  }
0xa3: {  	[sflag:s23] =	ssyncset.done $0x0  }
0xa4: {  	s25 =	simm.s32 $0x1B8E;
	s24 =	sld [smem:$0x3FFE];
	[sflag:s23] =	ssyncadd.s32 $0xFFFFFFFF  }
0xa5: {  	s26 =	simm.s32 $execute0_lowered;
	[smem:$0x3FD2] =	sst s25  }
0xa6: {  	s5 =	sshll.u32 s26, $0x1;
	_ =	strace $0x80000046;
	[dreg:$0x1] =	wrdreg $0xFFFFFFFF  }
0xa7: {  	s28 =	simm.s32 $_size_execute0_lowered;
	s3 =	sadd.s32 s3, s5;
	[dreg:$0x0] =	wrdreg $0x0  }
0xa8: {  	s5 =	sshll.u32 s28, $0x1;
	[dreg:$0x2] =	wrdreg s3  }
0xa9: {  	[dreg:$0x3] =	wrdreg s5  }
0xaa: {  	[dreg:$0x4] =	wrdreg $0xC0  }
0xab: {  	_ =	task [dreg:s7], $0x5FFFF  }
0xac: {  	[dreg:$0x1] =	wrdreg $0xFFFFFFFF  }
0xad: {  	[dreg:$0x0] =	wrdreg $0x60  }
0xae: {  	[dreg:$0x2] =	wrdreg s24  }
0xaf: {  	[dreg:$0x3] =	wrdreg s2  }
0xb0: {  	[dreg:$0x4] =	wrdreg $0xA5000  }
0xb1: {  	[dreg:$0x5] =	wrdreg $0x9  }
0xb2: {  	_ =	task.clear_ibuf [dreg:s7], $0x6FFFF;
	_ =	strace $0x90000046  }
0xb3: {  	s29 =	simm.s32 $0x9;
	_ =	strace $0x80000048  }
0xb4: {  	_ =	swait.ge [sflag:s29], $0x1  }
0xb5: {  	[sflag:s29] =	ssyncadd.s32 $0xFFFFFFFF  }
0xb6: {  	_ =	strace $0x90000048  }
0xb7: {  	_ =	sfence  }
0xb8: {  	s30 =	sld [smem:$0x0];
	_ =	sdelay $0x2  }
0xb9: {  	s31 =	sshll.u32 s1, $0xD;
	s1 =	sshrl.u32 s1, $0x2  }
0xba: {  	s3 =	sand.u32 $0x4000, s31;
	s1 =	sadd.s32 s1, s30  }
0xbb: {  	s0 =	sor.u32 s3, s0;
	s1 =	sshll.u32 s1, $0x11  }
0xbc: {  	s0 =	sor.u32 s1, s0  }
0xbd: {  	s0 =	sadd.s32 $0x8F2B, s0  }
0xbe: {  	[sflag:s0] =	ssyncadd.remote.s32 $0x1  }
0xbf: {  	_ =	sfence.sel $0xFFFF  }
0xc0: {  	[dreg:$0x0] =	wrdreg $0xFFFFFFFF;
	(pc) =	sbr.abs _section_cstart, $3  }
0xc1: {  	[dreg:$0x1] =	wrdreg $0xFFFFFFFF  }
0xc2: {  	_ =	task.clear_ibuf [dreg:s7], $0x2FFFF;
	_ =	strace $0x9FFFFFFF  }
0xc3: {  	(tm) =	ssettm $0x7FFFFFFF  }
tec
execute0_lowered:
.L_overlay_start_1:
0x0: {  	(tag) =	ssettag $0x1  }
0x1: {  	s0 =	rddreg [dreg:$0x0]  }
0x2: {  	s1 =	rddreg [dreg:$0x1]  }
0x3: {  	s7 =	rddreg [dreg:$0x2]  }
0x4: {  	s2 =	simm.s32 $0x0;
	s16 =	srdreg.scid;
	s8 =	stileid.u32  }
0x5: {  	[smem:$0x7FF] =	sst s2;
	s3 =	sadd.s32 $0x3E600, s0;
	s9 =	sadd.s32 $0x3200, s0  }
0x6: {  	s2 =	sand.u32 $0x1, s16;
	s10 =	sadd.s32 $0xD000, s0;
	s11 =	sadd.s32 $0x16E00, s0  }
0x7: {  	s12 =	sadd.s32 $0x20C00, s0;
	_ =	strace $0x80000047;
	[dreg:$0x15] =	wrdreg s3  }
0x8: {  	s4 =	smul.u32 $0x14000, s8;
	s13 =	sadd.s32 $0x2AA00, s0;
	[dreg:$0x16] =	wrdreg s9  }
0x9: {  	s14 =	sadd.s32 $0x34800, s0;
	s19 =	smul.u32 $0x50000, s8;
	[dreg:$0x17] =	wrdreg s10  }
0xa: {  	s25 =	sshll.u32 s8, $0x7;
	s17 =	smul.u32 $0x140000, s2;
	[dreg:$0x18] =	wrdreg s11  }
0xb: {  	s5 =	sshll.u32 s2, $0x4;
	s2 =	ssub.s32 $0x2, s2;
	[dreg:$0x19] =	wrdreg s12  }
0xc: {  	[dreg:$0x1a] =	wrdreg s13;
	s18 =	sor.u32 s8, s5;
	s5 =	sshrl.u32 s19, $0x2  }
0xd: {  	[dreg:$0x1b] =	wrdreg s14;
	s20 =	sshrl.u32 s2, $0x1;
	s15 =	sadd.s32 s5, s7  }
0xe: {  	s3 =	sadd.s32 s4, s17;
	s16 =	sadd.s32 $0x1400, s15;
	[dreg:$0x1c] =	wrdreg s15  }
0xf: {  	s6 =	smul.u32 $0x2710, s18;
	s17 =	sadd.s32 $0x2800, s15;
	[smem:$0x7EF] =	sst s16  }
0x10: {  	s4 =	sshrl.u32 s18, $0x3;
	s18 =	sadd.s32 $0x3C00, s15;
	[smem:$0x7F0] =	sst s17  }
0x11: {  	s2 =	ssub.s32 s2, s20;
	s19 =	sadd.s32 $0x5000, s15;
	[smem:$0x7F1] =	sst s18  }
0x12: {  	s5 =	sand.u32 $0x380, s25;
	s20 =	sadd.s32 $0x6400, s15;
	[smem:$0x7F2] =	sst s19  }
0x13: {  	s25 =	sadd.s32 $0xC800, s15;
	s21 =	sshrl.u32 s6, $0x3;
	[smem:$0x7F3] =	sst s20  }
0x14: {  	[smem:$0x7F8] =	sst s25;
	s22 =	sadd.s32 s9, s21  }
0x15: {  	s23 =	sadd.s32 s10, s21;
	[dreg:$0x1d] =	wrdreg s22  }
0x16: {  	s24 =	sadd.s32 s11, s21;
	[dreg:$0x1e] =	wrdreg s23  }
0x17: {  	s26 =	sadd.s32 s12, s21;
	[dreg:$0x1f] =	wrdreg s24  }
0x18: {  	s3 =	sshrl.u32 s3, $0x3;
	s29 =	sadd.s32 s13, s21;
	[smem:$0x7E1] =	sst s26  }
0x19: {  	s0 =	sadd.s32 s3, s0;
	s3 =	sadd.s32 s14, s21;
	[smem:$0x7E2] =	sst s29  }
0x1a: {  	s4 =	smul.u32 $0x14000, s4;
	s0 =	sadd.s32 $0x8C800, s0;
	[smem:$0x7E3] =	sst s3  }
0x1b: {  	s28 =	sadd.s32 $0x28, s6;
	s21 =	sadd.s32 $0x7800, s15;
	[smem:$0x7ED] =	sst s0  }
0x1c: {  	s7 =	sshrl.u32 s28, $0x3;
	s28 =	sadd.s32 $0xF000, s15;
	[smem:$0x7F4] =	sst s21  }
0x1d: {  	s30 =	sadd.s32 s9, s7;
	[smem:$0x7FA] =	sst s28  }
0x1e: {  	s4 =	sor.u32 s5, s4;
	s5 =	sadd.s32 s10, s7;
	[smem:$0x7E4] =	sst s30  }
0x1f: {  	s8 =	sadd.s32 s11, s7;
	[smem:$0x7E5] =	sst s5  }
0x20: {  	s9 =	sadd.s32 s12, s7;
	[smem:$0x7E7] =	sst s8  }
0x21: {  	s10 =	sadd.s32 s13, s7;
	[smem:$0x7E8] =	sst s9  }
0x22: {  	s11 =	sadd.s32 s14, s7;
	[smem:$0x7E9] =	sst s10  }
0x23: {  	s12 =	sadd.s32 $0x50, s6;
	[smem:$0x7EA] =	sst s11  }
0x24: {  	s13 =	sadd.s32 $0x78, s6;
	[smem:$0x7EB] =	sst s12  }
0x25: {  	s14 =	smax.u32 s2, $0x1;
	[smem:$0x7EC] =	sst s13  }
0x26: {  	s22 =	sadd.s32 $0x8C00, s15;
	[smem:$0x7EE] =	sst s14  }
0x27: {  	s23 =	sadd.s32 $0xA000, s15;
	[smem:$0x7F5] =	sst s22  }
0x28: {  	s18 =	simm.s32 $0x7D00;
	s24 =	sadd.s32 $0xB400, s15;
	[smem:$0x7F6] =	sst s23  }
0x29: {  	s31 =	sshrl.u32 s4, $0x3;
	s26 =	sadd.s32 $0xDC00, s15;
	[smem:$0x7F7] =	sst s24  }
.Ltmp0:
0x2a: {  	s29 =	sadd.s32 $0x10400, s15;
	[smem:$0x7F9] =	sst s26;
	(pc) =	sbr.rel .LBB2_1-.Ltmp0, $4  }
0x2b: {  	s3 =	simm.s32 $0x7;
	s1 =	sadd.s32 s1, s31;
	[smem:$0x7FB] =	sst s29  }
0x2c: {  	v3 =	vlaneseq.u32;
	v0 =	vimm.f32 $0.0e+00;
	s30 =	sadd.s32 $0x11800, s15;
	s31 =	sadd.s32 $0x12C00, s15;
	[smem:$0x7E6] =	sst s1  }
0x2d: {  	vm0 =	vmmov $0xffff;
	v4 =	vimm.f32 $1.000000000e+00;
	v2 =	vshrl.u32 v3, $0x3;
	s12 =	simm.s32 $0x200;
	s13 =	simm.s32 $0x300;
	[smem:$0x7FC] =	sst s30  }
0x2e: {  	v1 =	vand.u32 $0x7, v3;
	v3 =	vor.u32 $0x8, v3;
	v2 =	vmul.u32 $0x8, v2;
	s14 =	simm.s32 $0x400;
	[smem:$0x7FD] =	sst s31;
	s1 =	simm.s32 $0x0  }
.LBB2_12:
0x2f: {  	s0 =	simm.s32 $0x4  }
0x30: {  	_ =	swait.ge [sflag:s0], $0x1400  }
0x31: {  	s26 =	sld [smem:$0x7E6]  }
0x32: {  	s1 =	simm.s32 $0x80;
	[sflag:s0] =	ssyncset.done $0x0  }
0x33: {  	s14 =	simm.s32 $0x400;
	s3 =	simm.s32 $0x7;
	[sflag:s0] =	ssyncadd.s32 $0xFFFFEC00  }
0x34: {  	[hbm4b:s26+s1] =	stream.strided.scatter [tilespmem:s18], [sflag:$0x7], $0x2800, s14, s1, $0x38;
	[tilespmem:$0x1E500] =	vst v63  }
0x35: {  	_ =	swait.ge [sflag:s3], $0x2800  }
0x36: {  	[sflag:s3] =	ssyncset.done $0x0  }
0x37: {  	[sflag:s3] =	ssyncadd.s32 $0xFFFFD800  }
0x38: {  	[bflag:$0x0] =	sbarrier.arrive $0xFFFF  }
0x39: {  	s28 =	stileid.u32;
	s2 =	sld [smem:$0x7ED]  }
0x3a: {  	s0 =	sshll.u32 s28, $0x6;
	s15 =	rddreg [dreg:$0x1c]  }
0x3b: {  	s0 =	sor.u32 $0x1C07, s0;
	s29 =	sshrl.u32 s15, $0x3  }
0x3c: {  	[hbm:s2], [sflag:s0] =	dma.local [spmem:s29], $0x2800  }
0x3d: {  	_ =	swait.ge [sflag:s3], $0x2800  }
0x3e: {  	s30 =	sld [smem:$0x7E0]  }
0x3f: {  	s31 =	sld [smem:$0x7EE];
	_ =	sdelay $0x1  }
0x40: {  	s1 =	sadd.s32 $0x1, s30  }
0x41: {  	p0 =	sne.s32 s1, s31  }
.Ltmp1:
0x42: {  	_ = 	snop;
	(pc) =	sbr.rel @!p0 .LBB2_13-.Ltmp1, $3  }
0x43: {  	_ =	sdelay $0x1  }
0x44: {  	[sflag:s3] =	ssyncset.done $0x0  }
0x45: {  	s12 =	simm.s32 $0x200;
	[sflag:s3] =	ssyncadd.s32 $0xFFFFD800  }
.LBB2_1:
0x46: {  	[smem:$0x7E0] =	sst s1;
	s0 =	simm.s32 $0x0;
	s1 =	simm.s32 $0x200  }
.LBB2_2:
0x47: {  	p0 =	sne.s32 s1, $0x4E00;
	[tilespmem:s0+$0x5570] =	vst v0  }
0x48: {  	[tilespmem:s0+$0x5500] =	vst v0  }
0x49: {  	[tilespmem:s0+$0x5510] =	vst v0  }
.Ltmp2:
0x4a: {  	[tilespmem:s0+$0x5520] =	vst v0;
	(pc) =	sbr.rel @p0 .LBB2_2-.Ltmp2, $4  }
0x4b: {  	[tilespmem:s0+$0x5530] =	vst v0  }
0x4c: {  	[tilespmem:s0+$0x5540] =	vst v0  }
0x4d: {  	[tilespmem:s0+$0x5550] =	vst v0  }
0x4e: {  	[tilespmem:s0+$0x5560] =	vst v0;
	s0 =	sshra.s32 s1, $0x2;
	s1 =	sadd.s32 $0x200, s1  }
0x4f: {  	[tilespmem:s0+$0x5570] =	vst v0  }
0x50: {  	[tilespmem:s0+$0x5500] =	vst v0  }
0x51: {  	[tilespmem:s0+$0x5510] =	vst v0  }
0x52: {  	[tilespmem:s0+$0x5520] =	vst v0  }
0x53: {  	[tilespmem:s0+$0x5530] =	vst v0  }
0x54: {  	[tilespmem:s0+$0x5540] =	vst v0  }
0x55: {  	[tilespmem:s0+$0x5550] =	vst v0  }
0x56: {  	[tilespmem:s0+$0x5560] =	vst v0;
	s0 =	simm.s32 $0x40;
	s1 =	simm.s32 $0x0  }
.LBB2_4:
0x57: {  	p0 =	sne.s32 s0, $0x9FC0;
	[tilespmem:s1+$0x7D00] =	vst v0;
	s1 =	smov.u32 s0;
	s0 =	sadd.s32 $0x40, s0  }
.Ltmp3:
0x58: {  	(pc) =	sbr.rel @p0 .LBB2_4-.Ltmp3, $2  }
0x59: {  	_ =	sdelay $0x2  }
0x5a: {  	s1 =	sshra.s32 s1, $0x2  }
0x5b: {  	[tilespmem:s1+$0x7D00] =	vst v0;
	s9 =	simm.s32 $0x5500  }
0x5c: {  	[spmem:s15] =	stream.linear.scatter [tilespmem:s9], [sflag:$0x7], $0x1400, $0x38;
	[tilespmem:$0x1E500] =	vst v63  }
0x5d: {  	_ =	swait.ge [sflag:s3], $0x1400  }
0x5e: {  	s0 =	sld [smem:$0x7EF]  }
0x5f: {  	[sflag:s3] =	ssyncset.done $0x0  }
0x60: {  	[sflag:s3] =	ssyncadd.s32 $0xFFFFEC00  }
0x61: {  	[spmem:s0] =	stream.linear.scatter [tilespmem:s9], [sflag:$0x7], $0x1400, $0x38;
	[tilespmem:$0x1E500] =	vst v63  }
0x62: {  	_ =	swait.ge [sflag:s3], $0x1400  }
0x63: {  	s10 =	sld [smem:$0x7F0]  }
0x64: {  	[sflag:s3] =	ssyncset.done $0x0  }
0x65: {  	[sflag:s3] =	ssyncadd.s32 $0xFFFFEC00  }
0x66: {  	[spmem:s10] =	stream.linear.scatter [tilespmem:s9], [sflag:$0x7], $0x1400, $0x38;
	[tilespmem:$0x1E500] =	vst v63  }
0x67: {  	_ =	swait.ge [sflag:s3], $0x1400  }
0x68: {  	s11 =	sld [smem:$0x7F1]  }
0x69: {  	[sflag:s3] =	ssyncset.done $0x0  }
0x6a: {  	[sflag:s3] =	ssyncadd.s32 $0xFFFFEC00  }
0x6b: {  	[spmem:s11] =	stream.linear.scatter [tilespmem:s9], [sflag:$0x7], $0x1400, $0x38;
	[tilespmem:$0x1E500] =	vst v63  }
0x6c: {  	_ =	swait.ge [sflag:s3], $0x1400  }
0x6d: {  	s15 =	sld [smem:$0x7F2]  }
0x6e: {  	[sflag:s3] =	ssyncset.done $0x0  }
0x6f: {  	[sflag:s3] =	ssyncadd.s32 $0xFFFFEC00  }
0x70: {  	[spmem:s15] =	stream.linear.scatter [tilespmem:s9], [sflag:$0x7], $0x1400, $0x38;
	[tilespmem:$0x1E500] =	vst v63  }
0x71: {  	_ =	swait.ge [sflag:s3], $0x1400  }
0x72: {  	s16 =	sld [smem:$0x7F3]  }
0x73: {  	[sflag:s3] =	ssyncset.done $0x0  }
0x74: {  	[sflag:s3] =	ssyncadd.s32 $0xFFFFEC00  }
0x75: {  	[spmem:s16] =	stream.linear.scatter [tilespmem:s9], [sflag:$0x7], $0x1400, $0x38;
	[tilespmem:$0x1E500] =	vst v63  }
0x76: {  	_ =	swait.ge [sflag:s3], $0x1400  }
0x77: {  	s17 =	sld [smem:$0x7F4]  }
0x78: {  	[sflag:s3] =	ssyncset.done $0x0  }
0x79: {  	[sflag:s3] =	ssyncadd.s32 $0xFFFFEC00  }
0x7a: {  	[spmem:s17] =	stream.linear.scatter [tilespmem:s9], [sflag:$0x7], $0x1400, $0x38;
	[tilespmem:$0x1E500] =	vst v63  }
0x7b: {  	_ =	swait.ge [sflag:s3], $0x1400  }
0x7c: {  	s19 =	sld [smem:$0x7F5]  }
0x7d: {  	[sflag:s3] =	ssyncset.done $0x0  }
0x7e: {  	[sflag:s3] =	ssyncadd.s32 $0xFFFFEC00  }
0x7f: {  	[spmem:s19] =	stream.linear.scatter [tilespmem:s9], [sflag:$0x7], $0x1400, $0x38;
	[tilespmem:$0x1E500] =	vst v63  }
0x80: {  	_ =	swait.ge [sflag:s3], $0x1400  }
0x81: {  	s20 =	sld [smem:$0x7F6]  }
0x82: {  	[sflag:s3] =	ssyncset.done $0x0  }
0x83: {  	[sflag:s3] =	ssyncadd.s32 $0xFFFFEC00  }
0x84: {  	[spmem:s20] =	stream.linear.scatter [tilespmem:s9], [sflag:$0x7], $0x1400, $0x38;
	[tilespmem:$0x1E500] =	vst v63  }
0x85: {  	_ =	swait.ge [sflag:s3], $0x1400  }
0x86: {  	s21 =	sld [smem:$0x7F7]  }
0x87: {  	[sflag:s3] =	ssyncset.done $0x0  }
0x88: {  	[sflag:s3] =	ssyncadd.s32 $0xFFFFEC00  }
0x89: {  	[spmem:s21] =	stream.linear.scatter [tilespmem:s9], [sflag:$0x7], $0x1400, $0x38;
	[tilespmem:$0x1E500] =	vst v63  }
0x8a: {  	_ =	swait.ge [sflag:s3], $0x1400  }
0x8b: {  	s22 =	sld [smem:$0x7F8]  }
0x8c: {  	[sflag:s3] =	ssyncset.done $0x0  }
0x8d: {  	[sflag:s3] =	ssyncadd.s32 $0xFFFFEC00  }
0x8e: {  	[spmem:s22] =	stream.linear.scatter [tilespmem:s9], [sflag:$0x7], $0x1400, $0x38;
	[tilespmem:$0x1E500] =	vst v63  }
0x8f: {  	_ =	swait.ge [sflag:s3], $0x1400  }
0x90: {  	s23 =	sld [smem:$0x7F9]  }
0x91: {  	[sflag:s3] =	ssyncset.done $0x0  }
0x92: {  	[sflag:s3] =	ssyncadd.s32 $0xFFFFEC00  }
0x93: {  	[spmem:s23] =	stream.linear.scatter [tilespmem:s9], [sflag:$0x7], $0x1400, $0x38;
	[tilespmem:$0x1E500] =	vst v63  }
0x94: {  	_ =	swait.ge [sflag:s3], $0x1400  }
0x95: {  	s24 =	sld [smem:$0x7FA]  }
0x96: {  	[sflag:s3] =	ssyncset.done $0x0  }
0x97: {  	[sflag:s3] =	ssyncadd.s32 $0xFFFFEC00  }
0x98: {  	[spmem:s24] =	stream.linear.scatter [tilespmem:s9], [sflag:$0x7], $0x1400, $0x38;
	[tilespmem:$0x1E500] =	vst v63  }
0x99: {  	_ =	swait.ge [sflag:s3], $0x1400  }
0x9a: {  	s25 =	sld [smem:$0x7FB]  }
0x9b: {  	[sflag:s3] =	ssyncset.done $0x0  }
0x9c: {  	[sflag:s3] =	ssyncadd.s32 $0xFFFFEC00  }
0x9d: {  	[spmem:s25] =	stream.linear.scatter [tilespmem:s9], [sflag:$0x7], $0x1400, $0x38;
	[tilespmem:$0x1E500] =	vst v63  }
0x9e: {  	_ =	swait.ge [sflag:s3], $0x1400  }
0x9f: {  	s26 =	sld [smem:$0x7FC]  }
0xa0: {  	[sflag:s3] =	ssyncset.done $0x0  }
0xa1: {  	[sflag:s3] =	ssyncadd.s32 $0xFFFFEC00  }
0xa2: {  	[spmem:s26] =	stream.linear.scatter [tilespmem:s9], [sflag:$0x7], $0x1400, $0x38;
	[tilespmem:$0x1E500] =	vst v63  }
0xa3: {  	_ =	swait.ge [sflag:s3], $0x1400  }
0xa4: {  	s28 =	sld [smem:$0x7FD]  }
0xa5: {  	[sflag:s3] =	ssyncset.done $0x0  }
0xa6: {  	[sflag:s3] =	ssyncadd.s32 $0xFFFFEC00  }
0xa7: {  	[spmem:s28] =	stream.linear.scatter [tilespmem:s9], [sflag:$0x7], $0x1400, $0x38;
	[tilespmem:$0x1E500] =	vst v63  }
0xa8: {  	_ =	swait.ge [sflag:s3], $0x1400  }
0xa9: {  	[sflag:s3] =	ssyncset.done $0x0  }
0xaa: {  	[sflag:s3] =	ssyncadd.s32 $0xFFFFEC00  }
0xab: {  	[bflag:$0x0] =	sbarrier.arrive $0xFFFF  }
0xac: {  	s29 =	rddreg [dreg:$0x1d]  }
0xad: {  	s2 =	simm.s32 $0x0;
	s30 =	rddreg [dreg:$0x1e]  }
0xae: {  	[tilespmem:s2], [sflag:$0x5] =	stream.linear.gather [hbm4b:s29+s2], $0x28, $0x38;
	[tilespmem:$0x1E500] =	vst v63  }
0xaf: {  	s31 =	simm.s32 $0x100;
	s1 =	rddreg [dreg:$0x1f]  }
0xb0: {  	[tilespmem:s31], [sflag:$0x5] =	stream.linear.gather [hbm4b:s30+s2], $0x28, $0x38;
	[tilespmem:$0x1E500] =	vst v63  }
0xb1: {  	s3 =	sld [smem:$0x7E1]  }
0xb2: {  	[tilespmem:s12], [sflag:$0x5] =	stream.linear.gather [hbm4b:s1+s2], $0x28, $0x38;
	[tilespmem:$0x1E500] =	vst v63  }
0xb3: {  	s4 =	simm.s32 $0x228;
	s5 =	sld [smem:$0x7E2]  }
0xb4: {  	[tilespmem:s4], [sflag:$0x5] =	stream.linear.gather [hbm4b:s3+s2], $0x28, $0x38;
	[tilespmem:$0x1E500] =	vst v63  }
0xb5: {  	s6 =	simm.s32 $0x250;
	s7 =	sld [smem:$0x7E3]  }
0xb6: {  	[tilespmem:s6], [sflag:$0x5] =	stream.linear.gather [hbm4b:s5+s2], $0x28, $0x38;
	[tilespmem:$0x1E500] =	vst v63  }
0xb7: {  	s8 =	simm.s32 $0x278;
	s9 =	sld [smem:$0x7E4]  }
0xb8: {  	[tilespmem:s8], [sflag:$0x5] =	stream.linear.gather [hbm4b:s7+s2], $0x28, $0x38;
	[tilespmem:$0x1E500] =	vst v63  }
0xb9: {  	s10 =	simm.s32 $0x80;
	s11 =	sld [smem:$0x7E5]  }
0xba: {  	[tilespmem:s10], [sflag:$0x6] =	stream.linear.gather [hbm4b:s9+s2], $0x28, $0x38;
	[tilespmem:$0x1E500] =	vst v63  }
0xbb: {  	s15 =	simm.s32 $0x180;
	s16 =	sld [smem:$0x7E7]  }
0xbc: {  	[tilespmem:s15], [sflag:$0x6] =	stream.linear.gather [hbm4b:s11+s2], $0x28, $0x38;
	[tilespmem:$0x1E500] =	vst v63  }
0xbd: {  	s17 =	sld [smem:$0x7E8]  }
0xbe: {  	[tilespmem:s13], [sflag:$0x6] =	stream.linear.gather [hbm4b:s16+s2], $0x28, $0x38;
	[tilespmem:$0x1E500] =	vst v63  }
0xbf: {  	s19 =	simm.s32 $0x328;
	s20 =	sld [smem:$0x7E9]  }
0xc0: {  	[tilespmem:s19], [sflag:$0x6] =	stream.linear.gather [hbm4b:s17+s2], $0x28, $0x38;
	[tilespmem:$0x1E500] =	vst v63  }
0xc1: {  	s21 =	simm.s32 $0x350;
	s22 =	sld [smem:$0x7EA]  }
0xc2: {  	[tilespmem:s21], [sflag:$0x6] =	stream.linear.gather [hbm4b:s20+s2], $0x28, $0x38;
	[tilespmem:$0x1E500] =	vst v63  }
0xc3: {  	s23 =	simm.s32 $0x378;
	s24 =	simm.s32 $0x5  }
0xc4: {  	[tilespmem:s23], [sflag:$0x6] =	stream.linear.gather [hbm4b:s22+s2], $0x28, $0x38;
	[tilespmem:$0x1E500] =	vst v63  }
0xc5: {  	_ =	swait.ge [sflag:s24], $0x28  }
0xc6: {  	[sflag:s24] =	ssyncset.done $0x0  }
0xc7: {  	[sflag:s24] =	ssyncadd.s32 $0xFFFFFFD8  }
0xc8: {  	_ =	swait.ge [sflag:s24], $0x28  }
0xc9: {  	[sflag:s24] =	ssyncset.done $0x0  }
0xca: {  	[sflag:s24] =	ssyncadd.s32 $0xFFFFFFD8  }
0xcb: {  	_ =	swait.ge [sflag:s24], $0x28  }
0xcc: {  	[sflag:s24] =	ssyncset.done $0x0  }
0xcd: {  	[sflag:s24] =	ssyncadd.s32 $0xFFFFFFD8  }
0xce: {  	_ =	swait.ge [sflag:s24], $0x28  }
0xcf: {  	[sflag:s24] =	ssyncset.done $0x0  }
0xd0: {  	[sflag:s24] =	ssyncadd.s32 $0xFFFFFFD8  }
0xd1: {  	_ =	swait.ge [sflag:s24], $0x28  }
0xd2: {  	[sflag:s24] =	ssyncset.done $0x0  }
0xd3: {  	[sflag:s24] =	ssyncadd.s32 $0xFFFFFFD8  }
0xd4: {  	_ =	swait.ge [sflag:s24], $0x28  }
0xd5: {  	[sflag:s24] =	ssyncset.done $0x0  }
0xd6: {  	[sflag:s24] =	ssyncadd.s32 $0xFFFFFFD8  }
0xd7: {  	v5 =	vld [tilespmem:$0x0];
	_ =	sdelay $0x4  }
0xd8: {  	v6 =	vshll.u32 v5, $0x1  }
0xd9: {  	v5 =	vand.u32 $0x7, v5;
	v6 =	vand.u32 $0xFFFFFFF0, v6  }
0xda: {  	v5 =	vor.u32 v5, v6  }
0xdb: {  	v6 =	vperm.xlane v5, v1;
	_ =	sdelay $0x1  }
0xdc: {  	v5 =	vperm.xlane v5, v3;
	v6 =	vadd.s32 v2, v6;
	_ =	sdelay $0x1  }
0xdd: {  	v5 =	vadd.s32 v2, v5;
	_ =	sdelay $0x1  }
0xde: {  	s26 =	simm.s32 $0x500;
	s25 =	rddreg [dreg:$0x15]  }
0xdf: {  	[tilespmem:s26], [sflag:$0x1] =	stream.indirect_vreg.gather [hbm4b:s25+s2], $0x80, v6, vm0, $0xb8;
	[tilespmem:$0x1E500] =	vst v63  }
0xe0: {  	s28 =	simm.s32 $0xD00  }
0xe1: {  	[tilespmem:s28], [sflag:$0x1] =	stream.indirect_vreg.gather [hbm4b:s25+s2], $0x80, v5, vm0, $0xb8;
	[tilespmem:$0x1E500] =	vst v63  }
0xe2: {  	v5 =	vld [tilespmem:$0x10];
	_ =	sdelay $0x4  }
0xe3: {  	v6 =	vshll.u32 v5, $0x1  }
0xe4: {  	v5 =	vand.u32 $0x7, v5;
	v6 =	vand.u32 $0xFFFFFFF0, v6  }
0xe5: {  	v5 =	vor.u32 v5, v6  }
0xe6: {  	v6 =	vperm.xlane v5, v1;
	_ =	sdelay $0x1  }
0xe7: {  	v5 =	vperm.xlane v5, v3;
	v6 =	vadd.s32 v2, v6;
	_ =	sdelay $0x1  }
0xe8: {  	v5 =	vadd.s32 v2, v5;
	_ =	sdelay $0x1  }
0xe9: {  	s29 =	simm.s32 $0x1500  }
0xea: {  	[tilespmem:s29], [sflag:$0x1] =	stream.indirect_vreg.gather [hbm4b:s25+s2], $0x80, v6, vm0, $0xb8;
	[tilespmem:$0x1E500] =	vst v63  }
0xeb: {  	s30 =	simm.s32 $0x1D00  }
0xec: {  	[tilespmem:s30], [sflag:$0x1] =	stream.indirect_vreg.gather [hbm4b:s25+s2], $0x80, v5, vm0, $0xb8;
	[tilespmem:$0x1E500] =	vst v63  }
0xed: {  	v5 =	vld.msk [tilespmem:$0x20], $0xff;
	_ =	sdelay $0x4  }
0xee: {  	v6 =	vshll.u32 v5, $0x1  }
0xef: {  	v5 =	vand.u32 $0x7, v5;
	v6 =	vand.u32 $0xFFFFFFF0, v6  }
0xf0: {  	v5 =	vor.u32 v5, v6  }
0xf1: {  	v5 =	vperm.xlane v5, v1;
	_ =	sdelay $0x1  }
0xf2: {  	v5 =	vadd.s32 v2, v5;
	_ =	sdelay $0x3  }
0xf3: {  	s31 =	simm.s32 $0x2500;
	s4 =	simm.s32 $0x0  }
0xf4: {  	[tilespmem:s31], [sflag:$0x1] =	stream.indirect_vreg.gather [hbm4b:s25+s2], $0x80, v5, vm0, $0xb8;
	[tilespmem:$0x1E500] =	vst v63  }
.LBB2_6:
0xf5: {  	s0 =	simm.s32 $0x1  }
0xf6: {  	_ =	swait.ge [sflag:s0], $0x2800  }
0xf7: {  	p0 =	seq.s32 s4, $0x0;
	[sflag:s0] =	ssyncset.done $0x0  }
0xf8: {  	[smem:$0x7DF] =	sst s4;
	[sflag:s0] =	ssyncadd.s32 $0xFFFFD800;
	s0 =	simm.s32 @!p0 $0x4  }
0xf9: {  	_ =	swait.ge @!p0 [sflag:s0], $0x1400  }
0xfa: {  	[sflag:s0] =	ssyncset.done @!p0 $0x0  }
0xfb: {  	[sflag:s0] =	ssyncadd.s32 @!p0 $0xFFFFEC00  }
0xfc: {  	v5 =	vld [tilespmem:$0x100]  }
0xfd: {  	v6 =	vld [tilespmem:$0x110]  }
0xfe: {  	v7 =	vld [tilespmem:$0x118];
	_ =	sdelay $0x2  }
0xff: {  	[tilespmem:$0x400] =	vst v5  }
0x100: {  	[tilespmem:$0x410] =	vst v6  }
0x101: {  	s11 =	simm.s32 $0x6;
	[tilespmem:$0x418] =	vst v7  }
0x102: {  	_ =	swait.ge [sflag:s11], $0x28  }
0x103: {  	[sflag:s11] =	ssyncset.done $0x0  }
0x104: {  	[sflag:s11] =	ssyncadd.s32 $0xFFFFFFD8  }
0x105: {  	_ =	swait.ge [sflag:s11], $0x28  }
0x106: {  	[sflag:s11] =	ssyncset.done $0x0  }
0x107: {  	[sflag:s11] =	ssyncadd.s32 $0xFFFFFFD8  }
0x108: {  	_ =	swait.ge [sflag:s11], $0x28  }
0x109: {  	[sflag:s11] =	ssyncset.done $0x0  }
0x10a: {  	[sflag:s11] =	ssyncadd.s32 $0xFFFFFFD8  }
0x10b: {  	_ =	swait.ge [sflag:s11], $0x28  }
0x10c: {  	[sflag:s11] =	ssyncset.done $0x0  }
0x10d: {  	[sflag:s11] =	ssyncadd.s32 $0xFFFFFFD8  }
0x10e: {  	_ =	swait.ge [sflag:s11], $0x28  }
0x10f: {  	[sflag:s11] =	ssyncset.done $0x0  }
0x110: {  	[sflag:s11] =	ssyncadd.s32 $0xFFFFFFD8  }
0x111: {  	_ =	swait.ge [sflag:s11], $0x28  }
0x112: {  	[sflag:s11] =	ssyncset.done $0x0  }
0x113: {  	[sflag:s11] =	ssyncadd.s32 $0xFFFFFFD8  }
0x114: {  	v5 =	vld [tilespmem:$0x80];
	_ =	sdelay $0x4  }
0x115: {  	v6 =	vshll.u32 v5, $0x1  }
0x116: {  	v5 =	vand.u32 $0x7, v5;
	v6 =	vand.u32 $0xFFFFFFF0, v6  }
0x117: {  	v5 =	vor.u32 v5, v6  }
0x118: {  	v6 =	vperm.xlane v5, v1;
	_ =	sdelay $0x1  }
0x119: {  	v5 =	vperm.xlane v5, v3;
	v6 =	vadd.s32 v2, v6;
	_ =	sdelay $0x1  }
0x11a: {  	v5 =	vadd.s32 v2, v5;
	_ =	sdelay $0x1  }
0x11b: {  	s13 =	simm.s32 $0x2D00;
	s7 =	simm.s32 $0x0;
	s2 =	rddreg [dreg:$0x15]  }
0x11c: {  	[tilespmem:s13], [sflag:$0x2] =	stream.indirect_vreg.gather [hbm4b:s2+s7], $0x80, v6, vm0, $0xb8;
	[tilespmem:$0x1E500] =	vst v63  }
0x11d: {  	s15 =	simm.s32 $0x3500  }
0x11e: {  	[tilespmem:s15], [sflag:$0x2] =	stream.indirect_vreg.gather [hbm4b:s2+s7], $0x80, v5, vm0, $0xb8;
	[tilespmem:$0x1E500] =	vst v63  }
0x11f: {  	v5 =	vld [tilespmem:$0x90];
	_ =	sdelay $0x4  }
0x120: {  	v6 =	vshll.u32 v5, $0x1  }
0x121: {  	v5 =	vand.u32 $0x7, v5;
	v6 =	vand.u32 $0xFFFFFFF0, v6  }
0x122: {  	v5 =	vor.u32 v5, v6  }
0x123: {  	v6 =	vperm.xlane v5, v1;
	_ =	sdelay $0x1  }
0x124: {  	v5 =	vperm.xlane v5, v3;
	v6 =	vadd.s32 v2, v6;
	_ =	sdelay $0x1  }
0x125: {  	v5 =	vadd.s32 v2, v5;
	_ =	sdelay $0x1  }
0x126: {  	s16 =	simm.s32 $0x3D00  }
0x127: {  	[tilespmem:s16], [sflag:$0x2] =	stream.indirect_vreg.gather [hbm4b:s2+s7], $0x80, v6, vm0, $0xb8;
	[tilespmem:$0x1E500] =	vst v63  }
0x128: {  	s17 =	simm.s32 $0x4500  }
0x129: {  	[tilespmem:s17], [sflag:$0x2] =	stream.indirect_vreg.gather [hbm4b:s2+s7], $0x80, v5, vm0, $0xb8;
	[tilespmem:$0x1E500] =	vst v63  }
0x12a: {  	v5 =	vld.msk [tilespmem:$0xA0], $0xff;
	_ =	sdelay $0x4  }
0x12b: {  	v6 =	vshll.u32 v5, $0x1  }
0x12c: {  	v5 =	vand.u32 $0x7, v5;
	v6 =	vand.u32 $0xFFFFFFF0, v6  }
0x12d: {  	v5 =	vor.u32 v5, v6  }
0x12e: {  	v5 =	vperm.xlane v5, v1  }
0x12f: {  	s19 =	simm.s32 $0x78  }
0x130: {  	s1 =	simm.s32 $0x3;
	s21 =	simm.s32 $0x79;
	v8 =	vmov s19;
	v7 =	vadd.s32 v2, v5  }
0x131: {  	s20 =	simm.s32 $0x2B;
	v10 =	vmov s21;
	v8 =	vand.u32 $0xFFFFFFFC, v8;
	v5 =	vmov s1  }
0x132: {  	v9 =	vmov s20;
	v10 =	vand.u32 $0xFFFFFFFD, v10;
	v8 =	vbroadcast v8, $0x0  }
0x133: {  	s10 =	simm.s32 $0x2;
	v10 =	vbroadcast v10, $0x0  }
0x134: {  	s22 =	simm.s32 $0x2A;
	s23 =	simm.s32 $0x4D00;
	v11 =	vmov s10  }
0x135: {  	[tilespmem:s23], [sflag:$0x2] =	stream.indirect_vreg.gather [hbm4b:s2+s7], $0x80, v7, vm0, $0xb8;
	v7 =	vand.u32 $0xFFFFFFFE, v11;
	v11 =	vmov s22;
	[tilespmem:$0x1E500] =	vst v63  }
0x136: {  	s24 =	simm.s32 $0x52;
	v12 =	vld.idx.msk [tilespmem:v5+s12+$0x0], $0xffff;
	v18 =	vbroadcast v7, $0x0;
	v7 =	vand.u32 $0xFFFFFFFE, v11  }
0x137: {  	s28 =	simm.s32 $0x100;
	s26 =	sand.u32 $0x3800, s7;
	v9 =	vld.idx.msk [tilespmem:v9+s12+$0x0], $0xffff;
	v11 =	vmov s24;
	v7 =	vbroadcast v7, $0x0  }
0x138: {  	s25 =	simm.s32 $0x7A;
	s8 =	sand.u32 $0x300, s28;
	s31 =	sor.u32 $0x500, s26;
	v6 =	vmov s7;
	v15 =	vld.idx.msk [tilespmem:v8+s12+$0x0], $0xffff;
	v11 =	vand.u32 $0xFFFFFFFE, v11  }
0x139: {  	v14 =	vmov s25;
	s5 =	sadd.s32 s8, s31;
	s13 =	sand.u32 $0x3, s7;
	v6 =	vand.u32 $0xFFFFFFFC, v6;
	v8 =	vld.idx.msk [tilespmem:v10+s12+$0x0], $0xffff;
	v11 =	vbroadcast v11, $0x0  }
0x13a: {  	s3 =	simm.s32 $0x28;
	s15 =	sshll.u32 s13, $0x8;
	v6 =	vbroadcast v6, $0x0;
	v10 =	vand.u32 $0xFFFFFFFE, v14;
	v16 =	vld [tilespmem:s5+$0x0]  }
0x13b: {  	v20 =	vmov s3;
	s1 =	sadd.s32 $0x0, s15;
	v22 =	vld [tilespmem:s5+$0x40];
	v10 =	vbroadcast v10, $0x0  }
0x13c: {  	s9 =	simm.s32 $0x50;
	v20 =	vand.u32 $0xFFFFFFFC, v20;
	s17 =	simm.s32 $0x29;
	s8 =	sadd.s32 $0x100, s1;
	v19 =	vld.idx.msk [tilespmem:v18+s12+$0x0], $0xffff  }
0x13d: {  	v25 =	vbroadcast v20, $0x0;
	s11 =	simm.s32 $0x51;
	v23 =	vmov s17;
	s1 =	sor.u32 $0x400, s8;
	v14 =	vmov s9;
	v21 =	vld.idx.msk [tilespmem:v7+s12+$0x0], $0xffff  }
0x13e: {  	v17 =	vmov s11;
	v20 =	vand.u32 $0xFFFFFFFD, v23;
	v23 =	vld [tilespmem:s1+$0x500];
	v14 =	vand.u32 $0xFFFFFFFC, v14  }
0x13f: {  	p0 =	por $0x0, $0x0;
	v17 =	vand.u32 $0xFFFFFFFD, v17;
	s1 =	simm.s32 $0x1;
	v14 =	vbroadcast v14, $0x0;
	v11 =	vld.idx.msk [tilespmem:v11+s12+$0x0], $0xffff  }
0x140: {  	v17 =	vbroadcast v17, $0x0;
	s22 =	simm.s32 $0x180;
	v13 =	vld.idx.msk [tilespmem:v6+s12+$0x0], $0xffff;
	s1 =	simm.s32 @!p0 $0x0  }
0x141: {  	s19 =	sor.u32 $0x440, s8;
	s23 =	sand.u32 $0x380, s22;
	s6 =	sshll.u32 s1, $0x9;
	v10 =	vld.idx.msk [tilespmem:v10+s12+$0x0], $0xffff  }
0x142: {  	s16 =	simm.s32 $0x1;
	v26 =	vbroadcast v20, $0x0;
	s1 =	sadd.s32 s23, s31;
	s0 =	sadd.s32 $0x0, s6;
	v20 =	vpack.i.f32.bf16 v19, v19;
	v19 =	vld [tilespmem:s19+$0x500];
	v31 =	vpack.i.f32.bf16 v21, v21  }
0x143: {  	v37 =	vld [tilespmem:s1+$0x40];
	s24 =	sor.u32 $0x400, s0;
	v7 =	vmov s16;
	v16 =	vmul.bf16 v16, v20;
	v21 =	vmul.bf16 v22, v31  }
0x144: {  	v33 =	vld [tilespmem:s24+$0x500];
	v7 =	vand.u32 $0xFFFFFFFD, v7;
	v24 =	vpack.i.f32.bf16 v11, v11  }
0x145: {  	v14 =	vld.idx.msk [tilespmem:v14+s12+$0x0], $0xffff;
	v7 =	vbroadcast v7, $0x0;
	v16 =	vadd.bf16 v21, v16;
	v21 =	vmul.bf16 v23, v24  }
0x146: {  	v22 =	vld.idx.msk [tilespmem:v17+s12+$0x0], $0xffff;
	v17 =	vpack.i.f32.bf16 v10, v10  }
0x147: {  	s20 =	sand.u32 $0x200, s7;
	s21 =	simm.s32 $0x80;
	v11 =	vld.idx.msk [tilespmem:v25+s12+$0x0], $0xffff;
	v19 =	vmul.bf16 v19, v17;
	v16 =	vadd.bf16 v21, v16  }
0x148: {  	s3 =	sor.u32 s20, s31;
	s2 =	sand.u32 $0x280, s21;
	v10 =	vld.idx.msk [tilespmem:v26+s12+$0x0], $0xffff  }
0x149: {  	s2 =	sor.u32 s2, s31;
	v25 =	vld [tilespmem:s3+$0x40];
	v16 =	vadd.bf16 v19, v16  }
0x14a: {  	v26 =	vld [tilespmem:s2+$0x40]  }
0x14b: {  	s17 =	simm.s32 $0x5600;
	v23 =	vld.idx.msk [tilespmem:v7+s12+$0x0], $0xffff;
	v27 =	vunpack.i.l.bf16.f32 v16  }
0x14c: {  	v21 =	vld [tilespmem:s3+$0x0];
	v16 =	vunpack.i.u.bf16.f32 v16;
	[tilespmem:s17+$0x0] =	vst v27  }
0x14d: {  	s25 =	sand.u32 $0x7, s7;
	s28 =	simm.s32 $0x53;
	v19 =	vld [tilespmem:s2+$0x0];
	[tilespmem:s17+$0x10] =	vst v16  }
0x14e: {  	s26 =	simm.s32 $0x7B;
	v35 =	vmov s28;
	s6 =	sshll.u32 s25, $0x7;
	v16 =	vld [tilespmem:s5+$0x10]  }
0x14f: {  	v34 =	vmov s26;
	s31 =	sadd.s32 $0x0, s6;
	s9 =	sor.u32 $0x440, s0;
	v28 =	vpack.i.f32.bf16 v10, v10;
	v27 =	vpack.i.f32.bf16 v13, v13;
	v13 =	vld [tilespmem:s5+$0x50]  }
0x150: {  	s6 =	sadd.s32 $0x80, s31;
	v36 =	vld [tilespmem:s9+$0x500];
	s9 =	sor.u32 $0x410, s8;
	v29 =	vpack.i.f32.bf16 v11, v11;
	v30 =	vpack.i.f32.bf16 v23, v23;
	v23 =	vmul.bf16 v26, v28  }
0x151: {  	s11 =	sor.u32 $0x400, s6;
	v14 =	vpack.i.f32.bf16 v14, v14;
	v11 =	vmul.bf16 v21, v27;
	v21 =	vmul.bf16 v25, v29;
	v10 =	vld [tilespmem:s9+$0x500]  }
0x152: {  	s13 =	sor.u32 $0x450, s8;
	v26 =	vpack.i.f32.bf16 v9, v9;
	v9 =	vmul.bf16 v33, v14;
	v25 =	vpack.i.f32.bf16 v12, v12;
	v12 =	vld [tilespmem:s11+$0x500]  }
0x153: {  	v52 =	vld [tilespmem:s13+$0x500];
	v19 =	vmul.bf16 v19, v30;
	v21 =	vadd.bf16 v21, v11;
	v11 =	vpack.i.f32.bf16 v22, v22  }
0x154: {  	v16 =	vmul.bf16 v16, v20;
	v22 =	vmul.bf16 v13, v31;
	v13 =	vpack.i.f32.bf16 v15, v15  }
0x155: {  	v32 =	vld [tilespmem:s1+$0x0];
	s15 =	sor.u32 $0x440, s6;
	s16 =	simm.s32 $0x7F;
	v19 =	vadd.bf16 v23, v19;
	v9 =	vadd.bf16 v9, v21;
	v21 =	vmul.bf16 v36, v13  }
0x156: {  	s4 =	sadd.s32 $0x180, s31;
	v38 =	vld [tilespmem:s15+$0x500];
	v23 =	vmov s16;
	v10 =	vmul.bf16 v10, v24;
	v16 =	vadd.bf16 v22, v16  }
0x157: {  	s7 =	sor.u32 $0x400, s4;
	v15 =	vld.idx.msk [tilespmem:v35+s12+$0x0], $0xffff;
	v12 =	vmul.bf16 v12, v11;
	v21 =	vadd.bf16 v21, v9  }
0x158: {  	v53 =	vmul.bf16 v37, v26;
	v22 =	vld [tilespmem:s7+$0x500];
	v10 =	vadd.bf16 v10, v16;
	v16 =	vmul.bf16 v52, v17  }
0x159: {  	v34 =	vld.idx.msk [tilespmem:v34+s12+$0x0], $0xffff;
	s19 =	sor.u32 $0x440, s4;
	v9 =	vpack.i.f32.bf16 v8, v8;
	v8 =	vadd.bf16 v12, v19;
	v19 =	vunpack.i.u.bf16.f32 v21  }
0x15a: {  	v54 =	vld [tilespmem:s19+$0x500];
	v32 =	vmul.bf16 v32, v25;
	v55 =	vadd.bf16 v16, v10;
	v10 =	vunpack.i.l.bf16.f32 v21;
	[tilespmem:s17+$0xFFFFFF10] =	vst v19  }
0x15b: {  	v12 =	vmul.bf16 v38, v9;
	v16 =	vld.idx.msk [tilespmem:v23+s12+$0x0], $0xffff;
	[tilespmem:s17+$0xFFFFFF00] =	vst v10  }
0x15c: {  	v32 =	vadd.bf16 v53, v32;
	v15 =	vpack.i.f32.bf16 v15, v15;
	v21 =	vld [tilespmem:s3+$0x10]  }
0x15d: {  	s22 =	sor.u32 $0x410, s0;
	v8 =	vadd.bf16 v12, v8;
	v19 =	vmul.bf16 v22, v15;
	v12 =	vunpack.i.l.bf16.f32 v55;
	v56 =	vld [tilespmem:s3+$0x50]  }
0x15e: {  	s24 =	sor.u32 $0x450, s0;
	v10 =	vpack.i.f32.bf16 v34, v34;
	v22 =	vunpack.i.u.bf16.f32 v55;
	v59 =	vld [tilespmem:s22+$0x500];
	[tilespmem:s17+$0x20] =	vst v12  }
0x15f: {  	v63 =	vld [tilespmem:s24+$0x500];
	v12 =	vadd.bf16 v19, v32;
	v19 =	vmul.bf16 v54, v10;
	[tilespmem:s17+$0x30] =	vst v22  }
0x160: {  	v23 =	vunpack.i.l.bf16.f32 v8;
	v8 =	vunpack.i.u.bf16.f32 v8;
	v22 =	vld [tilespmem:s5+$0x20]  }
0x161: {  	s20 =	sor.u32 $0x420, s8;
	[tilespmem:s17+$0xFFFFFF90] =	vst v8;
	v8 =	vld [tilespmem:s5+$0x60];
	v12 =	vadd.bf16 v19, v12  }
0x162: {  	[tilespmem:s17+$0xFFFFFF80] =	vst v23;
	v57 =	vld [tilespmem:s20+$0x500]  }
0x163: {  	v19 =	vld [tilespmem:s2+$0x10];
	v23 =	vunpack.i.l.bf16.f32 v12  }
0x164: {  	s21 =	sor.u32 $0x460, s8;
	v12 =	vunpack.i.u.bf16.f32 v12;
	v21 =	vmul.bf16 v21, v27;
	v32 =	vmul.bf16 v56, v29;
	[tilespmem:s17+$0x80] =	vst v23;
	v23 =	vld [tilespmem:s2+$0x50]  }
0x165: {  	v35 =	vmul.bf16 v59, v14;
	[tilespmem:s17+$0x90] =	vst v12;
	v12 =	vld [tilespmem:s21+$0x500]  }
0x166: {  	s23 =	simm.s32 $0x57;
	v58 =	vld [tilespmem:s1+$0x10];
	v22 =	vmul.bf16 v22, v20;
	v8 =	vmul.bf16 v8, v31;
	v21 =	vadd.bf16 v32, v21  }
0x167: {  	v60 =	vmov s23;
	s25 =	sor.u32 $0x410, s6;
	v61 =	vld [tilespmem:s1+$0x50];
	v33 =	vmul.bf16 v57, v24  }
0x168: {  	s26 =	sor.u32 $0x410, s4;
	s11 =	simm.s32 $0x7;
	v39 =	vld [tilespmem:s25+$0x500];
	v32 =	vmul.bf16 v63, v13;
	v22 =	vadd.bf16 v8, v22;
	v47 =	vadd.bf16 v35, v21  }
0x169: {  	s31 =	sor.u32 $0x450, s6;
	v45 =	vld [tilespmem:s26+$0x500];
	v62 =	vmul.bf16 v19, v30;
	v8 =	vmov s11  }
0x16a: {  	v41 =	vld [tilespmem:s31+$0x500];
	v19 =	vadd.bf16 v33, v22;
	v12 =	vmul.bf16 v12, v17;
	v32 =	vadd.bf16 v32, v47  }
0x16b: {  	s11 =	sor.u32 $0x450, s4;
	v23 =	vmul.bf16 v23, v28;
	v22 =	vmul.bf16 v58, v25  }
0x16c: {  	v48 =	vld [tilespmem:s11+$0x500];
	v46 =	vmul.bf16 v61, v26;
	v42 =	vadd.bf16 v12, v19;
	v55 =	vunpack.i.l.bf16.f32 v32  }
0x16d: {  	v49 =	vmul.bf16 v39, v11;
	v19 =	vld.idx.msk [tilespmem:v60+s12+$0x0], $0xffff;
	v23 =	vadd.bf16 v23, v62;
	v32 =	vunpack.i.u.bf16.f32 v32;
	[tilespmem:s17+$0xFFFFFF20] =	vst v55  }
0x16e: {  	v34 =	vmul.bf16 v45, v15;
	v36 =	vadd.bf16 v46, v22;
	v22 =	vld.idx.msk [tilespmem:v8+s12+$0x0], $0xffff;
	[tilespmem:s17+$0xFFFFFF30] =	vst v32;
	v21 =	vunpack.i.l.bf16.f32 v42  }
0x16f: {  	v53 =	vmul.bf16 v41, v9;
	v50 =	vunpack.i.u.bf16.f32 v42;
	v37 =	vadd.bf16 v49, v23;
	v61 =	vld [tilespmem:s3+$0x60];
	[tilespmem:s17+$0x40] =	vst v21  }
0x170: {  	[tilespmem:s17+$0x50] =	vst v50;
	v34 =	vadd.bf16 v34, v36;
	v36 =	vld [tilespmem:s3+$0x20]  }
0x171: {  	s29 =	simm.s32 $0x4;
	s28 =	simm.s32 $0x2F;
	v35 =	vmul.bf16 v48, v10;
	v54 =	vld [tilespmem:s5+$0x30];
	v37 =	vadd.bf16 v53, v37  }
0x172: {  	v44 =	vmov s29;
	v40 =	vmov s28;
	s15 =	sor.u32 $0x430, s8;
	s13 =	simm.s32 $0x7C;
	v56 =	vld [tilespmem:s5+$0x70]  }
0x173: {  	v51 =	vmov s13;
	s16 =	sor.u32 $0x470, s8;
	v57 =	vld [tilespmem:s15+$0x500];
	v34 =	vadd.bf16 v35, v34;
	v58 =	vunpack.i.l.bf16.f32 v37  }
0x174: {  	v52 =	vand.u32 $0xFFFFFFFC, v51;
	s26 =	sor.u32 $0x460, s0;
	v33 =	vand.u32 $0xFFFFFFFC, v44;
	v59 =	vld [tilespmem:s16+$0x500];
	v37 =	vunpack.i.u.bf16.f32 v37;
	[tilespmem:s17+$0xFFFFFFA0] =	vst v58  }
0x175: {  	s19 =	simm.s32 $0x7D;
	s20 =	simm.s32 $0x54;
	v12 =	vbroadcast v33, $0x0;
	v33 =	vbroadcast v52, $0x0;
	v60 =	vunpack.i.l.bf16.f32 v34;
	[tilespmem:s17+$0xFFFFFFB0] =	vst v37;
	v58 =	vld [tilespmem:s26+$0x500]  }
0x176: {  	s21 =	simm.s32 $0x55;
	v63 =	vmov s19;
	v45 =	vmov s20;
	v62 =	vunpack.i.u.bf16.f32 v34;
	[tilespmem:s17+$0xA0] =	vst v60;
	v47 =	vld [tilespmem:s2+$0x20]  }
0x177: {  	s22 =	simm.s32 $0x2C;
	v46 =	vmov s21;
	[tilespmem:s17+$0xB0] =	vst v62;
	v51 =	vld [tilespmem:s2+$0x60];
	v39 =	vmul.bf16 v54, v20;
	v31 =	vmul.bf16 v56, v31  }
0x178: {  	s25 =	sor.u32 $0x420, s0;
	v52 =	vand.u32 $0xFFFFFFFC, v45;
	v48 =	vmov s22;
	v55 =	vand.u32 $0xFFFFFFFD, v46;
	v43 =	vld [tilespmem:s1+$0x20]  }
0x179: {  	s23 =	simm.s32 $0x5;
	v38 =	vbroadcast v55, $0x0;
	v24 =	vmul.bf16 v57, v24;
	v54 =	vld [tilespmem:s25+$0x500];
	v31 =	vadd.bf16 v31, v39  }
0x17a: {  	v49 =	vmov s23;
	v53 =	vmul.bf16 v61, v29;
	v34 =	vbroadcast v52, $0x0;
	v56 =	vld [tilespmem:s1+$0x60]  }
0x17b: {  	s28 =	sor.u32 $0x420, s6;
	v36 =	vmul.bf16 v36, v27;
	v20 =	vld.idx.msk [tilespmem:v33+s12+$0x0], $0xffff;
	v17 =	vmul.bf16 v59, v17;
	v24 =	vadd.bf16 v24, v31  }
0x17c: {  	v59 =	vld [tilespmem:s28+$0x500];
	v35 =	vmul.bf16 v58, v13;
	v31 =	vand.u32 $0xFFFFFFFD, v63;
	v33 =	vmul.bf16 v47, v30  }
0x17d: {  	v21 =	vld.idx.msk [tilespmem:v40+s12+$0x0], $0xffff;
	v42 =	vmul.bf16 v51, v28;
	v31 =	vbroadcast v31, $0x0;
	v17 =	vadd.bf16 v17, v24  }
0x17e: {  	s8 =	sor.u32 $0x460, s6;
	v23 =	vld.idx.msk [tilespmem:v12+s12+$0x0], $0xffff;
	v57 =	vadd.bf16 v53, v36;
	v43 =	vmul.bf16 v43, v25;
	v37 =	vmul.bf16 v54, v14  }
0x17f: {  	s31 =	sor.u32 $0x420, s4;
	v60 =	vld [tilespmem:s8+$0x500];
	v40 =	vmul.bf16 v56, v26;
	v24 =	vand.u32 $0xFFFFFFFC, v48;
	v44 =	vunpack.i.l.bf16.f32 v17  }
0x180: {  	s9 =	sor.u32 $0x460, s4;
	s24 =	simm.s32 $0x2D;
	v45 =	vld [tilespmem:s31+$0x500];
	v46 =	vbroadcast v24, $0x0;
	v32 =	vadd.bf16 v37, v57;
	v17 =	vunpack.i.u.bf16.f32 v17;
	[tilespmem:s17+$0x60] =	vst v44  }
0x181: {  	v50 =	vmov s24;
	v61 =	vld [tilespmem:s9+$0x500];
	v36 =	vmul.bf16 v59, v11;
	v33 =	vadd.bf16 v42, v33;
	[tilespmem:s17+$0x70] =	vst v17  }
0x182: {  	v24 =	vand.u32 $0xFFFFFFFD, v50;
	v62 =	vadd.bf16 v40, v43;
	v43 =	vadd.bf16 v35, v32;
	v18 =	vld.idx.msk [tilespmem:v18+s14+$0x0], $0xffff  }
0x183: {  	v39 =	vand.u32 $0xFFFFFFFD, v49;
	v41 =	vbroadcast v24, $0x0;
	v32 =	vld.idx.msk [tilespmem:v38+s12+$0x0], $0xffff  }
0x184: {  	v33 =	vadd.bf16 v36, v33;
	v44 =	vmul.bf16 v60, v9;
	v24 =	vld.idx.msk [tilespmem:v31+s12+$0x0], $0xffff;
	v47 =	vunpack.i.l.bf16.f32 v43  }
0x185: {  	v63 =	vmul.bf16 v45, v15;
	v17 =	vbroadcast v39, $0x0;
	v31 =	vld.idx.msk [tilespmem:v34+s12+$0x0], $0xffff;
	v48 =	vunpack.i.u.bf16.f32 v43;
	[tilespmem:s17+$0xFFFFFF40] =	vst v47  }
0x186: {  	v35 =	vadd.bf16 v44, v33;
	[tilespmem:s17+$0xFFFFFF50] =	vst v48;
	v37 =	vld.idx.msk [tilespmem:v46+s12+$0x0], $0xffff  }
0x187: {  	v45 =	vadd.bf16 v63, v62;
	v39 =	vmul.bf16 v61, v10;
	v50 =	vld [tilespmem:s3+$0x30]  }
0x188: {  	v49 =	vunpack.i.l.bf16.f32 v35;
	v52 =	vld [tilespmem:s3+$0x70]  }
0x189: {  	v36 =	vadd.bf16 v39, v45;
	v34 =	vld.idx.msk [tilespmem:v41+s12+$0x0], $0xffff;
	[tilespmem:s17+$0xFFFFFFC0] =	vst v49  }
0x18a: {  	[tilespmem:v18+s18+$0x0] =	vst.idx.add.f32.msk $0x1, v4;
	v18 =	vunpack.i.u.bf16.f32 v35  }
0x18b: {  	p0 =	por !p0, !p0;
	s30 =	sor.u32 $0x470, s4;
	s13 =	sor.u32 $0x470, s6;
	v51 =	vunpack.i.l.bf16.f32 v36;
	v33 =	vld.idx.msk [tilespmem:v17+s12+$0x0], $0xffff;
	[tilespmem:s17+$0xFFFFFFD0] =	vst v18  }
0x18c: {  	s19 =	simm.s32 $0x2E;
	s11 =	sor.u32 $0x430, s6;
	s20 =	sand.u32 $0x7, s29;
	[tilespmem:s17+$0xC0] =	vst v51;
	v18 =	vunpack.i.u.bf16.f32 v36;
	v53 =	vld [tilespmem:s2+$0x30]  }
0x18d: {  	s21 =	simm.s32 $0x56;
	s22 =	simm.s32 $0x7E;
	s23 =	simm.s32 $0x400;
	v55 =	vld [tilespmem:s2+$0x70];
	[tilespmem:s17+$0xD0] =	vst v18  }
0x18e: {  	s24 =	sand.u32 $0x3800, s23;
	s15 =	sor.u32 $0x430, s4;
	s16 =	sor.u32 $0x470, s0;
	v56 =	vmov s19;
	v59 =	vmov s21;
	v57 =	vld [tilespmem:s1+$0x30]  }
0x18f: {  	s28 =	simm.s32 $0x300;
	v38 =	vand.u32 $0xFFFFFFFE, v56;
	v61 =	vand.u32 $0xFFFFFFFE, v59;
	v62 =	vmov s22;
	s14 =	sor.u32 $0x430, s0;
	s18 =	simm.s32 $0x6;
	v58 =	vld [tilespmem:s1+$0x70]  }
0x190: {  	s4 =	sor.u32 $0x500, s24;
	s26 =	simm.s32 $0x200;
	v38 =	vbroadcast v38, $0x0;
	v35 =	vmul.bf16 v50, v27;
	v27 =	vld [tilespmem:s14+$0x500];
	v54 =	vmov s18;
	s1 =	sand.u32 $0x300, s28  }
0x191: {  	s6 =	sand.u32 $0x200, s26;
	s25 =	simm.s32 $0x280;
	v39 =	vbroadcast v61, $0x0;
	v60 =	vmul.bf16 v52, v29;
	v18 =	vand.u32 $0xFFFFFFFE, v54;
	v29 =	vld [tilespmem:s11+$0x500];
	s24 =	sadd.s32 s1, s4  }
0x192: {  	s31 =	simm.s32 $0x380;
	s5 =	sand.u32 $0x280, s25;
	s2 =	simm.s32 $0x1;
	v42 =	vld [tilespmem:s24+$0x0];
	v63 =	vmul.bf16 v53, v30;
	v30 =	vand.u32 $0xFFFFFFFE, v62;
	v40 =	vmul.bf16 v55, v28  }
0x193: {  	s19 =	simm.s32 $0x5600;
	s3 =	sand.u32 $0x380, s31;
	v35 =	vadd.bf16 v60, v35;
	s2 =	simm.s32 @!p0 $0x0;
	v18 =	vbroadcast v18, $0x0;
	v28 =	vld [tilespmem:s15+$0x500];
	v41 =	vbroadcast v30, $0x0  }
0x194: {  	s0 =	sshll.u32 s2, $0x9;
	s2 =	sshll.u32 s20, $0x7;
	s1 =	simm.s32 $0x8;
	v30 =	vld [tilespmem:s16+$0x500];
	v36 =	vmul.bf16 v57, v25;
	v26 =	vmul.bf16 v58, v26;
	v25 =	vadd.bf16 v40, v63  }
.LBB2_7:
0x195: {  	_ =	sdelay $0x4  }
0x196: {  	s7 =	sand.u32 $0x3, s10;
	v43 =	vld.idx.msk [tilespmem:v18+s12+$0x0], $0xffff  }
0x197: {  	s25 =	sshll.u32 s7, $0x8;
	v14 =	vmul.bf16 v27, v14;
	v27 =	vld.idx.msk [tilespmem:v38+s12+$0x0], $0xffff  }
0x198: {  	s28 =	sadd.s32 s23, s25;
	v11 =	vmul.bf16 v29, v11;
	v29 =	vld [tilespmem:s24+$0x40]  }
0x199: {  	s14 =	sor.u32 s6, s4;
	v26 =	vadd.bf16 v26, v36;
	v15 =	vmul.bf16 v28, v15;
	v28 =	vld.idx.msk [tilespmem:v39+s12+$0x0], $0xffff;
	s12 =	sadd.s32 $0x100, s28  }
0x19a: {  	v50 =	vld [tilespmem:s14+$0x40];
	s31 =	sor.u32 $0x400, s12  }
0x19b: {  	s8 =	simm.s32 $0x200;
	v13 =	vmul.bf16 v30, v13;
	v14 =	vadd.bf16 v14, v35;
	v49 =	vadd.bf16 v15, v26;
	v15 =	vld [tilespmem:s31+$0x500]  }
0x19c: {  	s11 =	sor.u32 s5, s4;
	s25 =	sadd.s32 s3, s4;
	s4 =	sor.u32 $0x440, s12;
	v40 =	vadd.bf16 v11, v25;
	v11 =	vld.idx.msk [tilespmem:v41+s8+$0x0], $0xffff  }
0x19d: {  	v35 =	vpack.i.f32.bf16 v43, v43;
	v25 =	vld [tilespmem:s4+$0x500];
	v13 =	vadd.bf16 v13, v14;
	v36 =	vpack.i.f32.bf16 v27, v27  }
0x19e: {  	v30 =	vmul.bf16 v42, v35;
	v14 =	vld [tilespmem:s14+$0x0];
	v29 =	vmul.bf16 v29, v36  }
0x19f: {  	s2 =	sadd.s32 s2, s23;
	v51 =	vld [tilespmem:s25+$0x0];
	v38 =	vpack.i.f32.bf16 v28, v28;
	v27 =	vpack.i.f32.bf16 v23, v23;
	v26 =	vunpack.i.u.bf16.f32 v13  }
0x1a0: {  	s7 =	sadd.s32 $0x80, s2;
	v13 =	vunpack.i.l.bf16.f32 v13;
	[tilespmem:s17+$0xFFFFFF70] =	vst v26;
	v26 =	vld [tilespmem:s11+$0x0];
	v15 =	vmul.bf16 v15, v38;
	v23 =	vadd.bf16 v29, v30  }
0x1a1: {  	s6 =	sor.u32 $0x400, s7;
	[tilespmem:s17+$0xFFFFFF60] =	vst v13;
	v13 =	vld [tilespmem:s11+$0x40];
	v39 =	vpack.i.f32.bf16 v11, v11  }
0x1a2: {  	s3 =	sadd.s32 $0x180, s2;
	v52 =	vld [tilespmem:s6+$0x500];
	v30 =	vpack.i.f32.bf16 v37, v37;
	v11 =	vadd.bf16 v15, v23;
	v15 =	vmul.bf16 v25, v39  }
0x1a3: {  	s18 =	sadd.s32 s0, s23;
	v24 =	vpack.i.f32.bf16 v24, v24;
	s5 =	sor.u32 $0x400, s3;
	v14 =	vmul.bf16 v14, v27;
	v37 =	vmul.bf16 v50, v30;
	v23 =	vld [tilespmem:s25+$0x40]  }
0x1a4: {  	s9 =	smov.u32 s30;
	s30 =	sor.u32 $0x400, s18;
	v53 =	vld [tilespmem:s5+$0x500];
	v28 =	vpack.i.f32.bf16 v34, v34;
	v29 =	vpack.i.f32.bf16 v33, v33;
	v15 =	vadd.bf16 v15, v11  }
0x1a5: {  	s20 =	sor.u32 $0x440, s18;
	s2 =	smov.u32 s13;
	s13 =	sor.u32 $0x440, s7;
	v54 =	vld [tilespmem:s30+$0x500];
	v25 =	vpack.i.f32.bf16 v22, v22;
	v37 =	vadd.bf16 v37, v14;
	v22 =	vmul.bf16 v26, v29  }
0x1a6: {  	s21 =	sor.u32 $0x450, s18;
	s16 =	sor.u32 $0x420, s7;
	s17 =	sadd.s32 $0x200, s17;
	v13 =	vmul.bf16 v13, v28;
	v26 =	vpack.i.f32.bf16 v21, v21;
	v21 =	vld [tilespmem:s13+$0x500];
	v14 =	vunpack.i.l.bf16.f32 v15  }
0x1a7: {  	v59 =	vpack.i.f32.bf16 v16, v16;
	s22 =	sor.u32 $0x410, s7;
	[dreg:$0xe] =	wrdreg s16;
	s16 =	sor.u32 $0x420, s18;
	v44 =	vld [tilespmem:s20+$0x500];
	v55 =	vmul.bf16 v51, v25;
	v15 =	vunpack.i.u.bf16.f32 v15;
	[tilespmem:s17+$0x0] =	vst v14  }
0x1a8: {  	s15 =	sor.u32 $0x450, s7;
	[dreg:$0x14] =	wrdreg s16;
	s16 =	sor.u32 $0x460, s7;
	v11 =	vpack.i.f32.bf16 v32, v32;
	v13 =	vadd.bf16 v13, v22;
	v22 =	vmul.bf16 v23, v26;
	[tilespmem:s17+$0x10] =	vst v15  }
0x1a9: {  	s28 =	sor.u32 $0x410, s18;
	[dreg:$0xa] =	wrdreg s16;
	s16 =	sor.u32 $0x420, s3;
	v33 =	vmul.bf16 v52, v11;
	v15 =	vpack.i.f32.bf16 v19, v19;
	v14 =	vpack.i.f32.bf16 v31, v31;
	v19 =	vld [tilespmem:s24+$0x10]  }
0x1aa: {  	s31 =	sor.u32 $0x440, s3;
	[dreg:$0x11] =	wrdreg s16;
	s16 =	sor.u32 $0x460, s18;
	v31 =	vmul.bf16 v53, v15;
	v57 =	vmul.bf16 v54, v14;
	v58 =	vld [tilespmem:s24+$0x50];
	v22 =	vadd.bf16 v22, v55  }
0x1ab: {  	[dreg:$0x10] =	wrdreg s16;
	s16 =	sor.u32 $0x430, s7;
	v23 =	vld [tilespmem:s31+$0x500];
	s31 =	sor.u32 $0x410, s12;
	v33 =	vadd.bf16 v33, v13;
	v13 =	vpack.i.f32.bf16 v20, v20;
	v21 =	vmul.bf16 v21, v24  }
0x1ac: {  	s7 =	sor.u32 $0x470, s7;
	[dreg:$0x6] =	wrdreg s16;
	s13 =	sadd.s32 $0x7B, s1;
	v61 =	vmul.bf16 v44, v13;
	v20 =	vadd.bf16 v57, v37;
	v16 =	vadd.bf16 v31, v22;
	v31 =	vld [tilespmem:s31+$0x500]  }
0x1ad: {  	v62 =	vld [tilespmem:s9+$0x500];
	s16 =	sor.u32 $0x460, s3;
	v56 =	vmov s13;
	s13 =	smov.u32 s7;
	s7 =	sor.u32 $0x450, s12;
	v21 =	vadd.bf16 v21, v33  }
0x1ae: {  	[dreg:$0xc] =	wrdreg s16;
	s16 =	sor.u32 $0x430, s18;
	s18 =	sor.u32 $0x470, s18;
	v63 =	vld [tilespmem:s7+$0x500];
	v20 =	vadd.bf16 v61, v20;
	v19 =	vmul.bf16 v19, v35  }
0x1af: {  	[dreg:$0x4] =	wrdreg s18;
	s18 =	simm.s32 $0x400;
	v22 =	vld [tilespmem:s2+$0x500];
	s2 =	sadd.s32 $0x53, s1;
	v34 =	vmul.bf16 v58, v36;
	v45 =	vunpack.i.u.bf16.f32 v21;
	v21 =	vunpack.i.l.bf16.f32 v21  }
0x1b0: {  	v37 =	vld.idx.msk [tilespmem:v6+s18+$0x0], $0xffff;
	v23 =	vmul.bf16 v23, v59;
	v60 =	vmov s2;
	[tilespmem:s17+$0xFFFFFF80] =	vst v21  }
0x1b1: {  	v6 =	vmovc v12;
	v12 =	vunpack.i.u.bf16.f32 v20;
	[tilespmem:s17+$0xFFFFFF90] =	vst v45;
	v21 =	vadd.bf16 v34, v19;
	v31 =	vmul.bf16 v31, v38  }
0x1b2: {  	v23 =	vadd.bf16 v23, v16;
	v16 =	vld.idx.msk [tilespmem:v56+s8+$0x0], $0xffff;
	v20 =	vunpack.i.l.bf16.f32 v20;
	[tilespmem:s17+$0xFFFFFF10] =	vst v12  }
0x1b3: {  	[tilespmem:s17+$0xFFFFFF00] =	vst v20;
	v47 =	vld [tilespmem:s11+$0x50];
	v20 =	vadd.bf16 v31, v21;
	v21 =	vmul.bf16 v63, v39  }
0x1b4: {  	v12 =	vunpack.i.l.bf16.f32 v23;
	v22 =	vmul.bf16 v22, v9;
	v9 =	vmov v24;
	v24 =	vld [tilespmem:s14+$0x10]  }
0x1b5: {  	v46 =	vunpack.i.u.bf16.f32 v23;
	v23 =	vmul.bf16 v62, v10;
	v19 =	vld.idx.msk [tilespmem:v60+s8+$0x0], $0xffff;
	[tilespmem:s17+$0x80] =	vst v12;
	v20 =	vadd.bf16 v21, v20  }
0x1b6: {  	[tilespmem:s17+$0x90] =	vst v46;
	v31 =	vld [tilespmem:s14+$0x50]  }
0x1b7: {  	v22 =	vadd.bf16 v22, v40;
	v12 =	vadd.bf16 v23, v49;
	v49 =	vld [tilespmem:s25+$0x10];
	v48 =	vunpack.i.l.bf16.f32 v20  }
0x1b8: {  	v21 =	vld [tilespmem:s11+$0x10];
	v20 =	vunpack.i.u.bf16.f32 v20;
	[tilespmem:s17+$0x20] =	vst v48  }
0x1b9: {  	v23 =	vunpack.i.u.bf16.f32 v22;
	v22 =	vunpack.i.l.bf16.f32 v22;
	[tilespmem:s17+$0x30] =	vst v20;
	v20 =	vld [tilespmem:s25+$0x50]  }
0x1ba: {  	[tilespmem:s19+$0xFFFFFFE0] =	vst v22;
	v22 =	vunpack.i.u.bf16.f32 v12;
	v50 =	vld [tilespmem:s24+$0x20]  }
0x1bb: {  	v12 =	vunpack.i.l.bf16.f32 v12;
	v24 =	vmul.bf16 v24, v27;
	[tilespmem:s19+$0xFFFFFFF0] =	vst v23;
	v31 =	vmul.bf16 v31, v30;
	v23 =	vld [tilespmem:s24+$0x60]  }
0x1bc: {  	s9 =	sor.u32 $0x420, s12;
	[tilespmem:s19+$0xE0] =	vst v12;
	v12 =	vld [tilespmem:s28+$0x500]  }
0x1bd: {  	s2 =	sor.u32 $0x460, s12;
	[tilespmem:s19+$0xF0] =	vst v22;
	v22 =	vld [tilespmem:s9+$0x500];
	v21 =	vmul.bf16 v21, v29;
	v24 =	vadd.bf16 v31, v24;
	v31 =	vmul.bf16 v47, v28  }
0x1be: {  	v52 =	vmov s1;
	s31 =	sadd.s32 $0x3, s1;
	v55 =	vld [tilespmem:s2+$0x500]  }
0x1bf: {  	v33 =	vand.u32 $0xFFFFFFFC, v52;
	v54 =	vmov s31;
	s28 =	sadd.s32 $0x78, s1;
	v21 =	vadd.bf16 v31, v21;
	v31 =	vld [tilespmem:s22+$0x500]  }
0x1c0: {  	s0 =	sor.u32 $0x410, s3;
	v10 =	vmovc v59;
	v59 =	vld [tilespmem:s21+$0x500];
	v53 =	vmov s28;
	v34 =	vmul.bf16 v50, v35;
	v23 =	vmul.bf16 v23, v36  }
0x1c1: {  	v51 =	vmul.bf16 v49, v25;
	v56 =	vld [tilespmem:s0+$0x500];
	v40 =	vand.u32 $0xFFFFFFFC, v53;
	v58 =	vmul.bf16 v12, v14  }
0x1c2: {  	s6 =	sadd.s32 $0x2B, s1;
	s20 =	simm.s32 $0x7D00;
	v60 =	vld [tilespmem:s15+$0x500];
	v12 =	vbroadcast v33, $0x0;
	v22 =	vmul.bf16 v22, v38;
	v23 =	vadd.bf16 v23, v34  }
0x1c3: {  	v57 =	vmov s6;
	[tilespmem:v37+s20+$0x0] =	vst.idx.add.f32.msk $0x1, v4;
	v40 =	vbroadcast v40, $0x0;
	v20 =	vmul.bf16 v20, v26  }
0x1c4: {  	v32 =	vld.idx.msk [tilespmem:v5+s18+$0x0], $0xffff;
	v61 =	vmul.bf16 v31, v11;
	v22 =	vadd.bf16 v22, v23;
	v23 =	vmul.bf16 v55, v39  }
0x1c5: {  	s4 =	sor.u32 $0x450, s3;
	v63 =	vmul.bf16 v59, v13;
	v20 =	vadd.bf16 v20, v51;
	v24 =	vadd.bf16 v58, v24;
	v31 =	vld.idx.msk [tilespmem:v7+s18+$0x0], $0xffff  }
0x1c6: {  	v62 =	vld [tilespmem:s4+$0x500];
	v7 =	vmovc v17;
	v17 =	vadd.bf16 v61, v21;
	v21 =	vmul.bf16 v56, v15;
	v42 =	vadd.bf16 v23, v22  }
0x1c7: {  	v22 =	vld.idx.msk [tilespmem:v54+s8+$0x0], $0xffff  }
0x1c8: {  	v24 =	vadd.bf16 v63, v24;
	v23 =	vld.idx.msk [tilespmem:v12+s8+$0x0], $0xffff;
	v45 =	vadd.bf16 v21, v20;
	v20 =	vunpack.i.l.bf16.f32 v42  }
0x1c9: {  	v44 =	vmul.bf16 v60, v9;
	v21 =	vld.idx.msk [tilespmem:v57+s8+$0x0], $0xffff;
	v47 =	vunpack.i.u.bf16.f32 v42;
	[tilespmem:s17+$0x40] =	vst v20  }
0x1ca: {  	v48 =	vunpack.i.u.bf16.f32 v24;
	v24 =	vunpack.i.l.bf16.f32 v24;
	v20 =	vld.idx.msk [tilespmem:v40+s8+$0x0], $0xffff;
	[tilespmem:s17+$0x50] =	vst v47  }
0x1cb: {  	v17 =	vadd.bf16 v44, v17;
	[tilespmem:s17+$0xFFFFFF20] =	vst v24;
	v34 =	vld [tilespmem:s24+$0x30]  }
0x1cc: {  	[tilespmem:s17+$0xFFFFFF30] =	vst v48;
	v49 =	vld [tilespmem:s24+$0x70]  }
0x1cd: {  	s7 =	sor.u32 $0x430, s12;
	v24 =	vunpack.i.u.bf16.f32 v17;
	v17 =	vunpack.i.l.bf16.f32 v17;
	v51 =	vld [tilespmem:s14+$0x20]  }
0x1ce: {  	v46 =	vmul.bf16 v62, v10;
	[tilespmem:s17+$0xFFFFFFA0] =	vst v17;
	v17 =	vld [tilespmem:s7+$0x500]  }
0x1cf: {  	s21 =	sor.u32 $0x470, s12;
	s28 =	sadd.s32 $0x29, s1;
	v52 =	vld [tilespmem:s14+$0x60]  }
0x1d0: {  	s31 =	rddreg [dreg:$0x14];
	s9 =	sadd.s32 $0x50, s1;
	v60 =	vmov s28;
	v33 =	vadd.bf16 v46, v45;
	s8 =	sadd.s32 $0x79, s1;
	v55 =	vld [tilespmem:s21+$0x500]  }
0x1d1: {  	v53 =	vmov s9;
	v37 =	vand.u32 $0xFFFFFFFD, v60;
	[tilespmem:s17+$0xFFFFFFB0] =	vst v24;
	v24 =	vmov s8;
	v47 =	vld [tilespmem:s31+$0x500]  }
0x1d2: {  	s22 =	sadd.s32 $0x28, s1;
	v50 =	vunpack.i.u.bf16.f32 v33;
	v33 =	vunpack.i.l.bf16.f32 v33;
	v57 =	vld [tilespmem:s11+$0x20];
	v24 =	vand.u32 $0xFFFFFFFD, v24  }
0x1d3: {  	s15 =	sadd.s32 $0x51, s1;
	s2 =	rddreg [dreg:$0xe];
	v56 =	vmov s22;
	v61 =	vld [tilespmem:s11+$0x60];
	[tilespmem:s17+$0xA0] =	vst v33;
	v33 =	vand.u32 $0xFFFFFFFC, v53;
	v24 =	vbroadcast v24, $0x0  }
0x1d4: {  	v5 =	vmovc v8;
	v8 =	vmovc v54;
	v54 =	vmov s15;
	[tilespmem:s17+$0xB0] =	vst v50;
	v53 =	vld [tilespmem:s2+$0x500];
	v33 =	vbroadcast v33, $0x0;
	v34 =	vmul.bf16 v34, v35  }
0x1d5: {  	[dreg:$0x8] =	wrdreg s16;
	v63 =	vand.u32 $0xFFFFFFFD, v54;
	s24 =	sadd.s32 $0x1, s1;
	v62 =	vld [tilespmem:s25+$0x20];
	v58 =	vmul.bf16 v49, v36;
	v41 =	vmul.bf16 v51, v27  }
0x1d6: {  	s16 =	sor.u32 $0x430, s3;
	s3 =	sor.u32 $0x470, s3;
	s4 =	rddreg [dreg:$0x10];
	v59 =	vmov s24;
	v48 =	vld [tilespmem:s25+$0x60];
	v17 =	vmul.bf16 v17, v38;
	v42 =	vmul.bf16 v52, v30  }
0x1d7: {  	s30 =	smov.u32 s3;
	s3 =	rddreg [dreg:$0x11];
	v50 =	vand.u32 $0xFFFFFFFC, v56;
	v56 =	vld [tilespmem:s4+$0x500];
	v49 =	vmul.bf16 v55, v39;
	v38 =	vbroadcast v63, $0x0  }
0x1d8: {  	s6 =	rddreg [dreg:$0xc];
	v36 =	vand.u32 $0xFFFFFFFD, v59;
	v55 =	vld [tilespmem:s3+$0x500];
	v47 =	vmul.bf16 v47, v14;
	v39 =	vbroadcast v50, $0x0  }
0x1d9: {  	v59 =	vld [tilespmem:s6+$0x500];
	v52 =	vmul.bf16 v57, v29;
	v54 =	vmul.bf16 v61, v28;
	v34 =	vadd.bf16 v58, v34  }
0x1da: {  	[tilespmem:v32+s20+$0x0] =	vst.idx.add.f32.msk $0x1, v4;
	v61 =	vbroadcast v37, $0x0;
	v51 =	vadd.bf16 v42, v41;
	v42 =	vmul.bf16 v53, v11  }
0x1db: {  	s5 =	rddreg [dreg:$0xa];
	v35 =	vmul.bf16 v62, v25;
	v43 =	vmul.bf16 v48, v26;
	v17 =	vadd.bf16 v17, v34  }
0x1dc: {  	s12 =	simm.s32 $0x200;
	v57 =	vld [tilespmem:s5+$0x500];
	v41 =	vadd.bf16 v54, v52;
	v62 =	vmul.bf16 v56, v13;
	v60 =	vadd.bf16 v47, v51  }
0x1dd: {  	v24 =	vld.idx.msk [tilespmem:v24+s12+$0x0], $0xffff;
	v35 =	vadd.bf16 v43, v35;
	v34 =	vmul.bf16 v55, v15;
	v17 =	vadd.bf16 v49, v17  }
0x1de: {  	[tilespmem:v31+s20+$0x0] =	vst.idx.add.f32.msk $0x1, v4;
	v46 =	vmul.bf16 v59, v10;
	v45 =	vadd.bf16 v62, v60  }
0x1df: {  	v31 =	vld.idx.msk [tilespmem:v33+s12+$0x0], $0xffff;
	v34 =	vadd.bf16 v34, v35;
	v58 =	vunpack.i.l.bf16.f32 v17;
	v17 =	vunpack.i.u.bf16.f32 v17  }
0x1e0: {  	v41 =	vadd.bf16 v42, v41;
	v32 =	vld.idx.msk [tilespmem:v38+s12+$0x0], $0xffff;
	[tilespmem:s17+$0x70] =	vst v17;
	v17 =	vbroadcast v36, $0x0  }
0x1e1: {  	v63 =	vmul.bf16 v57, v9;
	v37 =	vld.idx.msk [tilespmem:v39+s12+$0x0], $0xffff;
	v49 =	vunpack.i.l.bf16.f32 v45;
	[tilespmem:s17+$0x60] =	vst v58;
	v35 =	vadd.bf16 v46, v34  }
0x1e2: {  	v48 =	vunpack.i.u.bf16.f32 v45;
	[tilespmem:s17+$0xFFFFFF40] =	vst v49;
	v34 =	vld.idx.msk [tilespmem:v61+s12+$0x0], $0xffff  }
0x1e3: {  	v47 =	vadd.bf16 v63, v41;
	[tilespmem:s17+$0xFFFFFF50] =	vst v48;
	v18 =	vld.idx.msk [tilespmem:v18+s18+$0x0], $0xffff;
	v51 =	vunpack.i.u.bf16.f32 v35;
	v35 =	vunpack.i.l.bf16.f32 v35  }
0x1e4: {  	v52 =	vld [tilespmem:s14+$0x30];
	[tilespmem:s17+$0xC0] =	vst v35  }
0x1e5: {  	v36 =	vunpack.i.l.bf16.f32 v47;
	v53 =	vld [tilespmem:s14+$0x70];
	[tilespmem:s17+$0xD0] =	vst v51  }
0x1e6: {  	p1 =	slt.u32 s1, $0x24;
	v50 =	vunpack.i.u.bf16.f32 v47;
	v33 =	vld.idx.msk [tilespmem:v17+s12+$0x0], $0xffff;
	[tilespmem:s17+$0xFFFFFFC0] =	vst v36  }
0x1e7: {  	p0 =	por !p0, !p0;
	s29 =	sadd.s32 $0x4, s29;
	s26 =	sadd.s32 $0x200, s26;
	v56 =	vld [tilespmem:s25+$0x30];
	[tilespmem:s17+$0xFFFFFFD0] =	vst v50  }
0x1e8: {  	s10 =	sadd.s32 $0x2, s10;
	s23 =	sadd.s32 $0x400, s23;
	s19 =	smov.u32 s17;
	v39 =	vld [tilespmem:s11+$0x30]  }
0x1e9: {  	s9 =	sand.u32 $0x7, s29;
	s15 =	rddreg [dreg:$0x8];
	s8 =	sadd.s32 $0x2A, s1;
	v54 =	vld [tilespmem:s11+$0x70]  }
0x1ea: {  	s7 =	sadd.s32 $0x2, s1;
	s21 =	sand.u32 $0x3800, s23;
	v55 =	vmov s8;
	s14 =	sadd.s32 $0x7A, s1;
	v57 =	vld [tilespmem:s25+$0x70];
	v40 =	vmul.bf16 v52, v27;
	v30 =	vmul.bf16 v53, v30  }
0x1eb: {  	s31 =	rddreg [dreg:$0x4];
	s24 =	sadd.s32 $0x100, s26;
	s4 =	sor.u32 $0x500, s21;
	v38 =	vand.u32 $0xFFFFFFFE, v55;
	v60 =	vmov s14;
	v27 =	vld [tilespmem:s15+$0x500]  }
.Ltmp4:
0x1ec: {  	s3 =	sand.u32 $0x300, s24;
	v38 =	vbroadcast v38, $0x0;
	v62 =	vand.u32 $0xFFFFFFFE, v60;
	s11 =	sadd.s32 $0x52, s1;
	v35 =	vadd.bf16 v30, v40;
	v30 =	vld [tilespmem:s31+$0x500];
	(pc) =	sbr.rel @p1 .LBB2_7-.Ltmp4, $4  }
0x1ed: {  	s28 =	sadd.s32 $0x180, s26;
	s2 =	simm.s32 $0x1;
	s24 =	sadd.s32 s3, s4;
	v41 =	vbroadcast v62, $0x0;
	v58 =	vmov s11;
	[tilespmem:v18+s20+$0x0] =	vst.idx.add.f32.msk $0x1, v4;
	v18 =	vmov s7  }
0x1ee: {  	s22 =	sadd.s32 $0x80, s26;
	s2 =	simm.s32 @!p0 $0x0;
	s25 =	rddreg [dreg:$0x6];
	v59 =	vand.u32 $0xFFFFFFFE, v58;
	v42 =	vld [tilespmem:s24+$0x0];
	v61 =	vmul.bf16 v39, v29;
	v63 =	vmul.bf16 v54, v28  }
0x1ef: {  	s0 =	sshll.u32 s2, $0x9;
	s2 =	sshll.u32 s9, $0x7;
	s6 =	sand.u32 $0x200, s26;
	v36 =	vmul.bf16 v56, v25;
	v26 =	vmul.bf16 v57, v26;
	v18 =	vand.u32 $0xFFFFFFFE, v18;
	v29 =	vld [tilespmem:s25+$0x500]  }
0x1f0: {  	s5 =	sand.u32 $0x280, s22;
	s3 =	sand.u32 $0x380, s28;
	s1 =	sadd.s32 $0x4, s1;
	v18 =	vbroadcast v18, $0x0;
	v39 =	vbroadcast v59, $0x0;
	v28 =	vld [tilespmem:s16+$0x500];
	v25 =	vadd.bf16 v63, v61  }
0x1f1: {  	_ =	sdelay $0x3  }
0x1f2: {  	v38 =	vld.idx.msk [tilespmem:v38+s12+$0x0], $0xffff  }
0x1f3: {  	v43 =	vld [tilespmem:s24+$0x40]  }
0x1f4: {  	v41 =	vld.idx.msk [tilespmem:v41+s12+$0x0], $0xffff  }
0x1f5: {  	v40 =	vld.idx.msk [tilespmem:v18+s12+$0x0], $0xffff  }
0x1f6: {  	s9 =	sor.u32 s6, s4;
	v44 =	vld.idx.msk [tilespmem:v39+s12+$0x0], $0xffff  }
0x1f7: {  	s1 =	sand.u32 $0x3, s10;
	v46 =	vld [tilespmem:s9+$0x0]  }
0x1f8: {  	s8 =	sor.u32 s5, s4;
	s1 =	sshll.u32 s1, $0x8;
	v48 =	vld [tilespmem:s9+$0x40]  }
0x1f9: {  	s7 =	sadd.s32 s3, s4;
	s4 =	sadd.s32 s0, s23;
	v49 =	vld [tilespmem:s8+$0x0];
	s1 =	sadd.s32 s23, s1  }
0x1fa: {  	s15 =	sadd.s32 s2, s23;
	v61 =	vld [tilespmem:s7+$0x0];
	s0 =	sor.u32 $0x400, s4;
	s10 =	sadd.s32 $0x100, s1  }
0x1fb: {  	v51 =	vld [tilespmem:s0+$0x500];
	s0 =	sadd.s32 $0x180, s15;
	s1 =	sor.u32 $0x400, s10  }
0x1fc: {  	s22 =	sor.u32 $0x400, s0;
	v45 =	vld [tilespmem:s1+$0x500]  }
0x1fd: {  	v23 =	vpack.i.f32.bf16 v23, v23;
	v37 =	vpack.i.f32.bf16 v37, v37;
	v33 =	vpack.i.f32.bf16 v33, v33;
	s14 =	sor.u32 $0x440, s10;
	v63 =	vld [tilespmem:s22+$0x500]  }
0x1fe: {  	v22 =	vpack.i.f32.bf16 v22, v22;
	v47 =	vld [tilespmem:s14+$0x500];
	v39 =	vpack.i.f32.bf16 v40, v40;
	v40 =	vpack.i.f32.bf16 v38, v38  }
0x1ff: {  	v19 =	vpack.i.f32.bf16 v19, v19;
	v59 =	vld [tilespmem:s8+$0x40];
	v42 =	vmul.bf16 v42, v39;
	v43 =	vmul.bf16 v43, v40  }
0x200: {  	s2 =	sadd.s32 $0x80, s15;
	v50 =	vld [tilespmem:s7+$0x40];
	s21 =	sor.u32 $0x440, s4;
	v38 =	vpack.i.f32.bf16 v44, v44;
	v46 =	vmul.bf16 v46, v23;
	v48 =	vmul.bf16 v48, v37  }
0x201: {  	s16 =	sor.u32 $0x400, s2;
	v62 =	vld [tilespmem:s21+$0x500];
	v41 =	vpack.i.f32.bf16 v41, v41;
	v42 =	vadd.bf16 v43, v42;
	v60 =	vmul.bf16 v45, v38  }
0x202: {  	v52 =	vld [tilespmem:s16+$0x500];
	v49 =	vmul.bf16 v49, v33;
	v46 =	vadd.bf16 v48, v46;
	v48 =	vmul.bf16 v63, v19  }
0x203: {  	v47 =	vmul.bf16 v47, v41;
	v45 =	vmul.bf16 v61, v22;
	v43 =	vadd.bf16 v60, v42  }
0x204: {  	s23 =	sor.u32 $0x440, s2;
	v42 =	vpack.i.f32.bf16 v34, v34;
	v34 =	vpack.i.f32.bf16 v21, v21;
	v21 =	vpack.i.f32.bf16 v32, v32  }
0x205: {  	v53 =	vld [tilespmem:s23+$0x500];
	s25 =	sor.u32 $0x440, s0;
	v32 =	vpack.i.f32.bf16 v31, v31;
	v31 =	vpack.i.f32.bf16 v20, v20;
	v44 =	vmul.bf16 v59, v42  }
0x206: {  	v58 =	vld [tilespmem:s25+$0x500];
	v57 =	vmul.bf16 v51, v32;
	v50 =	vmul.bf16 v50, v34;
	v43 =	vadd.bf16 v47, v43  }
0x207: {  	v16 =	vpack.i.f32.bf16 v16, v16;
	v52 =	vmul.bf16 v52, v21;
	v47 =	vmul.bf16 v62, v31  }
0x208: {  	s1 =	sadd.s32 $0x200, s17;
	v44 =	vadd.bf16 v44, v49;
	v46 =	vadd.bf16 v57, v46;
	v54 =	vunpack.i.l.bf16.f32 v43  }
0x209: {  	v20 =	vpack.i.f32.bf16 v24, v24;
	v45 =	vadd.bf16 v50, v45;
	v43 =	vunpack.i.u.bf16.f32 v43;
	[tilespmem:s1+$0x0] =	vst v54  }
0x20a: {  	v59 =	vmul.bf16 v53, v20;
	[tilespmem:s1+$0x10] =	vst v43;
	v24 =	vadd.bf16 v52, v44;
	v60 =	vadd.bf16 v47, v46  }
0x20b: {  	v63 =	vmul.bf16 v58, v16;
	v61 =	vld [tilespmem:s24+$0x10]  }
0x20c: {  	s26 =	sor.u32 $0x410, s10;
	v45 =	vadd.bf16 v48, v45;
	v62 =	vld [tilespmem:s24+$0x50];
	v24 =	vadd.bf16 v59, v24;
	v52 =	vunpack.i.u.bf16.f32 v60  }
0x20d: {  	s28 =	sor.u32 $0x450, s10;
	v53 =	vld [tilespmem:s26+$0x500];
	v44 =	vunpack.i.l.bf16.f32 v60;
	[tilespmem:s1+$0xFFFFFF10] =	vst v52  }
0x20e: {  	v54 =	vld [tilespmem:s28+$0x500];
	v45 =	vadd.bf16 v63, v45;
	[tilespmem:s1+$0xFFFFFF00] =	vst v44;
	v55 =	vunpack.i.l.bf16.f32 v24  }
0x20f: {  	v24 =	vunpack.i.u.bf16.f32 v24;
	v44 =	vld [tilespmem:s9+$0x10];
	[tilespmem:s1+$0xFFFFFF80] =	vst v55  }
0x210: {  	v56 =	vunpack.i.l.bf16.f32 v45;
	[tilespmem:s1+$0xFFFFFF90] =	vst v24;
	v24 =	vld [tilespmem:s9+$0x50]  }
0x211: {  	v45 =	vunpack.i.u.bf16.f32 v45;
	[tilespmem:s1+$0x80] =	vst v56;
	v57 =	vld [tilespmem:s8+$0x10]  }
0x212: {  	[tilespmem:s1+$0x90] =	vst v45;
	v58 =	vld [tilespmem:s8+$0x50]  }
0x213: {  	s5 =	sor.u32 $0x410, s4;
	v46 =	vmul.bf16 v61, v39;
	v47 =	vmul.bf16 v62, v40;
	v50 =	vld [tilespmem:s7+$0x10]  }
0x214: {  	v61 =	vld [tilespmem:s5+$0x500]  }
0x215: {  	s11 =	sor.u32 $0x450, s4;
	v59 =	vmul.bf16 v53, v38;
	v60 =	vld [tilespmem:s7+$0x50];
	v46 =	vadd.bf16 v47, v46  }
0x216: {  	s6 =	sor.u32 $0x410, s2;
	v63 =	vld [tilespmem:s11+$0x500];
	v43 =	vmul.bf16 v54, v41  }
0x217: {  	s12 =	sor.u32 $0x410, s0;
	v62 =	vld [tilespmem:s6+$0x500];
	v44 =	vmul.bf16 v44, v23;
	v46 =	vadd.bf16 v59, v46;
	v24 =	vmul.bf16 v24, v37  }
0x218: {  	s14 =	sor.u32 $0x450, s2;
	v56 =	vld [tilespmem:s12+$0x500];
	v48 =	vmul.bf16 v57, v33;
	v45 =	vmul.bf16 v58, v42  }
0x219: {  	v57 =	vld [tilespmem:s14+$0x500];
	v51 =	vmul.bf16 v61, v32;
	v43 =	vadd.bf16 v43, v46;
	v24 =	vadd.bf16 v24, v44  }
0x21a: {  	s15 =	sor.u32 $0x450, s0;
	v50 =	vmul.bf16 v50, v22;
	v59 =	vmul.bf16 v60, v34  }
0x21b: {  	v60 =	vld [tilespmem:s15+$0x500];
	v61 =	vmul.bf16 v63, v31;
	v58 =	vunpack.i.l.bf16.f32 v43;
	v24 =	vadd.bf16 v51, v24  }
0x21c: {  	v47 =	vmul.bf16 v62, v21;
	v45 =	vadd.bf16 v45, v48;
	v43 =	vunpack.i.u.bf16.f32 v43;
	[tilespmem:s1+$0x20] =	vst v58  }
0x21d: {  	v46 =	vmul.bf16 v56, v19;
	v62 =	vadd.bf16 v59, v50;
	[tilespmem:s1+$0x30] =	vst v43;
	v24 =	vadd.bf16 v61, v24  }
0x21e: {  	v63 =	vadd.bf16 v47, v45;
	v52 =	vmul.bf16 v57, v20;
	v53 =	vld [tilespmem:s24+$0x20]  }
0x21f: {  	s16 =	sor.u32 $0x420, s10;
	v44 =	vadd.bf16 v46, v62;
	v54 =	vld [tilespmem:s24+$0x60];
	v56 =	vunpack.i.l.bf16.f32 v24  }
0x220: {  	s21 =	sor.u32 $0x460, s10;
	v55 =	vmul.bf16 v60, v16;
	v49 =	vld [tilespmem:s16+$0x500];
	v43 =	vadd.bf16 v52, v63;
	v24 =	vunpack.i.u.bf16.f32 v24;
	[tilespmem:s1+$0xFFFFFF20] =	vst v56  }
0x221: {  	v45 =	vld [tilespmem:s21+$0x500];
	[tilespmem:s1+$0xFFFFFF30] =	vst v24  }
0x222: {  	s22 =	sor.u32 $0x420, s4;
	v44 =	vadd.bf16 v55, v44;
	v57 =	vunpack.i.l.bf16.f32 v43;
	v58 =	vld [tilespmem:s9+$0x20]  }
0x223: {  	v24 =	vunpack.i.u.bf16.f32 v43;
	v63 =	vld [tilespmem:s22+$0x500];
	[tilespmem:s1+$0xFFFFFFA0] =	vst v57  }
0x224: {  	v59 =	vunpack.i.l.bf16.f32 v44;
	[tilespmem:s1+$0xFFFFFFB0] =	vst v24;
	v24 =	vld [tilespmem:s9+$0x60]  }
0x225: {  	v44 =	vunpack.i.u.bf16.f32 v44;
	[tilespmem:s1+$0xA0] =	vst v59;
	v60 =	vld [tilespmem:s8+$0x20]  }
0x226: {  	[tilespmem:s1+$0xB0] =	vst v44;
	v47 =	vmul.bf16 v53, v39;
	v46 =	vmul.bf16 v54, v40;
	v61 =	vld [tilespmem:s8+$0x60]  }
0x227: {  	v62 =	vld [tilespmem:s7+$0x20]  }
0x228: {  	s25 =	sor.u32 $0x460, s4;
	v57 =	vmul.bf16 v49, v38;
	v56 =	vld [tilespmem:s7+$0x60];
	v46 =	vadd.bf16 v46, v47  }
0x229: {  	s23 =	sor.u32 $0x420, s2;
	v43 =	vmul.bf16 v58, v23;
	v58 =	vld [tilespmem:s25+$0x500]  }
0x22a: {  	s26 =	sor.u32 $0x420, s0;
	v45 =	vmul.bf16 v45, v41;
	v49 =	vld [tilespmem:s23+$0x500];
	v46 =	vadd.bf16 v57, v46;
	v24 =	vmul.bf16 v24, v37  }
0x22b: {  	v26 =	vadd.bf16 v26, v36;
	s28 =	sor.u32 $0x460, s2;
	v48 =	vld [tilespmem:s26+$0x500];
	v59 =	vmul.bf16 v60, v33;
	v60 =	vmul.bf16 v61, v42  }
0x22c: {  	s6 =	sor.u32 $0x460, s0;
	v51 =	vmul.bf16 v63, v32;
	v61 =	vld [tilespmem:s28+$0x500];
	v45 =	vadd.bf16 v45, v46;
	v24 =	vadd.bf16 v24, v43  }
0x22d: {  	v62 =	vmul.bf16 v62, v22;
	v63 =	vmul.bf16 v56, v34;
	v56 =	vld [tilespmem:s6+$0x500];
	v43 =	vadd.bf16 v60, v59  }
0x22e: {  	v57 =	vunpack.i.l.bf16.f32 v45;
	v60 =	vld [tilespmem:s30+$0x500];
	v24 =	vadd.bf16 v51, v24;
	v58 =	vmul.bf16 v58, v31  }
0x22f: {  	v15 =	vmul.bf16 v28, v15;
	v49 =	vmul.bf16 v49, v21;
	v45 =	vunpack.i.u.bf16.f32 v45;
	[tilespmem:s1+$0x40] =	vst v57  }
0x230: {  	v48 =	vmul.bf16 v48, v19;
	v46 =	vadd.bf16 v63, v62;
	v59 =	vld [tilespmem:s13+$0x500];
	[tilespmem:s1+$0x50] =	vst v45;
	v24 =	vadd.bf16 v58, v24  }
0x231: {  	v15 =	vadd.bf16 v15, v26;
	s11 =	sor.u32 $0x430, s10;
	v43 =	vadd.bf16 v49, v43;
	v62 =	vld [tilespmem:s24+$0x70];
	v44 =	vmul.bf16 v61, v20  }
0x232: {  	s12 =	sor.u32 $0x470, s10;
	v46 =	vadd.bf16 v48, v46;
	v51 =	vld [tilespmem:s11+$0x500];
	v50 =	vmul.bf16 v56, v16;
	v63 =	vunpack.i.l.bf16.f32 v24  }
0x233: {  	v52 =	vld [tilespmem:s12+$0x500];
	v43 =	vadd.bf16 v44, v43;
	v24 =	vunpack.i.u.bf16.f32 v24;
	v10 =	vmul.bf16 v60, v10;
	[tilespmem:s1+$0xFFFFFF40] =	vst v63  }
0x234: {  	v14 =	vmul.bf16 v27, v14;
	s13 =	sor.u32 $0x430, s4;
	v61 =	vld [tilespmem:s24+$0x30];
	[tilespmem:s1+$0xFFFFFF50] =	vst v24  }
0x235: {  	v27 =	vadd.bf16 v50, v46;
	v24 =	vunpack.i.l.bf16.f32 v43;
	v10 =	vadd.bf16 v10, v15;
	v15 =	vld [tilespmem:s13+$0x500]  }
0x236: {  	v11 =	vmul.bf16 v29, v11;
	v29 =	vunpack.i.u.bf16.f32 v43;
	[tilespmem:s1+$0xFFFFFFC0] =	vst v24;
	v24 =	vld [tilespmem:s9+$0x30]  }
0x237: {  	v13 =	vmul.bf16 v30, v13;
	v14 =	vadd.bf16 v14, v35;
	v53 =	vunpack.i.l.bf16.f32 v27;
	[tilespmem:s1+$0xFFFFFFD0] =	vst v29;
	v29 =	vld [tilespmem:s9+$0x70]  }
0x238: {  	v11 =	vadd.bf16 v11, v25;
	v9 =	vmul.bf16 v59, v9;
	v27 =	vunpack.i.u.bf16.f32 v27;
	[tilespmem:s1+$0xC0] =	vst v53;
	v28 =	vld [tilespmem:s8+$0x30]  }
0x239: {  	v13 =	vadd.bf16 v13, v14;
	[tilespmem:s1+$0xD0] =	vst v27;
	v25 =	vld [tilespmem:s8+$0x70]  }
0x23a: {  	v9 =	vadd.bf16 v9, v11;
	v26 =	vmul.bf16 v62, v40;
	v11 =	vmul.bf16 v61, v39;
	v14 =	vld [tilespmem:s7+$0x30]  }
0x23b: {  	v30 =	vunpack.i.u.bf16.f32 v13;
	v13 =	vunpack.i.l.bf16.f32 v13;
	s14 =	sor.u32 $0x430, s2;
	v27 =	vld [tilespmem:s7+$0x70]  }
0x23c: {  	s15 =	sor.u32 $0x470, s4;
	v57 =	vmul.bf16 v52, v41;
	v55 =	vld [tilespmem:s14+$0x500];
	v11 =	vadd.bf16 v26, v11;
	v26 =	vmul.bf16 v51, v38  }
0x23d: {  	s16 =	sor.u32 $0x430, s0;
	v58 =	vld [tilespmem:s15+$0x500];
	v54 =	vunpack.i.u.bf16.f32 v9;
	v9 =	vunpack.i.l.bf16.f32 v9;
	v56 =	vunpack.i.u.bf16.f32 v10  }
0x23e: {  	s2 =	sor.u32 $0x470, s2;
	v11 =	vadd.bf16 v26, v11;
	v26 =	vld [tilespmem:s16+$0x500];
	v23 =	vmul.bf16 v24, v23;
	v24 =	vmul.bf16 v29, v37  }
0x23f: {  	[tilespmem:s17+$0xFFFFFF60] =	vst v13;
	v10 =	vunpack.i.l.bf16.f32 v10;
	v15 =	vmul.bf16 v15, v32;
	v29 =	vld [tilespmem:s2+$0x500];
	v28 =	vmul.bf16 v28, v33  }
0x240: {  	s0 =	sor.u32 $0x470, s0;
	[tilespmem:s19+$0xFFFFFFE0] =	vst v9;
	v25 =	vmul.bf16 v25, v42;
	v9 =	vmul.bf16 v14, v22;
	v13 =	vadd.bf16 v24, v23  }
0x241: {  	[tilespmem:s17+$0xFFFFFF70] =	vst v30;
	v11 =	vadd.bf16 v57, v11;
	v22 =	vmul.bf16 v27, v34;
	v21 =	vmul.bf16 v55, v21;
	v23 =	vld [tilespmem:s0+$0x500]  }
0x242: {  	[tilespmem:s19+$0xFFFFFFF0] =	vst v54;
	v14 =	vadd.bf16 v25, v28;
	v13 =	vadd.bf16 v15, v13;
	v15 =	vmul.bf16 v58, v31  }
0x243: {  	v6 =	vld.idx.msk [tilespmem:v6+s18+$0x0], $0xffff;
	[tilespmem:s19+$0xE0] =	vst v10;
	v10 =	vunpack.i.l.bf16.f32 v11;
	v9 =	vadd.bf16 v22, v9;
	v19 =	vmul.bf16 v26, v19  }
0x244: {  	[tilespmem:s19+$0xF0] =	vst v56;
	v14 =	vadd.bf16 v21, v14;
	v13 =	vadd.bf16 v15, v13;
	v15 =	vmul.bf16 v29, v20  }
0x245: {  	v11 =	vunpack.i.u.bf16.f32 v11;
	[tilespmem:s1+$0x60] =	vst v10;
	v9 =	vadd.bf16 v19, v9  }
0x246: {  	[tilespmem:s1+$0x70] =	vst v11;
	v11 =	vmul.bf16 v23, v16;
	v10 =	vunpack.i.u.bf16.f32 v13;
	v14 =	vadd.bf16 v15, v14  }
0x247: {  	v7 =	vld.idx.msk [tilespmem:v7+s18+$0x0], $0xffff;
	v13 =	vunpack.i.l.bf16.f32 v13;
	[tilespmem:s1+$0xFFFFFF70] =	vst v10  }
0x248: {  	v5 =	vld.idx.msk [tilespmem:v5+s18+$0x0], $0xffff;
	[tilespmem:s1+$0xFFFFFF60] =	vst v13;
	v9 =	vadd.bf16 v11, v9;
	v10 =	vunpack.i.l.bf16.f32 v14  }
0x249: {  	v11 =	vunpack.i.u.bf16.f32 v14;
	[tilespmem:s1+$0xFFFFFFE0] =	vst v10;
	v10 =	vld.idx.msk [tilespmem:v18+s18+$0x0], $0xffff  }
0x24a: {  	v13 =	vunpack.i.l.bf16.f32 v9;
	[tilespmem:s1+$0xFFFFFFF0] =	vst v11;
	v11 =	vld.idx.msk [tilespmem:v12+s18+$0x0], $0xffff;
	v9 =	vunpack.i.u.bf16.f32 v9  }
0x24b: {  	[tilespmem:s1+$0xF0] =	vst v9;
	v9 =	vld.idx.msk [tilespmem:v17+s18+$0x0], $0xffff  }
0x24c: {  	[tilespmem:v6+s20+$0x0] =	vst.idx.add.f32.msk $0x1, v4  }
0x24d: {  	[tilespmem:s1+$0xE0] =	vst v13  }
0x24e: {  	v8 =	vld.idx.msk [tilespmem:v8+s18+$0x0], $0xffff  }
0x24f: {  	[tilespmem:v7+s20+$0x0] =	vst.idx.add.f32.msk $0x1, v4  }
0x250: {  	[tilespmem:v5+s20+$0x0] =	vst.idx.add.f32.msk $0x1, v4  }
0x251: {  	[tilespmem:v10+s20+$0x0] =	vst.idx.add.f32.msk $0x1, v4  }
0x252: {  	[tilespmem:v11+s20+$0x0] =	vst.idx.add.f32.msk $0x1, v4  }
0x253: {  	[tilespmem:v9+s20+$0x0] =	vst.idx.add.f32.msk $0x1, v4  }
0x254: {  	s0 =	sld [smem:$0x7DF];
	_ =	sdelay $0x1  }
0x255: {  	s17 =	rddreg [dreg:$0x2];
	[tilespmem:v8+s20+$0x0] =	vst.idx.add.f32.msk $0x1, v4  }
0x256: {  	s1 =	sld [smem:$0x7EB];
	p0 =	seq.s32 s0, $0x7C  }
0x257: {  	s21 =	simm.s32 $0x28;
	s19 =	simm.s32 $0x5500;
	s0 =	smul.u32 @!p0 $0x50, s0  }
0x258: {  	[spmem:s17] =	stream.indirect.scatter.add.f32 [tilespmem:s19], [sflag:$0x3], $0x80, s18, s21, $0xb8;
	[tilespmem:$0x1E500] =	vst v63  }
0x259: {  	s0 =	sadd.s32 @!p0 s0, s1  }
0x25a: {  	s1 =	rddreg [dreg:$0x16];
	s0 =	sshrl.u32 @!p0 s0, $0x3  }
0x25b: {  	s2 =	sadd.s32 @!p0 s1, s0;
	s1 =	simm.s32 @!p0 $0x0  }
0x25c: {  	[tilespmem:s1], [sflag:$0x5] =	stream.linear.gather @!p0 [hbm4b:s2+s1], $0x28, $0x38;
	[tilespmem:$0x1E500] =	vst v63  }
0x25d: {  	s2 =	rddreg [dreg:$0x17]  }
0x25e: {  	s3 =	simm.s32 @!p0 $0x100;
	s2 =	sadd.s32 @!p0 s2, s0  }
0x25f: {  	[tilespmem:s3], [sflag:$0x5] =	stream.linear.gather @!p0 [hbm4b:s2+s1], $0x28, $0x38;
	[tilespmem:$0x1E500] =	vst v63  }
0x260: {  	s2 =	rddreg [dreg:$0x18]  }
0x261: {  	s3 =	simm.s32 @!p0 $0x200;
	s2 =	sadd.s32 @!p0 s2, s0  }
0x262: {  	[tilespmem:s3], [sflag:$0x5] =	stream.linear.gather @!p0 [hbm4b:s2+s1], $0x28, $0x38;
	[tilespmem:$0x1E500] =	vst v63  }
0x263: {  	s2 =	rddreg [dreg:$0x19]  }
0x264: {  	s3 =	simm.s32 @!p0 $0x228;
	s2 =	sadd.s32 @!p0 s2, s0  }
0x265: {  	[tilespmem:s3], [sflag:$0x5] =	stream.linear.gather @!p0 [hbm4b:s2+s1], $0x28, $0x38;
	[tilespmem:$0x1E500] =	vst v63  }
0x266: {  	s2 =	rddreg [dreg:$0x1a]  }
0x267: {  	s3 =	simm.s32 @!p0 $0x250;
	s2 =	sadd.s32 @!p0 s2, s0  }
0x268: {  	[tilespmem:s3], [sflag:$0x5] =	stream.linear.gather @!p0 [hbm4b:s2+s1], $0x28, $0x38;
	[tilespmem:$0x1E500] =	vst v63  }
0x269: {  	s2 =	rddreg [dreg:$0x1b]  }
0x26a: {  	s22 =	simm.s32 $0x2;
	s0 =	sadd.s32 @!p0 s2, s0;
	s2 =	simm.s32 @!p0 $0x278  }
0x26b: {  	[tilespmem:s2], [sflag:$0x5] =	stream.linear.gather @!p0 [hbm4b:s0+s1], $0x28, $0x38;
	[tilespmem:$0x1E500] =	vst v63  }
0x26c: {  	_ =	swait.ge [sflag:s22], $0x2800  }
0x26d: {  	[sflag:s22] =	ssyncset.done $0x0  }
0x26e: {  	s23 =	simm.s32 $0x3;
	[sflag:s22] =	ssyncadd.s32 $0xFFFFD800  }
0x26f: {  	_ =	swait.ge [sflag:s23], $0x1400  }
0x270: {  	[sflag:s23] =	ssyncset.done $0x0  }
0x271: {  	[sflag:s23] =	ssyncadd.s32 $0xFFFFEC00  }
0x272: {  	v5 =	vld [tilespmem:$0x180]  }
0x273: {  	v6 =	vld [tilespmem:$0x190]  }
0x274: {  	v7 =	vld [tilespmem:$0x198];
	_ =	sdelay $0x2  }
0x275: {  	[tilespmem:$0x480] =	vst v5  }
0x276: {  	[tilespmem:$0x490] =	vst v6  }
0x277: {  	s0 =	simm.s32 @!p0 $0x5;
	[tilespmem:$0x498] =	vst v7  }
0x278: {  	_ =	swait.ge @!p0 [sflag:s0], $0x28  }
0x279: {  	[sflag:s0] =	ssyncset.done @!p0 $0x0  }
0x27a: {  	[sflag:s0] =	ssyncadd.s32 @!p0 $0xFFFFFFD8  }
0x27b: {  	_ =	swait.ge @!p0 [sflag:s0], $0x28  }
0x27c: {  	[sflag:s0] =	ssyncset.done @!p0 $0x0  }
0x27d: {  	[sflag:s0] =	ssyncadd.s32 @!p0 $0xFFFFFFD8  }
0x27e: {  	_ =	swait.ge @!p0 [sflag:s0], $0x28  }
0x27f: {  	[sflag:s0] =	ssyncset.done @!p0 $0x0  }
0x280: {  	[sflag:s0] =	ssyncadd.s32 @!p0 $0xFFFFFFD8  }
0x281: {  	_ =	swait.ge @!p0 [sflag:s0], $0x28  }
0x282: {  	[sflag:s0] =	ssyncset.done @!p0 $0x0  }
0x283: {  	[sflag:s0] =	ssyncadd.s32 @!p0 $0xFFFFFFD8  }
0x284: {  	_ =	swait.ge @!p0 [sflag:s0], $0x28  }
0x285: {  	[sflag:s0] =	ssyncset.done @!p0 $0x0  }
0x286: {  	[sflag:s0] =	ssyncadd.s32 @!p0 $0xFFFFFFD8  }
0x287: {  	_ =	swait.ge @!p0 [sflag:s0], $0x28  }
0x288: {  	[sflag:s0] =	ssyncset.done @!p0 $0x0  }
0x289: {  	[sflag:s0] =	ssyncadd.s32 @!p0 $0xFFFFFFD8  }
0x28a: {  	v5 =	vld @!p0 [tilespmem:$0x0];
	_ =	sdelay $0x4  }
0x28b: {  	v6 =	vshll.u32 @!p0 v5, $0x1  }
0x28c: {  	v7 =	vlaneseq.u32 @!p0;
	v5 =	vand.u32 @!p0 $0x7, v5;
	v6 =	vand.u32 @!p0 $0xFFFFFFF0, v6  }
0x28d: {  	v8 =	vshrl.u32 @!p0 v7, $0x3;
	v5 =	vor.u32 @!p0 v5, v6;
	v6 =	vand.u32 @!p0 $0x7, v7  }
0x28e: {  	v8 =	vmul.u32 @!p0 $0x8, v8;
	v9 =	vperm.xlane @!p0 v5, v6  }
0x28f: {  	v7 =	vor.u32 @!p0 $0x8, v7  }
0x290: {  	v5 =	vperm.xlane @!p0 v5, v7;
	v9 =	vadd.s32 @!p0 v8, v9;
	_ =	sdelay $0x1  }
0x291: {  	v5 =	vadd.s32 @!p0 v8, v5;
	_ =	sdelay $0x1  }
0x292: {  	vm1 =	vmmov @!p0 $0xffff;
	s4 =	rddreg [dreg:$0x15];
	s0 =	simm.s32 @!p0 $0x500  }
0x293: {  	[tilespmem:s0], [sflag:$0x1] =	stream.indirect_vreg.gather @!p0 [hbm4b:s4+s1], $0x80, v9, vm1, $0xb8;
	[tilespmem:$0x1E500] =	vst v63  }
0x294: {  	s0 =	simm.s32 @!p0 $0xD00  }
0x295: {  	[tilespmem:s0], [sflag:$0x1] =	stream.indirect_vreg.gather @!p0 [hbm4b:s4+s1], $0x80, v5, vm1, $0xb8;
	[tilespmem:$0x1E500] =	vst v63  }
0x296: {  	v5 =	vld @!p0 [tilespmem:$0x10];
	_ =	sdelay $0x4  }
0x297: {  	v9 =	vshll.u32 @!p0 v5, $0x1  }
0x298: {  	v5 =	vand.u32 @!p0 $0x7, v5;
	v9 =	vand.u32 @!p0 $0xFFFFFFF0, v9  }
0x299: {  	v5 =	vor.u32 @!p0 v5, v9  }
0x29a: {  	v9 =	vperm.xlane @!p0 v5, v6;
	_ =	sdelay $0x1  }
0x29b: {  	v5 =	vperm.xlane @!p0 v5, v7;
	v9 =	vadd.s32 @!p0 v8, v9;
	_ =	sdelay $0x1  }
0x29c: {  	v5 =	vadd.s32 @!p0 v8, v5;
	_ =	sdelay $0x1  }
0x29d: {  	s0 =	simm.s32 @!p0 $0x1500  }
0x29e: {  	[tilespmem:s0], [sflag:$0x1] =	stream.indirect_vreg.gather @!p0 [hbm4b:s4+s1], $0x80, v9, vm1, $0xb8;
	[tilespmem:$0x1E500] =	vst v63  }
0x29f: {  	s0 =	simm.s32 @!p0 $0x1D00  }
0x2a0: {  	[tilespmem:s0], [sflag:$0x1] =	stream.indirect_vreg.gather @!p0 [hbm4b:s4+s1], $0x80, v5, vm1, $0xb8;
	[tilespmem:$0x1E500] =	vst v63  }
0x2a1: {  	v5 =	vld.msk @!p0 [tilespmem:$0x20], $0xff;
	_ =	sdelay $0x4  }
0x2a2: {  	v7 =	vshll.u32 @!p0 v5, $0x1  }
0x2a3: {  	v5 =	vand.u32 @!p0 $0x7, v5;
	v7 =	vand.u32 @!p0 $0xFFFFFFF0, v7  }
0x2a4: {  	v5 =	vor.u32 @!p0 v5, v7  }
0x2a5: {  	v5 =	vperm.xlane @!p0 v5, v6  }
0x2a6: {  	s0 =	simm.s32 $0x0  }
0x2a7: {  	s25 =	simm.s32 $0x3;
	v6 =	vmov s0;
	v7 =	vadd.s32 @!p0 v8, v5  }
0x2a8: {  	s26 =	simm.s32 $0x2B;
	s24 =	simm.s32 $0x78;
	v6 =	vand.u32 $0xFFFFFFFC, v6;
	v5 =	vmov s25  }
0x2a9: {  	s28 =	simm.s32 $0x79;
	v9 =	vmov s26;
	v8 =	vmov s24;
	v6 =	vbroadcast v6, $0x0  }
0x2aa: {  	s30 =	simm.s32 $0x2A;
	v10 =	vmov s28;
	v8 =	vand.u32 $0xFFFFFFFC, v8  }
0x2ab: {  	s13 =	simm.s32 $0x300;
	s9 =	simm.s32 $0x2;
	v10 =	vand.u32 $0xFFFFFFFD, v10;
	s2 =	simm.s32 @!p0 $0x2500;
	v8 =	vbroadcast v8, $0x0  }
0x2ac: {  	v11 =	vmov s9;
	v10 =	vbroadcast v10, $0x0;
	[tilespmem:s2], [sflag:$0x1] =	stream.indirect_vreg.gather @!p0 [hbm4b:s4+s1], $0x80, v7, vm1, $0xb8;
	[tilespmem:$0x1E500] =	vst v63  }
0x2ad: {  	s8 =	simm.s32 $0x100;
	s7 =	sand.u32 $0x3800, s0;
	v7 =	vand.u32 $0xFFFFFFFE, v11;
	v11 =	vmov s30;
	v12 =	vld.idx.msk [tilespmem:v5+s13+$0x0], $0xffff  }
0x2ae: {  	s5 =	simm.s32 $0x52;
	s11 =	sand.u32 $0x300, s8;
	s10 =	sadd.s32 $0x2D00, s7;
	v18 =	vbroadcast v7, $0x0;
	v7 =	vand.u32 $0xFFFFFFFE, v11;
	v9 =	vld.idx.msk [tilespmem:v9+s13+$0x0], $0xffff  }
0x2af: {  	v11 =	vmov s5;
	v13 =	vld.idx.msk [tilespmem:v6+s13+$0x0], $0xffff;
	s5 =	sadd.s32 s11, s10;
	v7 =	vbroadcast v7, $0x0  }
0x2b0: {  	s6 =	simm.s32 $0x7A;
	v11 =	vand.u32 $0xFFFFFFFE, v11;
	v16 =	vld [tilespmem:s5+$0x0]  }
0x2b1: {  	v14 =	vmov s6;
	v15 =	vld.idx.msk [tilespmem:v8+s13+$0x0], $0xffff;
	v11 =	vbroadcast v11, $0x0  }
0x2b2: {  	v8 =	vld.idx.msk [tilespmem:v10+s13+$0x0], $0xffff;
	v10 =	vand.u32 $0xFFFFFFFE, v14  }
0x2b3: {  	s12 =	simm.s32 $0x50;
	s15 =	sand.u32 $0x3, s0;
	s25 =	simm.s32 $0x180;
	v22 =	vld [tilespmem:s5+$0x40];
	v10 =	vbroadcast v10, $0x0  }
0x2b4: {  	s16 =	simm.s32 $0x28;
	s17 =	sshll.u32 s15, $0x8;
	s4 =	sand.u32 $0x380, s25;
	v19 =	vld.idx.msk [tilespmem:v18+s13+$0x0], $0xffff  }
0x2b5: {  	s14 =	simm.s32 $0x51;
	v20 =	vmov s16;
	s2 =	sadd.s32 $0x0, s17;
	s1 =	sadd.s32 s4, s10;
	v14 =	vmov s12;
	v21 =	vld.idx.msk [tilespmem:v7+s13+$0x0], $0xffff  }
0x2b6: {  	v20 =	vand.u32 $0xFFFFFFFC, v20;
	v17 =	vmov s14;
	s19 =	simm.s32 $0x29;
	s8 =	sadd.s32 $0x100, s2;
	v59 =	vld [tilespmem:s1+$0x0];
	v14 =	vand.u32 $0xFFFFFFFC, v14  }
0x2b7: {  	p1 =	por $0x0, $0x0;
	s6 =	simm.s32 $0x1;
	v17 =	vand.u32 $0xFFFFFFFD, v17;
	v23 =	vmov s19;
	s2 =	sor.u32 $0x400, s8;
	v14 =	vbroadcast v14, $0x0;
	v11 =	vld.idx.msk [tilespmem:v11+s13+$0x0], $0xffff  }
0x2b8: {  	v25 =	vbroadcast v20, $0x0;
	s6 =	simm.s32 @!p1 $0x0;
	v17 =	vbroadcast v17, $0x0;
	v20 =	vand.u32 $0xFFFFFFFD, v23;
	v23 =	vld [tilespmem:s2+$0x2D00]  }
0x2b9: {  	s6 =	sshll.u32 s6, $0x9;
	s21 =	sor.u32 $0x440, s8;
	v10 =	vld.idx.msk [tilespmem:v10+s13+$0x0], $0xffff  }
0x2ba: {  	s18 =	simm.s32 $0x1;
	v26 =	vbroadcast v20, $0x0;
	s4 =	sadd.s32 $0x0, s6;
	v20 =	vpack.i.f32.bf16 v19, v19;
	v19 =	vld [tilespmem:s21+$0x2D00];
	v31 =	vpack.i.f32.bf16 v21, v21  }
0x2bb: {  	s6 =	sor.u32 $0x400, s4;
	v41 =	vld [tilespmem:s1+$0x40];
	v7 =	vmov s18;
	v16 =	vmul.bf16 v16, v20;
	v21 =	vmul.bf16 v22, v31  }
0x2bc: {  	v60 =	vld [tilespmem:s6+$0x2D00];
	v7 =	vand.u32 $0xFFFFFFFD, v7;
	v24 =	vpack.i.f32.bf16 v11, v11  }
0x2bd: {  	v7 =	vbroadcast v7, $0x0;
	v14 =	vld.idx.msk [tilespmem:v14+s13+$0x0], $0xffff;
	v16 =	vadd.bf16 v21, v16;
	v21 =	vmul.bf16 v23, v24  }
0x2be: {  	s22 =	sand.u32 $0x200, s0;
	v22 =	vld.idx.msk [tilespmem:v17+s13+$0x0], $0xffff;
	v17 =	vpack.i.f32.bf16 v10, v10  }
0x2bf: {  	s23 =	simm.s32 $0x80;
	s3 =	sor.u32 s22, s10;
	v11 =	vld.idx.msk [tilespmem:v25+s13+$0x0], $0xffff;
	v19 =	vmul.bf16 v19, v17;
	v16 =	vadd.bf16 v21, v16  }
0x2c0: {  	s24 =	sand.u32 $0x280, s23;
	v25 =	vld [tilespmem:s3+$0x40]  }
0x2c1: {  	s2 =	sor.u32 s24, s10;
	v10 =	vld.idx.msk [tilespmem:v26+s13+$0x0], $0xffff;
	v16 =	vadd.bf16 v19, v16  }
0x2c2: {  	v26 =	vld [tilespmem:s2+$0x40]  }
0x2c3: {  	s17 =	simm.s32 $0x6A00;
	v23 =	vld.idx.msk [tilespmem:v7+s13+$0x0], $0xffff;
	v27 =	vunpack.i.l.bf16.f32 v16  }
0x2c4: {  	v21 =	vld [tilespmem:s3+$0x0];
	v16 =	vunpack.i.u.bf16.f32 v16;
	[tilespmem:s17+$0x0] =	vst v27  }
0x2c5: {  	s28 =	simm.s32 $0x53;
	s0 =	sand.u32 $0x7, s0;
	v19 =	vld [tilespmem:s2+$0x0];
	[tilespmem:s17+$0x10] =	vst v16  }
0x2c6: {  	v62 =	vmov s28;
	s26 =	simm.s32 $0x7B;
	s0 =	sshll.u32 s0, $0x7;
	v16 =	vld [tilespmem:s5+$0x10]  }
0x2c7: {  	v61 =	vmov s26;
	s0 =	sadd.s32 $0x0, s0;
	s30 =	sor.u32 $0x440, s4;
	v28 =	vpack.i.f32.bf16 v10, v10;
	v27 =	vpack.i.f32.bf16 v13, v13;
	v13 =	vld [tilespmem:s5+$0x50]  }
0x2c8: {  	s6 =	sadd.s32 $0x80, s0;
	v63 =	vld [tilespmem:s30+$0x2D00];
	s10 =	sor.u32 $0x410, s8;
	v29 =	vpack.i.f32.bf16 v11, v11;
	v30 =	vpack.i.f32.bf16 v23, v23;
	v23 =	vmul.bf16 v26, v28  }
0x2c9: {  	s11 =	sor.u32 $0x400, s6;
	v14 =	vpack.i.f32.bf16 v14, v14;
	v11 =	vmul.bf16 v21, v27;
	v21 =	vmul.bf16 v25, v29;
	v10 =	vld [tilespmem:s10+$0x2D00]  }
0x2ca: {  	s12 =	sor.u32 $0x450, s8;
	v26 =	vpack.i.f32.bf16 v9, v9;
	v9 =	vmul.bf16 v60, v14;
	v25 =	vpack.i.f32.bf16 v12, v12;
	v12 =	vld [tilespmem:s11+$0x2D00]  }
0x2cb: {  	v40 =	vld [tilespmem:s12+$0x2D00];
	v19 =	vmul.bf16 v19, v30;
	v21 =	vadd.bf16 v21, v11;
	v11 =	vpack.i.f32.bf16 v22, v22  }
0x2cc: {  	s14 =	sor.u32 $0x440, s6;
	v16 =	vmul.bf16 v16, v20;
	v22 =	vmul.bf16 v13, v31;
	v13 =	vpack.i.f32.bf16 v15, v15  }
0x2cd: {  	s16 =	simm.s32 $0x7F;
	s0 =	sadd.s32 $0x180, s0;
	v42 =	vld [tilespmem:s14+$0x2D00];
	v19 =	vadd.bf16 v23, v19;
	v9 =	vadd.bf16 v9, v21;
	v21 =	vmul.bf16 v63, v13  }
0x2ce: {  	s15 =	sor.u32 $0x400, s0;
	v23 =	vmov s16;
	v15 =	vld.idx.msk [tilespmem:v62+s13+$0x0], $0xffff;
	v10 =	vmul.bf16 v10, v24;
	v16 =	vadd.bf16 v22, v16  }
0x2cf: {  	v43 =	vmul.bf16 v41, v26;
	v12 =	vmul.bf16 v12, v11;
	v22 =	vld [tilespmem:s15+$0x2D00];
	v21 =	vadd.bf16 v21, v9  }
0x2d0: {  	v34 =	vld.idx.msk [tilespmem:v61+s13+$0x0], $0xffff;
	s18 =	sor.u32 $0x440, s0;
	v32 =	vmul.bf16 v59, v25;
	v10 =	vadd.bf16 v10, v16;
	v16 =	vmul.bf16 v40, v17  }
0x2d1: {  	v44 =	vld [tilespmem:s18+$0x2D00];
	v9 =	vpack.i.f32.bf16 v8, v8;
	v8 =	vadd.bf16 v12, v19;
	v19 =	vunpack.i.u.bf16.f32 v21  }
0x2d2: {  	v12 =	vmul.bf16 v42, v9;
	v45 =	vadd.bf16 v16, v10;
	v10 =	vunpack.i.l.bf16.f32 v21;
	[tilespmem:s17+$0xFFFFFF10] =	vst v19  }
0x2d3: {  	v32 =	vadd.bf16 v43, v32;
	v15 =	vpack.i.f32.bf16 v15, v15;
	v16 =	vld.idx.msk [tilespmem:v23+s13+$0x0], $0xffff;
	[tilespmem:s17+$0xFFFFFF00] =	vst v10  }
0x2d4: {  	v8 =	vadd.bf16 v12, v8;
	v19 =	vmul.bf16 v22, v15;
	v12 =	vunpack.i.l.bf16.f32 v45;
	v21 =	vld [tilespmem:s3+$0x10]  }
0x2d5: {  	s22 =	sor.u32 $0x410, s4;
	v10 =	vpack.i.f32.bf16 v34, v34;
	v22 =	vunpack.i.u.bf16.f32 v45;
	v46 =	vld [tilespmem:s3+$0x50];
	[tilespmem:s17+$0x20] =	vst v12  }
0x2d6: {  	v49 =	vld [tilespmem:s22+$0x2D00];
	v12 =	vadd.bf16 v19, v32;
	v19 =	vmul.bf16 v44, v10;
	[tilespmem:s17+$0x30] =	vst v22  }
0x2d7: {  	v23 =	vunpack.i.l.bf16.f32 v8;
	v8 =	vunpack.i.u.bf16.f32 v8;
	v22 =	vld [tilespmem:s5+$0x20]  }
0x2d8: {  	s19 =	sor.u32 $0x420, s8;
	[tilespmem:s17+$0xFFFFFF90] =	vst v8;
	v8 =	vld [tilespmem:s5+$0x60];
	v12 =	vadd.bf16 v19, v12  }
0x2d9: {  	s24 =	sor.u32 $0x450, s4;
	v47 =	vld [tilespmem:s19+$0x2D00]  }
0x2da: {  	v53 =	vld [tilespmem:s24+$0x2D00];
	[tilespmem:s17+$0xFFFFFF80] =	vst v23;
	v23 =	vunpack.i.l.bf16.f32 v12  }
0x2db: {  	s21 =	sor.u32 $0x460, s8;
	v19 =	vld [tilespmem:s2+$0x10];
	v12 =	vunpack.i.u.bf16.f32 v12;
	v21 =	vmul.bf16 v21, v27;
	v32 =	vmul.bf16 v46, v29;
	[tilespmem:s17+$0x80] =	vst v23  }
0x2dc: {  	v35 =	vmul.bf16 v49, v14;
	[tilespmem:s17+$0x90] =	vst v12;
	v12 =	vld [tilespmem:s21+$0x2D00]  }
0x2dd: {  	s23 =	simm.s32 $0x57;
	v48 =	vld [tilespmem:s1+$0x10];
	v22 =	vmul.bf16 v22, v20;
	v8 =	vmul.bf16 v8, v31;
	v21 =	vadd.bf16 v32, v21  }
0x2de: {  	v50 =	vmov s23;
	v51 =	vld [tilespmem:s1+$0x50];
	v33 =	vmul.bf16 v47, v24  }
0x2df: {  	s25 =	sor.u32 $0x410, s6;
	s11 =	simm.s32 $0x7;
	v23 =	vld [tilespmem:s2+$0x50];
	v32 =	vmul.bf16 v53, v13;
	v22 =	vadd.bf16 v8, v22;
	v61 =	vadd.bf16 v35, v21  }
0x2e0: {  	s30 =	sor.u32 $0x450, s6;
	v54 =	vld [tilespmem:s25+$0x2D00];
	v52 =	vmul.bf16 v19, v30;
	v8 =	vmov s11  }
0x2e1: {  	s28 =	simm.s32 $0x2F;
	s26 =	sor.u32 $0x410, s0;
	v58 =	vld [tilespmem:s30+$0x2D00];
	v19 =	vadd.bf16 v33, v22;
	v12 =	vmul.bf16 v12, v17;
	v32 =	vadd.bf16 v32, v61  }
0x2e2: {  	v57 =	vmov s28;
	v56 =	vld [tilespmem:s26+$0x2D00];
	s11 =	sor.u32 $0x450, s0;
	v22 =	vmul.bf16 v48, v25  }
0x2e3: {  	s29 =	simm.s32 $0x4;
	v62 =	vld [tilespmem:s11+$0x2D00];
	v60 =	vmul.bf16 v51, v26;
	v59 =	vadd.bf16 v12, v19;
	v47 =	vunpack.i.l.bf16.f32 v32  }
0x2e4: {  	v55 =	vmov s29;
	v23 =	vmul.bf16 v23, v28;
	v19 =	vld.idx.msk [tilespmem:v50+s13+$0x0], $0xffff;
	v32 =	vunpack.i.u.bf16.f32 v32;
	[tilespmem:s17+$0xFFFFFF20] =	vst v47  }
0x2e5: {  	v63 =	vmul.bf16 v54, v11;
	v36 =	vadd.bf16 v60, v22;
	v22 =	vld.idx.msk [tilespmem:v8+s13+$0x0], $0xffff;
	[tilespmem:s17+$0xFFFFFF30] =	vst v32;
	v21 =	vunpack.i.l.bf16.f32 v59  }
0x2e6: {  	v33 =	vand.u32 $0xFFFFFFFC, v55;
	v23 =	vadd.bf16 v23, v52;
	v42 =	vunpack.i.u.bf16.f32 v59;
	v53 =	vld [tilespmem:s3+$0x60];
	[tilespmem:s17+$0x40] =	vst v21  }
0x2e7: {  	v12 =	vbroadcast v33, $0x0;
	v21 =	vld.idx.msk [tilespmem:v57+s13+$0x0], $0xffff;
	[tilespmem:s17+$0x50] =	vst v42  }
0x2e8: {  	v45 =	vmul.bf16 v58, v9;
	v34 =	vmul.bf16 v56, v15;
	v37 =	vadd.bf16 v63, v23;
	v46 =	vld [tilespmem:s5+$0x30]  }
0x2e9: {  	s12 =	simm.s32 $0x7C;
	v48 =	vld [tilespmem:s5+$0x70]  }
0x2ea: {  	s14 =	sor.u32 $0x430, s8;
	v43 =	vmov s12;
	s16 =	simm.s32 $0x7D;
	v34 =	vadd.bf16 v34, v36;
	v36 =	vld [tilespmem:s3+$0x20];
	v37 =	vadd.bf16 v45, v37  }
0x2eb: {  	s23 =	simm.s32 $0x2D;
	s18 =	simm.s32 $0x54;
	s15 =	sor.u32 $0x470, s8;
	v44 =	vand.u32 $0xFFFFFFFC, v43;
	v55 =	vmov s16;
	v35 =	vmul.bf16 v62, v10;
	v49 =	vld [tilespmem:s14+$0x2D00]  }
0x2ec: {  	v61 =	vmov s23;
	v56 =	vmov s18;
	v51 =	vld [tilespmem:s15+$0x2D00];
	v50 =	vunpack.i.l.bf16.f32 v37  }
0x2ed: {  	s22 =	simm.s32 $0x5;
	s24 =	sor.u32 $0x420, s4;
	v33 =	vbroadcast v44, $0x0;
	v34 =	vadd.bf16 v35, v34;
	v23 =	vld.idx.msk [tilespmem:v12+s13+$0x0], $0xffff;
	v37 =	vunpack.i.u.bf16.f32 v37;
	[tilespmem:s17+$0xFFFFFFA0] =	vst v50  }
0x2ee: {  	s19 =	simm.s32 $0x55;
	v60 =	vmov s22;
	[tilespmem:s17+$0xFFFFFFB0] =	vst v37;
	v50 =	vld [tilespmem:s24+$0x2D00];
	v39 =	vmul.bf16 v46, v20;
	v31 =	vmul.bf16 v48, v31  }
0x2ef: {  	v57 =	vmov s19;
	v52 =	vunpack.i.l.bf16.f32 v34;
	v54 =	vunpack.i.u.bf16.f32 v34;
	v58 =	vld [tilespmem:s2+$0x20]  }
0x2f0: {  	s25 =	sor.u32 $0x460, s4;
	[tilespmem:s17+$0xA0] =	vst v52;
	v62 =	vld [tilespmem:s2+$0x60];
	v36 =	vmul.bf16 v36, v27;
	v24 =	vmul.bf16 v49, v24;
	v31 =	vadd.bf16 v31, v39  }
0x2f1: {  	[tilespmem:s17+$0xB0] =	vst v54;
	v54 =	vld [tilespmem:s25+$0x2D00];
	v17 =	vmul.bf16 v51, v17;
	v48 =	vand.u32 $0xFFFFFFFC, v56;
	v49 =	vmul.bf16 v53, v29  }
0x2f2: {  	v63 =	vld [tilespmem:s1+$0x20];
	v51 =	vand.u32 $0xFFFFFFFD, v57;
	v34 =	vbroadcast v48, $0x0;
	v24 =	vadd.bf16 v24, v31  }
0x2f3: {  	s26 =	sor.u32 $0x420, s6;
	v20 =	vld.idx.msk [tilespmem:v33+s13+$0x0], $0xffff;
	v38 =	vbroadcast v51, $0x0;
	v53 =	vadd.bf16 v49, v36;
	v37 =	vmul.bf16 v50, v14  }
0x2f4: {  	s21 =	simm.s32 $0x2C;
	v31 =	vand.u32 $0xFFFFFFFD, v55;
	v33 =	vmul.bf16 v58, v30;
	v55 =	vld [tilespmem:s26+$0x2D00];
	v17 =	vadd.bf16 v17, v24  }
0x2f5: {  	s30 =	sor.u32 $0x460, s6;
	v59 =	vmov s21;
	v52 =	vld [tilespmem:s1+$0x60];
	v42 =	vmul.bf16 v62, v28;
	v31 =	vbroadcast v31, $0x0  }
0x2f6: {  	s28 =	sor.u32 $0x420, s0;
	v58 =	vld [tilespmem:s30+$0x2D00];
	v35 =	vmul.bf16 v54, v13;
	v32 =	vadd.bf16 v37, v53;
	v56 =	vunpack.i.l.bf16.f32 v17  }
0x2f7: {  	s8 =	sor.u32 $0x460, s0;
	v57 =	vld [tilespmem:s28+$0x2D00];
	v39 =	vand.u32 $0xFFFFFFFD, v60;
	v43 =	vmul.bf16 v63, v25;
	v17 =	vunpack.i.u.bf16.f32 v17;
	[tilespmem:s17+$0x60] =	vst v56  }
0x2f8: {  	s10 =	simm.s32 $0x480;
	v60 =	vld [tilespmem:s8+$0x2D00];
	v24 =	vand.u32 $0xFFFFFFFC, v59;
	v33 =	vadd.bf16 v42, v33;
	v63 =	vadd.bf16 v35, v32;
	[tilespmem:s17+$0x70] =	vst v17  }
0x2f9: {  	v59 =	vbroadcast v24, $0x0;
	v24 =	vand.u32 $0xFFFFFFFD, v61;
	v36 =	vmul.bf16 v55, v11;
	v18 =	vld.idx.msk [tilespmem:v18+s10+$0x0], $0xffff  }
0x2fa: {  	v40 =	vmul.bf16 v52, v26;
	v32 =	vld.idx.msk [tilespmem:v38+s13+$0x0], $0xffff;
	v61 =	vbroadcast v24, $0x0;
	v46 =	vunpack.i.l.bf16.f32 v63  }
0x2fb: {  	v44 =	vmul.bf16 v58, v9;
	v47 =	vunpack.i.u.bf16.f32 v63;
	[tilespmem:s17+$0xFFFFFF40] =	vst v46;
	v24 =	vld.idx.msk [tilespmem:v31+s13+$0x0], $0xffff;
	v33 =	vadd.bf16 v36, v33  }
0x2fc: {  	v62 =	vmul.bf16 v57, v15;
	v40 =	vadd.bf16 v40, v43;
	v17 =	vbroadcast v39, $0x0;
	[tilespmem:s17+$0xFFFFFF50] =	vst v47;
	v31 =	vld.idx.msk [tilespmem:v34+s13+$0x0], $0xffff  }
0x2fd: {  	v50 =	vld [tilespmem:s3+$0x30];
	v36 =	vadd.bf16 v44, v33  }
0x2fe: {  	v45 =	vadd.bf16 v62, v40;
	v39 =	vmul.bf16 v60, v10;
	v52 =	vld [tilespmem:s3+$0x70]  }
0x2ff: {  	v35 =	vld.idx.msk [tilespmem:v59+s13+$0x0], $0xffff;
	v49 =	vunpack.i.l.bf16.f32 v36  }
0x300: {  	v48 =	vadd.bf16 v39, v45;
	v34 =	vld.idx.msk [tilespmem:v61+s13+$0x0], $0xffff;
	[tilespmem:s17+$0xFFFFFFC0] =	vst v49  }
0x301: {  	[tilespmem:v18+s20+$0x0] =	vst.idx.add.f32.msk $0x1, v4;
	v18 =	vunpack.i.u.bf16.f32 v36  }
0x302: {  	p1 =	por !p1, !p1;
	s31 =	sor.u32 $0x470, s0;
	s12 =	sor.u32 $0x430, s4;
	v51 =	vunpack.i.l.bf16.f32 v48;
	v33 =	vld.idx.msk [tilespmem:v17+s13+$0x0], $0xffff;
	[tilespmem:s17+$0xFFFFFFD0] =	vst v18  }
0x303: {  	s11 =	sor.u32 $0x430, s6;
	s16 =	simm.s32 $0x6;
	s23 =	simm.s32 $0x400;
	[tilespmem:s17+$0xC0] =	vst v51;
	v18 =	vunpack.i.u.bf16.f32 v48;
	v53 =	vld [tilespmem:s2+$0x30]  }
0x304: {  	s18 =	simm.s32 $0x2E;
	s22 =	simm.s32 $0x7E;
	s21 =	simm.s32 $0x56;
	v55 =	vld [tilespmem:s2+$0x70];
	[tilespmem:s17+$0xD0] =	vst v18  }
0x305: {  	s19 =	sand.u32 $0x7, s29;
	s14 =	sor.u32 $0x430, s0;
	s15 =	sor.u32 $0x470, s4;
	v54 =	vmov s16;
	v56 =	vmov s18;
	v57 =	vld [tilespmem:s1+$0x30]  }
0x306: {  	s24 =	sand.u32 $0x3800, s23;
	s25 =	simm.s32 $0x280;
	s28 =	simm.s32 $0x300;
	v62 =	vmov s22;
	v38 =	vand.u32 $0xFFFFFFFE, v56;
	v59 =	vmov s21;
	v58 =	vld [tilespmem:s1+$0x70]  }
0x307: {  	s4 =	sadd.s32 $0x2D00, s24;
	s5 =	sand.u32 $0x280, s25;
	v38 =	vbroadcast v38, $0x0;
	v61 =	vand.u32 $0xFFFFFFFE, v59;
	v36 =	vmul.bf16 v50, v27;
	v27 =	vld [tilespmem:s12+$0x2D00];
	s1 =	sand.u32 $0x300, s28  }
0x308: {  	s30 =	simm.s32 $0x380;
	v39 =	vbroadcast v61, $0x0;
	v60 =	vmul.bf16 v52, v29;
	s2 =	simm.s32 $0x1;
	v18 =	vand.u32 $0xFFFFFFFE, v54;
	v29 =	vld [tilespmem:s11+$0x2D00];
	s24 =	sadd.s32 s1, s4  }
0x309: {  	s26 =	simm.s32 $0x200;
	s3 =	sand.u32 $0x380, s30;
	s2 =	simm.s32 @!p1 $0x0;
	v42 =	vld [tilespmem:s24+$0x0];
	v63 =	vmul.bf16 v53, v30;
	v30 =	vand.u32 $0xFFFFFFFE, v62;
	v40 =	vmul.bf16 v55, v28  }
0x30a: {  	s20 =	sor.u32 $0x470, s6;
	s6 =	sand.u32 $0x200, s26;
	v36 =	vadd.bf16 v60, v36;
	v18 =	vbroadcast v18, $0x0;
	s0 =	sshll.u32 s2, $0x9;
	v28 =	vld [tilespmem:s14+$0x2D00];
	v41 =	vbroadcast v30, $0x0  }
0x30b: {  	s2 =	sshll.u32 s19, $0x7;
	s1 =	simm.s32 $0x8;
	s19 =	simm.s32 $0x6A00;
	v30 =	vld [tilespmem:s15+$0x2D00];
	v37 =	vmul.bf16 v57, v25;
	v26 =	vmul.bf16 v58, v26;
	v25 =	vadd.bf16 v40, v63  }
.LBB2_9:
0x30c: {  	_ =	sdelay $0x4  }
0x30d: {  	s7 =	sand.u32 $0x3, s9;
	s14 =	sor.u32 s6, s4;
	v43 =	vld.idx.msk [tilespmem:v18+s13+$0x0], $0xffff  }
0x30e: {  	s28 =	sshll.u32 s7, $0x8;
	v50 =	vld [tilespmem:s14+$0x40]  }
0x30f: {  	s6 =	sadd.s32 s23, s28;
	v14 =	vmul.bf16 v27, v14;
	v27 =	vld.idx.msk [tilespmem:v38+s13+$0x0], $0xffff  }
0x310: {  	v26 =	vadd.bf16 v26, v37;
	v11 =	vmul.bf16 v29, v11;
	v29 =	vld [tilespmem:s24+$0x40];
	s12 =	sadd.s32 $0x100, s6;
	v15 =	vmul.bf16 v28, v15  }
0x311: {  	v28 =	vld.idx.msk [tilespmem:v39+s13+$0x0], $0xffff;
	s8 =	sor.u32 $0x400, s12  }
0x312: {  	v13 =	vmul.bf16 v30, v13;
	v14 =	vadd.bf16 v14, v36;
	v49 =	vadd.bf16 v15, v26;
	v15 =	vld [tilespmem:s8+$0x2D00]  }
0x313: {  	s10 =	sor.u32 $0x440, s12;
	v40 =	vadd.bf16 v11, v25;
	v11 =	vld.idx.msk [tilespmem:v41+s13+$0x0], $0xffff  }
0x314: {  	v25 =	vld [tilespmem:s10+$0x2D00];
	v36 =	vpack.i.f32.bf16 v43, v43;
	v13 =	vadd.bf16 v13, v14;
	v37 =	vpack.i.f32.bf16 v27, v27  }
0x315: {  	s25 =	sadd.s32 s3, s4;
	v30 =	vmul.bf16 v42, v36;
	v14 =	vld [tilespmem:s14+$0x0];
	v29 =	vmul.bf16 v29, v37  }
0x316: {  	s11 =	sor.u32 s5, s4;
	s2 =	sadd.s32 s2, s23;
	v51 =	vld [tilespmem:s25+$0x0];
	v38 =	vpack.i.f32.bf16 v28, v28;
	v27 =	vpack.i.f32.bf16 v23, v23;
	v26 =	vunpack.i.u.bf16.f32 v13  }
0x317: {  	s3 =	sadd.s32 $0x180, s2;
	v13 =	vunpack.i.l.bf16.f32 v13;
	[tilespmem:s17+$0xFFFFFF70] =	vst v26;
	v26 =	vld [tilespmem:s11+$0x0];
	v15 =	vmul.bf16 v15, v38;
	v23 =	vadd.bf16 v29, v30  }
0x318: {  	s5 =	sor.u32 $0x400, s3;
	v39 =	vpack.i.f32.bf16 v11, v11;
	[tilespmem:s17+$0xFFFFFF60] =	vst v13;
	v13 =	vld [tilespmem:s11+$0x40]  }
0x319: {  	s18 =	sadd.s32 s0, s23;
	s7 =	sadd.s32 $0x80, s2;
	v53 =	vld [tilespmem:s5+$0x2D00];
	v30 =	vpack.i.f32.bf16 v35, v35;
	v11 =	vadd.bf16 v15, v23;
	v15 =	vmul.bf16 v25, v39  }
0x31a: {  	v24 =	vpack.i.f32.bf16 v24, v24;
	s30 =	sor.u32 $0x400, s18;
	s6 =	sor.u32 $0x400, s7;
	v14 =	vmul.bf16 v14, v27;
	v35 =	vmul.bf16 v50, v30;
	v23 =	vld [tilespmem:s25+$0x40]  }
0x31b: {  	s2 =	smov.u32 s20;
	s20 =	sor.u32 $0x440, s18;
	s21 =	sor.u32 $0x450, s18;
	v52 =	vld [tilespmem:s6+$0x2D00];
	v28 =	vpack.i.f32.bf16 v34, v34;
	v29 =	vpack.i.f32.bf16 v33, v33;
	v15 =	vadd.bf16 v15, v11  }
0x31c: {  	s28 =	sor.u32 $0x410, s18;
	s16 =	sor.u32 $0x420, s7;
	s13 =	sor.u32 $0x440, s7;
	v54 =	vld [tilespmem:s30+$0x2D00];
	v25 =	vpack.i.f32.bf16 v22, v22;
	v35 =	vadd.bf16 v35, v14;
	v22 =	vmul.bf16 v26, v29  }
0x31d: {  	[dreg:$0xf] =	wrdreg s16;
	s10 =	sor.u32 $0x460, s7;
	s17 =	sadd.s32 $0x200, s17;
	v13 =	vmul.bf16 v13, v28;
	v26 =	vpack.i.f32.bf16 v21, v21;
	v21 =	vld [tilespmem:s13+$0x2D00];
	v14 =	vunpack.i.l.bf16.f32 v15  }
0x31e: {  	v59 =	vpack.i.f32.bf16 v16, v16;
	s16 =	sor.u32 $0x420, s18;
	[dreg:$0xb] =	wrdreg s10;
	s10 =	sor.u32 $0x420, s3;
	v44 =	vld [tilespmem:s20+$0x2D00];
	v55 =	vmul.bf16 v51, v25;
	v15 =	vunpack.i.u.bf16.f32 v15;
	[tilespmem:s17+$0x0] =	vst v14  }
0x31f: {  	s6 =	sor.u32 $0x410, s12;
	[dreg:$0x13] =	wrdreg s10;
	s10 =	sor.u32 $0x460, s18;
	v11 =	vpack.i.f32.bf16 v32, v32;
	v13 =	vadd.bf16 v13, v22;
	v22 =	vmul.bf16 v23, v26;
	[tilespmem:s17+$0x10] =	vst v15  }
0x320: {  	s8 =	smov.u32 s31;
	[dreg:$0x12] =	wrdreg s10;
	s10 =	sor.u32 $0x430, s7;
	v33 =	vmul.bf16 v52, v11;
	v15 =	vpack.i.f32.bf16 v19, v19;
	v14 =	vpack.i.f32.bf16 v31, v31;
	v19 =	vld [tilespmem:s24+$0x10]  }
0x321: {  	s31 =	sor.u32 $0x440, s3;
	[dreg:$0x7] =	wrdreg s10;
	s10 =	sor.u32 $0x460, s3;
	v31 =	vmul.bf16 v53, v15;
	v57 =	vmul.bf16 v54, v14;
	v58 =	vld [tilespmem:s24+$0x50];
	v22 =	vadd.bf16 v22, v55  }
0x322: {  	[dreg:$0xd] =	wrdreg s10;
	s10 =	sor.u32 $0x430, s18;
	s18 =	sor.u32 $0x470, s18;
	v23 =	vld [tilespmem:s31+$0x2D00];
	v33 =	vadd.bf16 v33, v13;
	v13 =	vpack.i.f32.bf16 v20, v20;
	v21 =	vmul.bf16 v21, v24  }
0x323: {  	[dreg:$0x5] =	wrdreg s18;
	s18 =	sadd.s32 $0x7B, s1;
	v61 =	vmul.bf16 v44, v13;
	v20 =	vadd.bf16 v57, v35;
	v16 =	vadd.bf16 v31, v22;
	v31 =	vld [tilespmem:s6+$0x2D00]  }
0x324: {  	v62 =	vld [tilespmem:s8+$0x2D00];
	v56 =	vmov s18;
	v21 =	vadd.bf16 v21, v33;
	s6 =	sor.u32 $0x450, s12  }
0x325: {  	v63 =	vld [tilespmem:s6+$0x2D00];
	v20 =	vadd.bf16 v61, v20;
	v19 =	vmul.bf16 v19, v36  }
0x326: {  	s30 =	simm.s32 $0x480;
	v22 =	vld [tilespmem:s2+$0x2D00];
	s2 =	sadd.s32 $0x53, s1;
	v34 =	vmul.bf16 v58, v37;
	v45 =	vunpack.i.u.bf16.f32 v21;
	v21 =	vunpack.i.l.bf16.f32 v21  }
0x327: {  	v35 =	vld.idx.msk [tilespmem:v6+s30+$0x0], $0xffff;
	v23 =	vmul.bf16 v23, v59;
	v60 =	vmov s2;
	[tilespmem:s17+$0xFFFFFF80] =	vst v21  }
0x328: {  	s13 =	simm.s32 $0x300;
	v6 =	vmovc v12;
	v12 =	vunpack.i.u.bf16.f32 v20;
	[tilespmem:s17+$0xFFFFFF90] =	vst v45;
	v21 =	vadd.bf16 v34, v19;
	v31 =	vmul.bf16 v31, v38  }
0x329: {  	v23 =	vadd.bf16 v23, v16;
	v16 =	vld.idx.msk [tilespmem:v56+s13+$0x0], $0xffff;
	v20 =	vunpack.i.l.bf16.f32 v20;
	[tilespmem:s17+$0xFFFFFF10] =	vst v12  }
0x32a: {  	[tilespmem:s17+$0xFFFFFF00] =	vst v20;
	v48 =	vld [tilespmem:s11+$0x50];
	v20 =	vadd.bf16 v31, v21;
	v21 =	vmul.bf16 v63, v39  }
0x32b: {  	v12 =	vunpack.i.l.bf16.f32 v23;
	v22 =	vmul.bf16 v22, v9;
	v9 =	vmov v24;
	v24 =	vld [tilespmem:s14+$0x10]  }
0x32c: {  	v46 =	vunpack.i.u.bf16.f32 v23;
	v23 =	vmul.bf16 v62, v10;
	v19 =	vld.idx.msk [tilespmem:v60+s13+$0x0], $0xffff;
	[tilespmem:s17+$0x80] =	vst v12;
	v20 =	vadd.bf16 v21, v20  }
0x32d: {  	[tilespmem:s17+$0x90] =	vst v46;
	v31 =	vld [tilespmem:s14+$0x50]  }
0x32e: {  	v22 =	vadd.bf16 v22, v40;
	v12 =	vadd.bf16 v23, v49;
	v50 =	vld [tilespmem:s25+$0x10];
	v49 =	vunpack.i.l.bf16.f32 v20  }
0x32f: {  	v21 =	vld [tilespmem:s11+$0x10];
	v20 =	vunpack.i.u.bf16.f32 v20;
	[tilespmem:s17+$0x20] =	vst v49  }
0x330: {  	v23 =	vunpack.i.u.bf16.f32 v22;
	v22 =	vunpack.i.l.bf16.f32 v22;
	[tilespmem:s17+$0x30] =	vst v20;
	v20 =	vld [tilespmem:s25+$0x50]  }
0x331: {  	[tilespmem:s19+$0xFFFFFFE0] =	vst v22;
	v22 =	vunpack.i.u.bf16.f32 v12;
	v51 =	vld [tilespmem:s24+$0x20]  }
0x332: {  	s22 =	sor.u32 $0x410, s7;
	s15 =	sor.u32 $0x450, s7;
	s7 =	sor.u32 $0x470, s7;
	v12 =	vunpack.i.l.bf16.f32 v12;
	v24 =	vmul.bf16 v24, v27;
	[tilespmem:s19+$0xFFFFFFF0] =	vst v23;
	v31 =	vmul.bf16 v31, v30;
	v23 =	vld [tilespmem:s24+$0x60]  }
0x333: {  	s20 =	smov.u32 s7;
	s7 =	sor.u32 $0x420, s12;
	[tilespmem:s19+$0xE0] =	vst v12;
	v12 =	vld [tilespmem:s28+$0x2D00]  }
0x334: {  	s2 =	sor.u32 $0x460, s12;
	[tilespmem:s19+$0xF0] =	vst v22;
	v22 =	vld [tilespmem:s7+$0x2D00];
	v21 =	vmul.bf16 v21, v29;
	v24 =	vadd.bf16 v31, v24;
	v31 =	vmul.bf16 v48, v28  }
0x335: {  	s8 =	sadd.s32 $0x78, s1;
	v53 =	vmov s1;
	v56 =	vld [tilespmem:s2+$0x2D00]  }
0x336: {  	v54 =	vmov s8;
	v33 =	vand.u32 $0xFFFFFFFC, v53;
	v21 =	vadd.bf16 v31, v21;
	v31 =	vld [tilespmem:s22+$0x2D00]  }
0x337: {  	s0 =	sor.u32 $0x410, s3;
	v60 =	vld [tilespmem:s21+$0x2D00];
	v40 =	vand.u32 $0xFFFFFFFC, v54;
	s28 =	sadd.s32 $0x3, s1;
	v34 =	vmul.bf16 v51, v36;
	v23 =	vmul.bf16 v23, v37  }
0x338: {  	v10 =	vmovc v59;
	v40 =	vbroadcast v40, $0x0;
	v55 =	vmov s28;
	v57 =	vld [tilespmem:s0+$0x2D00];
	v59 =	vmul.bf16 v12, v14  }
0x339: {  	s5 =	sadd.s32 $0x2B, s1;
	s18 =	simm.s32 $0x7D00;
	v61 =	vld [tilespmem:s15+$0x2D00];
	v12 =	vbroadcast v33, $0x0;
	v22 =	vmul.bf16 v22, v38;
	v23 =	vadd.bf16 v23, v34  }
0x33a: {  	v58 =	vmov s5;
	v52 =	vmul.bf16 v50, v25;
	[tilespmem:v35+s18+$0x0] =	vst.idx.add.f32.msk $0x1, v4;
	v20 =	vmul.bf16 v20, v26  }
0x33b: {  	v32 =	vld.idx.msk [tilespmem:v5+s30+$0x0], $0xffff;
	v62 =	vmul.bf16 v31, v11;
	v22 =	vadd.bf16 v22, v23;
	v23 =	vmul.bf16 v56, v39  }
0x33c: {  	s4 =	sor.u32 $0x450, s3;
	v47 =	vmul.bf16 v60, v13;
	v20 =	vadd.bf16 v20, v52;
	v24 =	vadd.bf16 v59, v24;
	v31 =	vld.idx.msk [tilespmem:v7+s30+$0x0], $0xffff  }
0x33d: {  	v63 =	vld [tilespmem:s4+$0x2D00];
	v7 =	vmovc v17;
	v17 =	vadd.bf16 v62, v21;
	v21 =	vmul.bf16 v57, v15;
	v42 =	vadd.bf16 v23, v22  }
0x33e: {  	v22 =	vld.idx.msk [tilespmem:v55+s13+$0x0], $0xffff  }
0x33f: {  	v24 =	vadd.bf16 v47, v24;
	v23 =	vld.idx.msk [tilespmem:v12+s13+$0x0], $0xffff;
	v49 =	vadd.bf16 v21, v20;
	v20 =	vunpack.i.l.bf16.f32 v42  }
0x340: {  	v48 =	vmul.bf16 v61, v9;
	v21 =	vld.idx.msk [tilespmem:v58+s13+$0x0], $0xffff;
	v51 =	vunpack.i.u.bf16.f32 v42;
	[tilespmem:s17+$0x40] =	vst v20  }
0x341: {  	v52 =	vunpack.i.u.bf16.f32 v24;
	v24 =	vunpack.i.l.bf16.f32 v24;
	v20 =	vld.idx.msk [tilespmem:v40+s13+$0x0], $0xffff;
	[tilespmem:s17+$0x50] =	vst v51  }
0x342: {  	v17 =	vadd.bf16 v48, v17;
	[tilespmem:s17+$0xFFFFFF20] =	vst v24;
	v34 =	vld [tilespmem:s24+$0x30]  }
0x343: {  	[tilespmem:s17+$0xFFFFFF30] =	vst v52;
	v53 =	vld [tilespmem:s24+$0x70]  }
0x344: {  	s6 =	sor.u32 $0x430, s12;
	v5 =	vmovc v8;
	v8 =	vmovc v55;
	v50 =	vmul.bf16 v63, v10;
	v24 =	vunpack.i.u.bf16.f32 v17;
	v17 =	vunpack.i.l.bf16.f32 v17;
	v55 =	vld [tilespmem:s14+$0x20]  }
0x345: {  	[tilespmem:s17+$0xFFFFFFA0] =	vst v17;
	v17 =	vld [tilespmem:s6+$0x2D00]  }
0x346: {  	s21 =	sor.u32 $0x470, s12;
	v33 =	vadd.bf16 v50, v49;
	v56 =	vld [tilespmem:s14+$0x60]  }
0x347: {  	v59 =	vld [tilespmem:s21+$0x2D00]  }
0x348: {  	s7 =	sadd.s32 $0x79, s1;
	[tilespmem:s17+$0xFFFFFFB0] =	vst v24;
	v47 =	vld [tilespmem:s16+$0x2D00];
	v54 =	vunpack.i.u.bf16.f32 v33;
	v33 =	vunpack.i.l.bf16.f32 v33  }
0x349: {  	s8 =	sadd.s32 $0x50, s1;
	s22 =	sadd.s32 $0x28, s1;
	v24 =	vmov s7;
	v61 =	vld [tilespmem:s11+$0x20];
	[tilespmem:s17+$0xA0] =	vst v33  }
0x34a: {  	[dreg:$0x9] =	wrdreg s10;
	s28 =	sadd.s32 $0x29, s1;
	v60 =	vmov s22;
	v57 =	vmov s8;
	v48 =	vld [tilespmem:s11+$0x60];
	v24 =	vand.u32 $0xFFFFFFFD, v24;
	[tilespmem:s17+$0xB0] =	vst v54  }
0x34b: {  	s10 =	sor.u32 $0x430, s3;
	s3 =	sor.u32 $0x470, s3;
	s15 =	sadd.s32 $0x51, s1;
	v63 =	vmov s28;
	v33 =	vand.u32 $0xFFFFFFFC, v57;
	v24 =	vbroadcast v24, $0x0;
	v49 =	vld [tilespmem:s25+$0x20]  }
0x34c: {  	s31 =	smov.u32 s3;
	s3 =	rddreg [dreg:$0x13];
	v58 =	vmov s15;
	v51 =	vld [tilespmem:s25+$0x60];
	v33 =	vbroadcast v33, $0x0;
	v34 =	vmul.bf16 v34, v36  }
0x34d: {  	s4 =	rddreg [dreg:$0x12];
	v50 =	vand.u32 $0xFFFFFFFD, v58;
	s24 =	sadd.s32 $0x1, s1;
	v58 =	vld [tilespmem:s3+$0x2D00];
	v35 =	vmul.bf16 v53, v37;
	v41 =	vmul.bf16 v55, v27  }
0x34e: {  	s6 =	rddreg [dreg:$0xd];
	v62 =	vmov s24;
	v17 =	vmul.bf16 v17, v38;
	v52 =	vmul.bf16 v59, v39;
	v59 =	vld [tilespmem:s4+$0x2D00]  }
0x34f: {  	v42 =	vmul.bf16 v56, v30;
	v53 =	vand.u32 $0xFFFFFFFC, v60;
	v36 =	vand.u32 $0xFFFFFFFD, v62;
	v62 =	vld [tilespmem:s6+$0x2D00]  }
0x350: {  	s2 =	rddreg [dreg:$0xf];
	v37 =	vand.u32 $0xFFFFFFFD, v63;
	v38 =	vbroadcast v50, $0x0;
	v47 =	vmul.bf16 v47, v14;
	[tilespmem:v32+s18+$0x0] =	vst.idx.add.f32.msk $0x1, v4  }
0x351: {  	s5 =	rddreg [dreg:$0xb];
	v56 =	vld [tilespmem:s2+$0x2D00];
	v55 =	vmul.bf16 v61, v29;
	v57 =	vmul.bf16 v48, v28;
	v34 =	vadd.bf16 v35, v34  }
0x352: {  	v60 =	vld [tilespmem:s5+$0x2D00];
	v54 =	vadd.bf16 v42, v41;
	v35 =	vmul.bf16 v49, v25;
	v43 =	vmul.bf16 v51, v26  }
0x353: {  	v39 =	vbroadcast v53, $0x0;
	v41 =	vadd.bf16 v57, v55;
	v24 =	vld.idx.msk [tilespmem:v24+s13+$0x0], $0xffff;
	v17 =	vadd.bf16 v17, v34  }
0x354: {  	v37 =	vbroadcast v37, $0x0;
	[tilespmem:v31+s18+$0x0] =	vst.idx.add.f32.msk $0x1, v4;
	v34 =	vmul.bf16 v58, v15;
	v35 =	vadd.bf16 v43, v35  }
0x355: {  	v63 =	vadd.bf16 v47, v54;
	v45 =	vmul.bf16 v59, v13;
	v17 =	vadd.bf16 v52, v17  }
0x356: {  	v42 =	vmul.bf16 v56, v11;
	v49 =	vmul.bf16 v62, v10;
	v34 =	vadd.bf16 v34, v35  }
0x357: {  	v31 =	vld.idx.msk [tilespmem:v33+s13+$0x0], $0xffff;
	v48 =	vadd.bf16 v45, v63;
	v61 =	vunpack.i.l.bf16.f32 v17;
	v17 =	vunpack.i.u.bf16.f32 v17  }
0x358: {  	v47 =	vmul.bf16 v60, v9;
	v32 =	vld.idx.msk [tilespmem:v38+s13+$0x0], $0xffff;
	[tilespmem:s17+$0x70] =	vst v17;
	v17 =	vbroadcast v36, $0x0  }
0x359: {  	v41 =	vadd.bf16 v42, v41;
	v35 =	vld.idx.msk [tilespmem:v39+s13+$0x0], $0xffff;
	[tilespmem:s17+$0x60] =	vst v61;
	v40 =	vunpack.i.l.bf16.f32 v48;
	v36 =	vadd.bf16 v49, v34  }
0x35a: {  	v51 =	vunpack.i.u.bf16.f32 v48;
	v34 =	vld.idx.msk [tilespmem:v37+s13+$0x0], $0xffff;
	[tilespmem:s17+$0xFFFFFF40] =	vst v40  }
0x35b: {  	v50 =	vadd.bf16 v47, v41;
	v18 =	vld.idx.msk [tilespmem:v18+s30+$0x0], $0xffff;
	[tilespmem:s17+$0xFFFFFF50] =	vst v51;
	v53 =	vunpack.i.u.bf16.f32 v36;
	v36 =	vunpack.i.l.bf16.f32 v36  }
0x35c: {  	v39 =	vld [tilespmem:s14+$0x30];
	[tilespmem:s17+$0xC0] =	vst v36  }
0x35d: {  	v38 =	vunpack.i.l.bf16.f32 v50;
	v54 =	vld [tilespmem:s14+$0x70];
	[tilespmem:s17+$0xD0] =	vst v53  }
0x35e: {  	p2 =	slt.u32 s1, $0x24;
	v52 =	vunpack.i.u.bf16.f32 v50;
	v33 =	vld.idx.msk [tilespmem:v17+s13+$0x0], $0xffff;
	[tilespmem:s17+$0xFFFFFFC0] =	vst v38  }
0x35f: {  	p1 =	por !p1, !p1;
	s29 =	sadd.s32 $0x4, s29;
	s26 =	sadd.s32 $0x200, s26;
	v57 =	vld [tilespmem:s25+$0x30];
	[tilespmem:s17+$0xFFFFFFD0] =	vst v52  }
0x360: {  	s9 =	sadd.s32 $0x2, s9;
	s23 =	sadd.s32 $0x400, s23;
	s12 =	sadd.s32 $0x52, s1;
	v40 =	vld [tilespmem:s11+$0x30]  }
0x361: {  	s28 =	rddreg [dreg:$0x5];
	s8 =	sadd.s32 $0x2A, s1;
	s14 =	sadd.s32 $0x7A, s1;
	v55 =	vld [tilespmem:s11+$0x70]  }
0x362: {  	s19 =	smov.u32 s17;
	s22 =	sadd.s32 $0x100, s26;
	s15 =	rddreg [dreg:$0x9];
	v56 =	vmov s8;
	v61 =	vmov s14;
	v59 =	vld [tilespmem:s25+$0x70]  }
0x363: {  	s7 =	sadd.s32 $0x2, s1;
	s16 =	sand.u32 $0x3800, s23;
	s21 =	sadd.s32 $0x80, s26;
	v62 =	vand.u32 $0xFFFFFFFE, v61;
	v58 =	vmul.bf16 v39, v27;
	v30 =	vmul.bf16 v54, v30;
	v27 =	vld [tilespmem:s15+$0x2D00]  }
.Ltmp5:
0x364: {  	s24 =	rddreg [dreg:$0x7];
	s2 =	simm.s32 $0x1;
	v60 =	vmov s12;
	v37 =	vand.u32 $0xFFFFFFFE, v56;
	v41 =	vbroadcast v62, $0x0;
	[tilespmem:v18+s18+$0x0] =	vst.idx.add.f32.msk $0x1, v4;
	(pc) =	sbr.rel @p2 .LBB2_9-.Ltmp5, $4  }
0x365: {  	s3 =	sand.u32 $0x300, s22;
	s4 =	sadd.s32 $0x2D00, s16;
	s2 =	simm.s32 @!p1 $0x0;
	v38 =	vbroadcast v37, $0x0;
	v37 =	vand.u32 $0xFFFFFFFE, v60;
	v36 =	vadd.bf16 v30, v58;
	v30 =	vld [tilespmem:s28+$0x2D00]  }
0x366: {  	s5 =	sand.u32 $0x280, s21;
	s6 =	sand.u32 $0x200, s26;
	s0 =	sshll.u32 s2, $0x9;
	v18 =	vmov s7;
	v40 =	vmul.bf16 v40, v29;
	v29 =	vld [tilespmem:s24+$0x2D00];
	v63 =	vmul.bf16 v55, v28  }
0x367: {  	s25 =	sadd.s32 $0x180, s26;
	s11 =	sand.u32 $0x7, s29;
	v39 =	vbroadcast v37, $0x0;
	v37 =	vmul.bf16 v57, v25;
	v18 =	vand.u32 $0xFFFFFFFE, v18;
	v28 =	vld [tilespmem:s10+$0x2D00];
	s24 =	sadd.s32 s3, s4  }
0x368: {  	s1 =	sadd.s32 $0x4, s1;
	s2 =	sshll.u32 s11, $0x7;
	v26 =	vmul.bf16 v59, v26;
	v18 =	vbroadcast v18, $0x0;
	s3 =	sand.u32 $0x380, s25;
	v42 =	vld [tilespmem:s24+$0x0];
	v25 =	vadd.bf16 v63, v40  }
0x369: {  	_ =	sdelay $0x3  }
0x36a: {  	v38 =	vld.idx.msk [tilespmem:v38+s13+$0x0], $0xffff  }
0x36b: {  	v43 =	vld [tilespmem:s24+$0x40]  }
0x36c: {  	s1 =	sand.u32 $0x3, s9;
	v44 =	vld.idx.msk [tilespmem:v39+s13+$0x0], $0xffff  }
0x36d: {  	v41 =	vld.idx.msk [tilespmem:v41+s13+$0x0], $0xffff;
	s1 =	sshll.u32 s1, $0x8  }
0x36e: {  	s9 =	sor.u32 s6, s4;
	v40 =	vld.idx.msk [tilespmem:v18+s13+$0x0], $0xffff;
	s1 =	sadd.s32 s23, s1  }
0x36f: {  	v46 =	vld [tilespmem:s9+$0x0];
	s10 =	sadd.s32 $0x100, s1  }
0x370: {  	v48 =	vld [tilespmem:s9+$0x40];
	s1 =	sor.u32 $0x400, s10  }
0x371: {  	s7 =	sor.u32 s5, s4;
	v45 =	vld [tilespmem:s1+$0x2D00]  }
0x372: {  	v49 =	vld [tilespmem:s7+$0x0];
	s28 =	sor.u32 $0x440, s10  }
0x373: {  	v47 =	vld [tilespmem:s28+$0x2D00];
	v39 =	vpack.i.f32.bf16 v40, v40;
	v40 =	vpack.i.f32.bf16 v38, v38  }
0x374: {  	s8 =	sadd.s32 s3, s4;
	s0 =	sadd.s32 s0, s23;
	v23 =	vpack.i.f32.bf16 v23, v23;
	v60 =	vld [tilespmem:s7+$0x40];
	v42 =	vmul.bf16 v42, v39;
	v43 =	vmul.bf16 v43, v40  }
0x375: {  	s29 =	sadd.s32 s2, s23;
	v35 =	vpack.i.f32.bf16 v35, v35;
	v33 =	vpack.i.f32.bf16 v33, v33;
	s5 =	sor.u32 $0x400, s0;
	v62 =	vld [tilespmem:s8+$0x0];
	v38 =	vpack.i.f32.bf16 v44, v44  }
0x376: {  	v22 =	vpack.i.f32.bf16 v22, v22;
	s2 =	sadd.s32 $0x80, s29;
	s11 =	sor.u32 $0x440, s0;
	v50 =	vld [tilespmem:s5+$0x2D00];
	v42 =	vadd.bf16 v43, v42;
	v61 =	vmul.bf16 v45, v38  }
0x377: {  	v34 =	vpack.i.f32.bf16 v34, v34;
	v21 =	vpack.i.f32.bf16 v21, v21;
	s6 =	sor.u32 $0x400, s2;
	v51 =	vld [tilespmem:s11+$0x2D00];
	v41 =	vpack.i.f32.bf16 v41, v41  }
0x378: {  	v57 =	vld [tilespmem:s6+$0x2D00];
	v46 =	vmul.bf16 v46, v23;
	v63 =	vmul.bf16 v47, v41;
	v42 =	vadd.bf16 v61, v42  }
0x379: {  	v20 =	vpack.i.f32.bf16 v20, v20;
	v52 =	vld [tilespmem:s8+$0x40];
	s12 =	sor.u32 $0x440, s2;
	v56 =	vmul.bf16 v48, v35;
	v49 =	vmul.bf16 v49, v33  }
0x37a: {  	v58 =	vld [tilespmem:s12+$0x2D00];
	v44 =	vmul.bf16 v60, v34;
	v43 =	vadd.bf16 v63, v42;
	v42 =	vpack.i.f32.bf16 v31, v31  }
0x37b: {  	v24 =	vpack.i.f32.bf16 v24, v24;
	s4 =	sadd.s32 $0x180, s29;
	v46 =	vadd.bf16 v56, v46;
	v50 =	vmul.bf16 v50, v42  }
0x37c: {  	s1 =	sor.u32 $0x400, s4;
	v60 =	vmul.bf16 v51, v20;
	v44 =	vadd.bf16 v44, v49;
	v31 =	vpack.i.f32.bf16 v32, v32  }
0x37d: {  	v53 =	vld [tilespmem:s1+$0x2D00];
	s1 =	sadd.s32 $0x200, s17;
	v48 =	vmul.bf16 v57, v31;
	v59 =	vunpack.i.l.bf16.f32 v43;
	v46 =	vadd.bf16 v50, v46  }
0x37e: {  	s14 =	sor.u32 $0x440, s4;
	v45 =	vmul.bf16 v62, v22;
	v61 =	vmul.bf16 v52, v21;
	v43 =	vunpack.i.u.bf16.f32 v43;
	[tilespmem:s1+$0x0] =	vst v59  }
0x37f: {  	v62 =	vld [tilespmem:s14+$0x2D00];
	v52 =	vmul.bf16 v58, v24;
	[tilespmem:s1+$0x10] =	vst v43;
	v63 =	vadd.bf16 v48, v44;
	v46 =	vadd.bf16 v60, v46  }
0x380: {  	v54 =	vld [tilespmem:s24+$0x10]  }
0x381: {  	v19 =	vpack.i.f32.bf16 v19, v19;
	s15 =	sor.u32 $0x410, s10;
	v56 =	vld [tilespmem:s24+$0x50];
	v43 =	vadd.bf16 v52, v63;
	v57 =	vunpack.i.u.bf16.f32 v46  }
0x382: {  	s16 =	sor.u32 $0x450, s10;
	v55 =	vmul.bf16 v53, v19;
	v32 =	vadd.bf16 v61, v45;
	v58 =	vld [tilespmem:s15+$0x2D00];
	v46 =	vunpack.i.l.bf16.f32 v46;
	[tilespmem:s1+$0xFFFFFF10] =	vst v57  }
0x383: {  	v16 =	vpack.i.f32.bf16 v16, v16;
	v60 =	vld [tilespmem:s16+$0x2D00];
	v61 =	vunpack.i.l.bf16.f32 v43;
	[tilespmem:s1+$0xFFFFFF00] =	vst v46  }
0x384: {  	v32 =	vadd.bf16 v55, v32;
	v59 =	vmul.bf16 v62, v16;
	v43 =	vunpack.i.u.bf16.f32 v43;
	[tilespmem:s1+$0xFFFFFF80] =	vst v61;
	v46 =	vld [tilespmem:s9+$0x10]  }
0x385: {  	[tilespmem:s1+$0xFFFFFF90] =	vst v43;
	v62 =	vld [tilespmem:s9+$0x50]  }
0x386: {  	s21 =	sor.u32 $0x410, s0;
	v32 =	vadd.bf16 v59, v32;
	v63 =	vld [tilespmem:s7+$0x10]  }
0x387: {  	v47 =	vmul.bf16 v54, v39;
	v48 =	vmul.bf16 v56, v40;
	v51 =	vld [tilespmem:s21+$0x2D00]  }
0x388: {  	s22 =	sor.u32 $0x410, s2;
	v55 =	vunpack.i.l.bf16.f32 v32;
	v56 =	vld [tilespmem:s7+$0x50]  }
0x389: {  	s23 =	sor.u32 $0x450, s0;
	v32 =	vunpack.i.u.bf16.f32 v32;
	[tilespmem:s1+$0x80] =	vst v55;
	v57 =	vmul.bf16 v58, v38;
	v58 =	vld [tilespmem:s22+$0x2D00];
	v47 =	vadd.bf16 v48, v47  }
0x38a: {  	[tilespmem:s1+$0x90] =	vst v32;
	v45 =	vmul.bf16 v60, v41;
	v60 =	vld [tilespmem:s23+$0x2D00]  }
0x38b: {  	v59 =	vld [tilespmem:s8+$0x10];
	v47 =	vadd.bf16 v57, v47;
	v46 =	vmul.bf16 v46, v23;
	v43 =	vmul.bf16 v62, v35  }
0x38c: {  	s25 =	sor.u32 $0x450, s2;
	v61 =	vld [tilespmem:s8+$0x50]  }
0x38d: {  	v62 =	vld [tilespmem:s25+$0x2D00];
	v55 =	vmul.bf16 v51, v42;
	v45 =	vadd.bf16 v45, v47;
	v43 =	vadd.bf16 v43, v46  }
0x38e: {  	s26 =	sor.u32 $0x410, s4;
	v44 =	vmul.bf16 v63, v33;
	v63 =	vmul.bf16 v56, v34  }
0x38f: {  	v54 =	vld [tilespmem:s26+$0x2D00];
	v48 =	vmul.bf16 v60, v20;
	v56 =	vunpack.i.l.bf16.f32 v45;
	v43 =	vadd.bf16 v55, v43  }
0x390: {  	s28 =	sor.u32 $0x450, s4;
	v32 =	vmul.bf16 v58, v31;
	v44 =	vadd.bf16 v63, v44;
	v45 =	vunpack.i.u.bf16.f32 v45;
	[tilespmem:s1+$0x20] =	vst v56  }
0x391: {  	v57 =	vld [tilespmem:s28+$0x2D00];
	v49 =	vmul.bf16 v59, v22;
	v58 =	vmul.bf16 v61, v21;
	[tilespmem:s1+$0x30] =	vst v45;
	v43 =	vadd.bf16 v48, v43  }
0x392: {  	v32 =	vadd.bf16 v32, v44;
	v59 =	vmul.bf16 v62, v24;
	v45 =	vld [tilespmem:s24+$0x20]  }
0x393: {  	s29 =	sor.u32 $0x420, s10;
	v60 =	vadd.bf16 v58, v49;
	v61 =	vld [tilespmem:s24+$0x60];
	v62 =	vunpack.i.l.bf16.f32 v43  }
0x394: {  	s5 =	sor.u32 $0x460, s10;
	v46 =	vmul.bf16 v54, v19;
	v63 =	vld [tilespmem:s29+$0x2D00];
	v32 =	vadd.bf16 v59, v32;
	v43 =	vunpack.i.u.bf16.f32 v43;
	[tilespmem:s1+$0xFFFFFF20] =	vst v62  }
0x395: {  	v54 =	vld [tilespmem:s5+$0x2D00];
	[tilespmem:s1+$0xFFFFFF30] =	vst v43  }
0x396: {  	v46 =	vadd.bf16 v46, v60;
	v47 =	vmul.bf16 v57, v16;
	v55 =	vunpack.i.l.bf16.f32 v32;
	v57 =	vld [tilespmem:s9+$0x20]  }
0x397: {  	s6 =	sor.u32 $0x420, s0;
	v32 =	vunpack.i.u.bf16.f32 v32;
	[tilespmem:s1+$0xFFFFFFA0] =	vst v55;
	v58 =	vld [tilespmem:s9+$0x60]  }
0x398: {  	v56 =	vadd.bf16 v47, v46;
	[tilespmem:s1+$0xFFFFFFB0] =	vst v32;
	v60 =	vld [tilespmem:s6+$0x2D00]  }
0x399: {  	v45 =	vmul.bf16 v45, v39;
	v49 =	vmul.bf16 v61, v40;
	v48 =	vld [tilespmem:s7+$0x20]  }
0x39a: {  	s11 =	sor.u32 $0x420, s2;
	v47 =	vunpack.i.l.bf16.f32 v56;
	v59 =	vld [tilespmem:s7+$0x60]  }
0x39b: {  	s12 =	sor.u32 $0x460, s0;
	v43 =	vunpack.i.u.bf16.f32 v56;
	[tilespmem:s1+$0xA0] =	vst v47;
	v61 =	vmul.bf16 v63, v38;
	v62 =	vld [tilespmem:s11+$0x2D00];
	v45 =	vadd.bf16 v49, v45  }
0x39c: {  	[tilespmem:s1+$0xB0] =	vst v43;
	v44 =	vmul.bf16 v54, v41;
	v56 =	vld [tilespmem:s12+$0x2D00]  }
0x39d: {  	v51 =	vld [tilespmem:s8+$0x20];
	v45 =	vadd.bf16 v61, v45;
	v46 =	vmul.bf16 v57, v23;
	v32 =	vmul.bf16 v58, v35  }
0x39e: {  	s15 =	sor.u32 $0x460, s2;
	v63 =	vld [tilespmem:s8+$0x60];
	v43 =	vmul.bf16 v60, v42  }
0x39f: {  	s14 =	sor.u32 $0x420, s4;
	v58 =	vld [tilespmem:s15+$0x2D00];
	v48 =	vmul.bf16 v48, v33;
	v44 =	vadd.bf16 v44, v45;
	v32 =	vadd.bf16 v32, v46  }
0x3a0: {  	s16 =	sor.u32 $0x460, s4;
	v57 =	vld [tilespmem:s14+$0x2D00];
	v47 =	vmul.bf16 v59, v34;
	v50 =	vmul.bf16 v62, v31  }
0x3a1: {  	v60 =	vld [tilespmem:s16+$0x2D00];
	v62 =	vmul.bf16 v56, v20;
	v61 =	vunpack.i.l.bf16.f32 v44;
	v32 =	vadd.bf16 v43, v32  }
0x3a2: {  	v53 =	vld [tilespmem:s20+$0x2D00];
	v59 =	vadd.bf16 v47, v48;
	v44 =	vunpack.i.u.bf16.f32 v44;
	[tilespmem:s1+$0x40] =	vst v61  }
0x3a3: {  	v54 =	vld [tilespmem:s31+$0x2D00];
	v51 =	vmul.bf16 v51, v22;
	v52 =	vmul.bf16 v63, v21;
	[tilespmem:s1+$0x50] =	vst v44;
	v32 =	vadd.bf16 v62, v32  }
0x3a4: {  	v14 =	vmul.bf16 v27, v14;
	v55 =	vadd.bf16 v50, v59;
	v45 =	vmul.bf16 v58, v24;
	v56 =	vld [tilespmem:s24+$0x30]  }
0x3a5: {  	s20 =	sor.u32 $0x430, s10;
	v63 =	vadd.bf16 v52, v51;
	v49 =	vmul.bf16 v57, v19;
	v58 =	vld [tilespmem:s24+$0x70];
	v59 =	vunpack.i.l.bf16.f32 v32  }
0x3a6: {  	s21 =	sor.u32 $0x470, s10;
	v47 =	vmul.bf16 v60, v16;
	v60 =	vld [tilespmem:s20+$0x2D00];
	v44 =	vadd.bf16 v45, v55;
	v32 =	vunpack.i.u.bf16.f32 v32;
	[tilespmem:s1+$0xFFFFFF40] =	vst v59  }
0x3a7: {  	v26 =	vadd.bf16 v26, v37;
	v13 =	vmul.bf16 v30, v13;
	v57 =	vadd.bf16 v49, v63;
	v45 =	vld [tilespmem:s21+$0x2D00];
	[tilespmem:s1+$0xFFFFFF50] =	vst v32  }
0x3a8: {  	v11 =	vmul.bf16 v29, v11;
	v62 =	vunpack.i.l.bf16.f32 v44;
	v63 =	vunpack.i.u.bf16.f32 v44;
	v44 =	vld [tilespmem:s9+$0x30]  }
0x3a9: {  	v14 =	vadd.bf16 v14, v36;
	v15 =	vmul.bf16 v28, v15;
	s22 =	sor.u32 $0x430, s0;
	v61 =	vadd.bf16 v47, v57;
	v32 =	vld [tilespmem:s9+$0x70]  }
0x3aa: {  	v11 =	vadd.bf16 v11, v25;
	v9 =	vmul.bf16 v53, v9;
	s0 =	sor.u32 $0x470, s0;
	[tilespmem:s1+$0xFFFFFFC0] =	vst v62;
	v53 =	vmul.bf16 v56, v39;
	v56 =	vld [tilespmem:s22+$0x2D00]  }
0x3ab: {  	v13 =	vadd.bf16 v13, v14;
	[tilespmem:s1+$0xFFFFFFD0] =	vst v63;
	v59 =	vmul.bf16 v60, v38;
	v60 =	vld [tilespmem:s0+$0x2D00];
	v46 =	vunpack.i.l.bf16.f32 v61  }
0x3ac: {  	v15 =	vadd.bf16 v15, v26;
	v10 =	vmul.bf16 v54, v10;
	v27 =	vunpack.i.u.bf16.f32 v61;
	v47 =	vld [tilespmem:s7+$0x30];
	[tilespmem:s1+$0xC0] =	vst v46  }
0x3ad: {  	v9 =	vadd.bf16 v9, v11;
	v50 =	vld [tilespmem:s7+$0x70];
	[tilespmem:s1+$0xD0] =	vst v27  }
0x3ae: {  	v10 =	vadd.bf16 v10, v15;
	v55 =	vunpack.i.u.bf16.f32 v13;
	v54 =	vmul.bf16 v58, v40;
	v52 =	vld [tilespmem:s8+$0x30]  }
0x3af: {  	s23 =	sor.u32 $0x430, s2;
	v13 =	vunpack.i.l.bf16.f32 v13;
	v58 =	vunpack.i.u.bf16.f32 v9;
	v9 =	vunpack.i.l.bf16.f32 v9;
	v25 =	vld [tilespmem:s8+$0x70]  }
0x3b0: {  	s25 =	sor.u32 $0x470, s2;
	v57 =	vld [tilespmem:s23+$0x2D00];
	v61 =	vunpack.i.u.bf16.f32 v10;
	v11 =	vadd.bf16 v54, v53;
	v62 =	vmul.bf16 v45, v41  }
0x3b1: {  	s24 =	sor.u32 $0x430, s4;
	v10 =	vunpack.i.l.bf16.f32 v10;
	v46 =	vld [tilespmem:s25+$0x2D00];
	v23 =	vmul.bf16 v44, v23;
	v45 =	vmul.bf16 v32, v35  }
0x3b2: {  	s26 =	sor.u32 $0x470, s4;
	[tilespmem:s17+$0xFFFFFF70] =	vst v55;
	v63 =	vld [tilespmem:s24+$0x2D00];
	v11 =	vadd.bf16 v59, v11;
	v20 =	vmul.bf16 v60, v20;
	v47 =	vmul.bf16 v47, v33  }
0x3b3: {  	[tilespmem:s17+$0xFFFFFF60] =	vst v13;
	v51 =	vld [tilespmem:s26+$0x2D00];
	v48 =	vmul.bf16 v50, v34;
	v50 =	vmul.bf16 v56, v42;
	v49 =	vadd.bf16 v45, v23  }
0x3b4: {  	[tilespmem:s19+$0xFFFFFFE0] =	vst v9;
	v11 =	vadd.bf16 v62, v11;
	v52 =	vmul.bf16 v52, v22;
	v21 =	vmul.bf16 v25, v21  }
0x3b5: {  	[tilespmem:s19+$0xFFFFFFF0] =	vst v58;
	v15 =	vmul.bf16 v57, v31;
	v53 =	vadd.bf16 v48, v47;
	v13 =	vadd.bf16 v50, v49  }
0x3b6: {  	[tilespmem:s19+$0xE0] =	vst v10;
	v55 =	vmul.bf16 v46, v24;
	v54 =	vunpack.i.l.bf16.f32 v11;
	v9 =	vadd.bf16 v21, v52  }
0x3b7: {  	[tilespmem:s19+$0xF0] =	vst v61;
	v19 =	vmul.bf16 v63, v19;
	v14 =	vadd.bf16 v15, v53;
	v13 =	vadd.bf16 v20, v13  }
0x3b8: {  	v11 =	vunpack.i.u.bf16.f32 v11;
	v57 =	vmul.bf16 v51, v16;
	[tilespmem:s1+$0x60] =	vst v54  }
0x3b9: {  	[tilespmem:s1+$0x70] =	vst v11;
	v9 =	vadd.bf16 v19, v9;
	v14 =	vadd.bf16 v55, v14;
	v56 =	vunpack.i.u.bf16.f32 v13  }
0x3ba: {  	v6 =	vld.idx.msk [tilespmem:v6+s30+$0x0], $0xffff;
	v13 =	vunpack.i.l.bf16.f32 v13;
	[tilespmem:s1+$0xFFFFFF70] =	vst v56  }
0x3bb: {  	v7 =	vld.idx.msk [tilespmem:v7+s30+$0x0], $0xffff;
	[tilespmem:s1+$0xFFFFFF60] =	vst v13;
	v9 =	vadd.bf16 v57, v9;
	v58 =	vunpack.i.l.bf16.f32 v14  }
0x3bc: {  	v5 =	vld.idx.msk [tilespmem:v5+s30+$0x0], $0xffff;
	v59 =	vunpack.i.u.bf16.f32 v14;
	[tilespmem:s1+$0xFFFFFFE0] =	vst v58  }
0x3bd: {  	v60 =	vld.idx.msk [tilespmem:v18+s30+$0x0], $0xffff;
	[tilespmem:s1+$0xFFFFFFF0] =	vst v59;
	v61 =	vunpack.i.l.bf16.f32 v9  }
0x3be: {  	v62 =	vld.idx.msk [tilespmem:v12+s30+$0x0], $0xffff;
	v9 =	vunpack.i.u.bf16.f32 v9;
	[tilespmem:s1+$0xE0] =	vst v61  }
0x3bf: {  	v63 =	vld.idx.msk [tilespmem:v17+s30+$0x0], $0xffff;
	[tilespmem:s1+$0xF0] =	vst v9  }
0x3c0: {  	v8 =	vld.idx.msk [tilespmem:v8+s30+$0x0], $0xffff;
	_ =	sdelay $0x1  }
0x3c1: {  	[tilespmem:v6+s18+$0x0] =	vst.idx.add.f32.msk $0x1, v4  }
0x3c2: {  	[tilespmem:v7+s18+$0x0] =	vst.idx.add.f32.msk $0x1, v4  }
0x3c3: {  	[tilespmem:v5+s18+$0x0] =	vst.idx.add.f32.msk $0x1, v4  }
.Ltmp6:
0x3c4: {  	[tilespmem:v60+s18+$0x0] =	vst.idx.add.f32.msk $0x1, v4;
	(pc) =	sbr.rel @p0 .LBB2_12-.Ltmp6, $4  }
0x3c5: {  	[tilespmem:v62+s18+$0x0] =	vst.idx.add.f32.msk $0x1, v4  }
0x3c6: {  	[tilespmem:v63+s18+$0x0] =	vst.idx.add.f32.msk $0x1, v4  }
0x3c7: {  	s28 =	rddreg [dreg:$0x2];
	s29 =	simm.s32 $0x28;
	s31 =	simm.s32 $0x6900;
	[tilespmem:v8+s18+$0x0] =	vst.idx.add.f32.msk $0x1, v4  }
0x3c8: {  	[spmem:s28] =	stream.indirect.scatter.add.f32 [tilespmem:s31], [sflag:$0x4], $0x80, s30, s29, $0xb8;
	[tilespmem:$0x1E500] =	vst v63  }
0x3c9: {  	s4 =	sld [smem:$0x7DF];
	_ =	sdelay $0x1  }
0x3ca: {  	s1 =	sld [smem:$0x7EC]  }
0x3cb: {  	s0 =	smul.u32 $0x50, s4;
	_ =	sdelay $0x1  }
0x3cc: {  	s0 =	sadd.s32 s0, s1  }
0x3cd: {  	s21 =	rddreg [dreg:$0x16];
	s2 =	simm.s32 $0x0;
	s0 =	sshrl.u32 s0, $0x3  }
0x3ce: {  	s3 =	simm.s32 $0x80;
	s22 =	rddreg [dreg:$0x17];
	s1 =	sadd.s32 s21, s0  }
0x3cf: {  	[tilespmem:s3], [sflag:$0x6] =	stream.linear.gather [hbm4b:s1+s2], $0x28, $0x38;
	[tilespmem:$0x1E500] =	vst v63  }
0x3d0: {  	s23 =	simm.s32 $0x180;
	s24 =	rddreg [dreg:$0x18];
	s1 =	sadd.s32 s22, s0  }
0x3d1: {  	[tilespmem:s23], [sflag:$0x6] =	stream.linear.gather [hbm4b:s1+s2], $0x28, $0x38;
	[tilespmem:$0x1E500] =	vst v63  }
0x3d2: {  	s25 =	rddreg [dreg:$0x19];
	s1 =	sadd.s32 s24, s0  }
0x3d3: {  	[tilespmem:s13], [sflag:$0x6] =	stream.linear.gather [hbm4b:s1+s2], $0x28, $0x38;
	[tilespmem:$0x1E500] =	vst v63  }
0x3d4: {  	s26 =	simm.s32 $0x328;
	s28 =	rddreg [dreg:$0x1a];
	s1 =	sadd.s32 s25, s0  }
0x3d5: {  	[tilespmem:s26], [sflag:$0x6] =	stream.linear.gather [hbm4b:s1+s2], $0x28, $0x38;
	[tilespmem:$0x1E500] =	vst v63  }
.Ltmp7:
0x3d6: {  	s29 =	simm.s32 $0x350;
	s30 =	rddreg [dreg:$0x1b];
	(pc) =	sbr.rel .LBB2_6-.Ltmp7, $4  }
0x3d7: {  	s31 =	simm.s32 $0x378;
	s12 =	simm.s32 $0x200;
	s1 =	sadd.s32 s28, s0  }
0x3d8: {  	[tilespmem:s29], [sflag:$0x6] =	stream.linear.gather [hbm4b:s1+s2], $0x28, $0x38;
	[tilespmem:$0x1E500] =	vst v63  }
0x3d9: {  	s14 =	simm.s32 $0x400;
	s4 =	sadd.s32 $0x1, s4;
	s0 =	sadd.s32 s30, s0  }
0x3da: {  	[tilespmem:s31], [sflag:$0x6] =	stream.linear.gather [hbm4b:s0+s2], $0x28, $0x38;
	[tilespmem:$0x1E500] =	vst v63  }
.LBB2_13:
0x3db: {  	_ =	sfence.sel $0x180000  }
0x3dc: {  	[bflag:$0x0] =	sbarrier.arrive $0xFFFF  }
0x3dd: {  	_ =	strace $0x90000047  }
0x3de: {  	s0 =	stileid.u32;
	[bflag:$0x2] =	sbarrier.arrive $0xFFFF  }
0x3df: {  	p0 =	sne.s32 s0, $0x0;
	s0 =	rddreg [dreg:$0x3]  }
0x3e0: {  	s0 =	sadd.s32 @!p0 $0x100000, s0  }
0x3e1: {  	[sflag:s0] =	ssyncadd.tile.s32 @!p0 $0x1;
	_ =	shalt  }
.Lfunc_end2:
_tile_overlayer_lowered:
.L_overlay_start_2:
0x3e2: {  	(tag) =	ssettag $0x2  }
0x3e3: {  	s0 =	rddreg [dreg:$0x0];
	s2 =	stileid.u32  }
0x3e4: {  	s1 =	rddreg [dreg:$0x1];
	p0 =	sne.s32 s2, $0x0  }
0x3e5: {  	s3 =	rddreg [dreg:$0x2];
	[bflag:$0x3] =	sbarrier.arrive $0xFFFF;
	s2 =	simm.s32 @!p0 $0x1C07  }
0x3e6: {  	[timem:s3], [sflag:s2] =	dma.local @!p0 [hbm:s0], s1  }
0x3e7: {  	s0 =	simm.s32 @!p0 $0x7  }
0x3e8: {  	_ =	swait.ge @!p0 [sflag:s0], s1  }
0x3e9: {  	s1 =	ssub.s32 @!p0 $0x0, s1;
	[sflag:s0] =	ssyncset.done @!p0 $0x0  }
0x3ea: {  	[sflag:s0] =	ssyncadd.s32 @!p0 s1  }
0x3eb: {  	[bflag:$0x3] =	sbarrier.arrive $0xFFFF  }
0x3ec: {  	_ =	shalt  }

</sc_bundles>
